<compile_context>
chip_gen: v7x
topology: tpu7x:2x2x1
jax: 0.10.2.dev20260603
libtpu: 0.0.44.dev20260713+nightly
codegen_flags: <defaults>
</compile_context>

<pallas_src>
import functools

import jax
import jax.numpy as jnp
from jax import lax
from jax.experimental import pallas as pl
from jax.experimental.pallas import tpu as pltpu, tpu_sc as plsc

N = 50000
E = 800000
F = 74
FP = 128
H = 256
G = 512
OUT = 2
EPS = 1e-5

TE = 3200
TN = 2000
GE = E // TE
GN = N // TN

NC, NS = 2, 16
NW = NC * NS
EW = E // NW
GCH = 128
RNG = 2048
NRANGES = 26
NPAD = RNG * NRANGES
RPAD = 16
SCH = 2000
ECT = E // NS
DK = 128

_mesh = plsc.VectorSubcoreMesh(core_axis_name="c", subcore_axis_name="s")


@functools.partial(
    pl.kernel, mesh=_mesh,
    out_type=(jax.ShapeDtypeStruct((E, FP), jnp.float32),
              jax.ShapeDtypeStruct((E, FP), jnp.float32)),
    scratch_types=[pltpu.VMEM((GCH,), jnp.int32),
                   pltpu.VMEM((GCH,), jnp.int32),
                   pltpu.VMEM((GCH, FP), jnp.float32),
                   pltpu.VMEM((GCH, FP), jnp.float32),
                   pltpu.SemaphoreType.DMA,
                   pltpu.SemaphoreType.DMA],
)
def _sc_gather(xp_hbm, row_hbm, col_hbm, ar_hbm, ac_hbm,
               idx_a, idx_b, buf_a, buf_b, sem_a, sem_b):
    wid = lax.axis_index("s") * NC + lax.axis_index("c")
    base = wid * EW
    NFULL = EW // GCH
    TAIL = EW - NFULL * GCH

    def step(i, _):
        off = base + i * GCH
        pltpu.sync_copy(row_hbm.at[pl.ds(off, GCH)], idx_a)
        pltpu.sync_copy(col_hbm.at[pl.ds(off, GCH)], idx_b)
        cp_a = pltpu.async_copy(xp_hbm.at[idx_a], buf_a, sem_a)
        cp_b = pltpu.async_copy(xp_hbm.at[idx_b], buf_b, sem_b)
        cp_a.wait()
        pltpu.sync_copy(buf_a, ar_hbm.at[pl.ds(off, GCH)])
        cp_b.wait()
        pltpu.sync_copy(buf_b, ac_hbm.at[pl.ds(off, GCH)])
        return _

    lax.fori_loop(0, NFULL, step, 0)

    if TAIL:
        off = base + NFULL * GCH
        pltpu.sync_copy(row_hbm.at[pl.ds(off, TAIL)],
                        idx_a.at[pl.ds(0, TAIL)])
        pltpu.sync_copy(col_hbm.at[pl.ds(off, TAIL)],
                        idx_b.at[pl.ds(0, TAIL)])
        cp_a = pltpu.async_copy(xp_hbm.at[idx_a.at[pl.ds(0, TAIL)]],
                                buf_a.at[pl.ds(0, TAIL)], sem_a)
        cp_b = pltpu.async_copy(xp_hbm.at[idx_b.at[pl.ds(0, TAIL)]],
                                buf_b.at[pl.ds(0, TAIL)], sem_b)
        cp_a.wait()
        pltpu.sync_copy(buf_a.at[pl.ds(0, TAIL)],
                        ar_hbm.at[pl.ds(off, TAIL)])
        cp_b.wait()
        pltpu.sync_copy(buf_b.at[pl.ds(0, TAIL)],
                        ac_hbm.at[pl.ds(off, TAIL)])


@functools.partial(
    pl.kernel, mesh=_mesh,
    out_type=(jax.ShapeDtypeStruct((NPAD, H), jnp.float32),
              jax.ShapeDtypeStruct((NPAD, 16), jnp.float32)),
    scratch_types=[pltpu.VMEM((SCH,), jnp.int32),
                   pltpu.VMEM((SCH + 160,), jnp.int32),
                   pltpu.VMEM((SCH + 160,), jnp.int32),
                   pltpu.VMEM((DK,), jnp.int32),
                   pltpu.VMEM((DK,), jnp.int32),
                   pltpu.VMEM((DK, H), jnp.float32),
                   pltpu.VMEM((DK, H), jnp.float32),
                   pltpu.VMEM((16, H), jnp.float32),
                   pltpu.VMEM(((RNG + RPAD) // NS, 16), jnp.float32),
                   pltpu.VMEM((DK, 16), jnp.float32),
                   pltpu.VMEM_SHARED((RNG + RPAD, H), jnp.float32),
                   pltpu.VMEM_SHARED((RNG + RPAD, 16), jnp.float32),
                   pltpu.SemaphoreType.DMA,
                   pltpu.SemaphoreType.DMA],
    compiler_params=pltpu.CompilerParams(use_tc_tiling_on_sc=False,
                                         needs_layout_passes=False),
)
def _sc_scatter(g2_hbm, col_hbm, z_hbm, z16_hbm, on_hbm,
                nsum_hbm, ncnt_hbm,
                cbuf, midx, mloc, loc_a, loc_b, dbuf_a, dbuf_b,
                zbuf, z16v, ones_v, acc, cnta, sem_a, sem_b):
    c = lax.axis_index("c")
    s = lax.axis_index("s")
    iota = lax.iota(jnp.int32, 16)
    tbase = s * ECT
    pltpu.sync_copy(z_hbm, zbuf)
    pltpu.sync_copy(z16_hbm, z16v)
    pltpu.sync_copy(on_hbm, ones_v)

    def _drain_one(k0, loc, dbuf, sem):
        for j in range(DK // 16):
            loc[pl.ds(j * 16, 16)] = mloc[pl.ds(k0 * DK + j * 16, 16)]
        return pltpu.async_copy(g2_hbm.at[midx.at[pl.ds(k0 * DK, DK)]],
                                dbuf, sem)

    def _add_one(loc, dbuf):
        pltpu.sync_copy(dbuf, acc.at[loc], add=True)
        pltpu.sync_copy(ones_v, cnta.at[loc], add=True)

    def range_step(r_i, carry_r):
        rng = 2 * r_i + c
        lo = rng * RNG
        def zstep(k, _z):
            pltpu.sync_copy(zbuf,
                            acc.at[pl.ds(s * (RNG // NS) + k * 16, 16)])
            return _z
        lax.fori_loop(0, RNG // NS // 16, zstep, 0)
        pltpu.sync_copy(z16v, cnta.at[pl.ds(s * ((RNG + RPAD) // NS),
                                            (RNG + RPAD) // NS)])
        plsc.subcore_barrier()

        def chunk_step(ch, cur_in):
            ebase = tbase + ch * SCH
            pltpu.sync_copy(col_hbm.at[pl.ds(ebase, SCH)], cbuf)

            def scan_step(v, cur):
                cols = cbuf[pl.ds(v * 16, 16)]
                m = (cols >= lo) & (cols < lo + RNG)
                pre = plsc.cumsum(m.astype(jnp.int32))
                eid = ebase + v * 16 + iota
                dst = jnp.where(m, cur + pre - 1, SCH + 128 + iota)
                plsc.store_scatter(midx, [dst], eid)
                plsc.store_scatter(mloc, [dst], cols - lo)
                return cur + pre[15]

            cur = lax.fori_loop(0, SCH // 16, scan_step, cur_in)
            n128 = cur // DK

            def pair_step(p, _d):
                cp_a = _drain_one(2 * p, loc_a, dbuf_a, sem_a)
                cp_b = _drain_one(2 * p + 1, loc_b, dbuf_b, sem_b)
                cp_a.wait()
                _add_one(loc_a, dbuf_a)
                cp_b.wait()
                _add_one(loc_b, dbuf_b)
                return _d

            lax.fori_loop(0, n128 // 2, pair_step, 0)

            @pl.when(n128 % 2 == 1)
            def _():
                _drain_one(n128 - 1, loc_a, dbuf_a, sem_a).wait()
                _add_one(loc_a, dbuf_a)

            rem = cur - n128 * DK
            for j in range(DK // 16):
                tmp_i = midx[pl.ds(n128 * DK + j * 16, 16)]
                tmp_l = mloc[pl.ds(n128 * DK + j * 16, 16)]
                midx[pl.ds(j * 16, 16)] = tmp_i
                mloc[pl.ds(j * 16, 16)] = tmp_l
            return rem

        rem = lax.fori_loop(0, ECT // SCH, chunk_step, 0)

        for j in range(DK // 16):
            midx[pl.ds(rem + j * 16, 16)] = jnp.zeros((16,), jnp.int32)
            mloc[pl.ds(rem + j * 16, 16)] = jnp.full((16,), RNG, jnp.int32)

        @pl.when(rem > 0)
        def _():
            _drain_one(0, loc_a, dbuf_a, sem_a).wait()
            _add_one(loc_a, dbuf_a)

        plsc.subcore_barrier()

        out0 = rng * RNG + s * (RNG // NS)
        pltpu.sync_copy(acc.at[pl.ds(s * (RNG // NS), RNG // NS)],
                        nsum_hbm.at[pl.ds(out0, RNG // NS)])
        pltpu.sync_copy(cnta.at[pl.ds(s * (RNG // NS), RNG // NS)],
                        ncnt_hbm.at[pl.ds(out0, RNG // NS)])
        plsc.subcore_barrier()
        return carry_r

    lax.fori_loop(0, NRANGES // NC, range_step, 0)


def _full(shape):
    nd = len(shape)
    return pl.BlockSpec(shape, lambda i, _n=nd: (0,) * _n)


def _stats_of(h, stats_ref, i):
    @pl.when(i == 0)
    def _():
        stats_ref[...] = jnp.zeros_like(stats_ref)
    stats_ref[0:1, :] += jnp.sum(h, axis=0, keepdims=True)
    stats_ref[1:2, :] += jnp.sum(h * h, axis=0, keepdims=True)


def _affine(stats, n, g, b):
    m = stats[0] / n
    v = stats[1] / n - m * m
    s = g / jnp.sqrt(v + EPS)
    return s, b - m * s


def _k1(x_ref, stats_ref):
    _stats_of(x_ref[...], stats_ref, pl.program_id(0))


def _k3(ar_ref, ac_ref, w1r_ref, w1c_ref, p_ref, stats_ref):
    h1 = (jnp.dot(ar_ref[...], w1r_ref[...],
                  preferred_element_type=jnp.float32)
          + jnp.dot(ac_ref[...], w1c_ref[...],
                    preferred_element_type=jnp.float32)
          + p_ref[0:1, :])
    _stats_of(h1, stats_ref, pl.program_id(0))


def _k4(ar_ref, ac_ref, w1r_ref, w1c_ref, w2_ref, p_ref, h2_ref, stats_ref):
    h1 = (jnp.dot(ar_ref[...], w1r_ref[...],
                  preferred_element_type=jnp.float32)
          + jnp.dot(ac_ref[...], w1c_ref[...],
                    preferred_element_type=jnp.float32)
          + p_ref[0:1, :])
    e1 = jnp.maximum(h1 * p_ref[1:2, :] + p_ref[2:3, :], 0.0)
    h2 = jnp.dot(e1, w2_ref[...],
                 preferred_element_type=jnp.float32) + p_ref[3:4, :]
    h2_ref[...] = h2
    _stats_of(h2, stats_ref, pl.program_id(0))


def _k5(h2_ref, ar_ref, wx_ref, we_ref, p_ref, g1_ref, stats_ref):
    e = h2_ref[...] * p_ref[0:1, :] + p_ref[1:2, :]
    g1 = (jnp.dot(ar_ref[...], wx_ref[...],
                  preferred_element_type=jnp.float32)
          + jnp.dot(e, we_ref[...], preferred_element_type=jnp.float32)
          + p_ref[2:3, :])
    g1_ref[...] = g1
    _stats_of(g1, stats_ref, pl.program_id(0))


def _k6(g1_ref, w_ref, p_ref, g2_ref, stats_ref):
    f1 = jnp.maximum(g1_ref[...] * p_ref[0:1, :] + p_ref[1:2, :], 0.0)
    g2 = jnp.dot(f1, w_ref[...],
                 preferred_element_type=jnp.float32) + p_ref[2:3, :]
    g2_ref[...] = g2
    _stats_of(g2, stats_ref, pl.program_id(0))


def _k8(x_ref, nsum_ref, ncnt_ref, wx_ref, wa_ref, p_ref, hn1_ref, stats_ref):
    cnt = ncnt_ref[...][:, 0:1]
    mean = nsum_ref[...] / jnp.maximum(cnt, 1.0)
    agg = jnp.where(cnt > 0.0, mean * p_ref[0:1, :] + p_ref[1:2, :], 0.0)
    hn1 = (jnp.dot(x_ref[...], wx_ref[...],
                   preferred_element_type=jnp.float32)
           + jnp.dot(agg, wa_ref[...], preferred_element_type=jnp.float32)
           + p_ref[2:3, :])
    hn1_ref[...] = hn1
    _stats_of(hn1, stats_ref, pl.program_id(0))


_k9 = _k6


def _k10(hn2_ref, b_ref, p_ref, gsum_ref, gcnt_ref):
    i = pl.program_id(0)
    xn = hn2_ref[...] * p_ref[0:1, :] + p_ref[1:2, :]
    b = b_ref[0]
    onehot = (b.reshape(TN, 1)
              == lax.broadcasted_iota(jnp.int32, (TN, G), 1)
              ).astype(jnp.float32)

    @pl.when(i == 0)
    def _():
        gsum_ref[...] = jnp.zeros_like(gsum_ref)
        gcnt_ref[...] = jnp.zeros_like(gcnt_ref)

    gsum_ref[...] += lax.dot_general(onehot, xn, (((0,), (0,)), ((), ())),
                                     preferred_element_type=jnp.float32)
    gcnt_ref[...] += lax.dot_general(onehot, jnp.ones((TN, 8), jnp.float32),
                                     (((0,), (0,)), ((), ())),
                                     preferred_element_type=jnp.float32)


def _k11(gsum_ref, gcnt_ref, w1_ref, p_ref, w2_ref, b2_ref, out_ref):
    cnt = gcnt_ref[...][:, 0:1]
    u = gsum_ref[...] / jnp.maximum(cnt, 1.0)
    uu = jnp.dot(u, w1_ref[...],
                 preferred_element_type=jnp.float32) + p_ref[0:1, :]
    m = jnp.mean(uu, axis=0, keepdims=True)
    v = jnp.mean(uu * uu, axis=0, keepdims=True) - m * m
    uu = (uu - m) / jnp.sqrt(v + EPS) * p_ref[1:2, :] + p_ref[2:3, :]
    uu = jnp.maximum(uu, 0.0)
    out_ref[...] = jnp.dot(uu, w2_ref[...],
                           preferred_element_type=jnp.float32) + b2_ref[0:1, :]


def _rows(*vs):
    w = vs[0].shape[-1]
    out = jnp.zeros((8, w), jnp.float32)
    for i, v in enumerate(vs):
        out = out.at[i].set(v)
    return out


def kernel(x, params, edge_index, batch):
    p = params
    row = edge_index[0]
    col = edge_index[1]
    x_pad = jnp.pad(x, ((0, 0), (0, FP - F)))

    f32 = jnp.float32
    sds = jax.ShapeDtypeStruct

    xstats = pl.pallas_call(
        _k1, grid=(GN,),
        in_specs=[pl.BlockSpec((TN, FP), lambda i: (i, 0))],
        out_specs=_full((8, FP)),
        out_shape=sds((8, FP), f32),
    )(x_pad)
    s0, t0 = _affine(xstats[:, :F], N, p['bn0_g'], p['bn0_b'])
    s0p = jnp.pad(s0, (0, FP - F))
    t0p = jnp.pad(t0, (0, FP - F))

    W1r = jnp.pad((p['eW1'][:, :F] * s0[None, :]).T, ((0, FP - F), (0, 0)))
    W1c = jnp.pad((p['eW1'][:, F:] * s0[None, :]).T, ((0, FP - F), (0, 0)))
    b1 = p['eb1'] + (p['eW1'][:, :F] + p['eW1'][:, F:]) @ t0
    W2e = p['eW2'].T
    W1nx = jnp.pad((p['n1W1'][:, :F] * s0[None, :]).T, ((0, FP - F), (0, 0)))
    W1ne = p['n1W1'][:, F:].T
    c1 = p['n1b1'] + p['n1W1'][:, :F] @ t0
    W2n = p['n1W2'].T
    W2nx = jnp.pad((p['n2W1'][:, :F] * s0[None, :]).T, ((0, FP - F), (0, 0)))
    W2na = p['n2W1'][:, F:].T
    d1 = p['n2b1'] + p['n2W1'][:, :F] @ t0
    W2n2 = p['n2W2'].T

    ar, ac = _sc_gather(x_pad, row, col)

    eblk = pl.BlockSpec((TE, FP), lambda i: (i, 0))
    hblk = pl.BlockSpec((TE, H), lambda i: (i, 0))

    st1 = pl.pallas_call(
        _k3, grid=(GE,),
        in_specs=[eblk, eblk, _full((FP, H)), _full((FP, H)), _full((8, H))],
        out_specs=_full((8, H)),
        out_shape=sds((8, H), f32),
    )(ar, ac, W1r, W1c, _rows(b1))
    s1, t1 = _affine(st1, E, p['ebn1_g'], p['ebn1_b'])

    h2, st2 = pl.pallas_call(
        _k4, grid=(GE,),
        in_specs=[eblk, eblk, _full((FP, H)), _full((FP, H)),
                  _full((H, H)), _full((8, H))],
        out_specs=(hblk, _full((8, H))),
        out_shape=(sds((E, H), f32), sds((8, H), f32)),
    )(ar, ac, W1r, W1c, W2e, _rows(b1, s1, t1, p['eb2']))
    s2, t2 = _affine(st2, E, p['ebn2_g'], p['ebn2_b'])

    g1, st3 = pl.pallas_call(
        _k5, grid=(GE,),
        in_specs=[hblk, eblk, _full((FP, H)), _full((H, H)), _full((8, H))],
        out_specs=(hblk, _full((8, H))),
        out_shape=(sds((E, H), f32), sds((8, H), f32)),
    )(h2, ar, W1nx, W1ne, _rows(s2, t2, c1))
    u1, v1 = _affine(st3, E, p['n1bn1_g'], p['n1bn1_b'])

    g2, st4 = pl.pallas_call(
        _k6, grid=(GE,),
        in_specs=[hblk, _full((H, H)), _full((8, H))],
        out_specs=(hblk, _full((8, H))),
        out_shape=(sds((E, H), f32), sds((8, H), f32)),
    )(g1, W2n, _rows(u1, v1, p['n1b2']))
    u2, v2 = _affine(st4, E, p['n1bn2_g'], p['n1bn2_b'])

    zeros64 = jnp.zeros((16, H), f32)
    zeros16 = jnp.zeros(((RNG + RPAD) // NS, 16), f32)
    ones16 = jnp.ones((DK, 16), f32)
    nsum, ncnt16 = _sc_scatter(g2, col, zeros64, zeros16, ones16)

    nblk = pl.BlockSpec((TN, H), lambda i: (i, 0))

    hn1, st5 = pl.pallas_call(
        _k8, grid=(GN,),
        in_specs=[pl.BlockSpec((TN, FP), lambda i: (i, 0)), nblk,
                  pl.BlockSpec((TN, 16), lambda i: (i, 0)),
                  _full((FP, H)), _full((H, H)), _full((8, H))],
        out_specs=(nblk, _full((8, H))),
        out_shape=(sds((N, H), f32), sds((8, H), f32)),
    )(x_pad, nsum, ncnt16, W2nx, W2na, _rows(u2, v2, d1))
    w1a, z1a = _affine(st5, N, p['n2bn1_g'], p['n2bn1_b'])

    hn2, st6 = pl.pallas_call(
        _k9, grid=(GN,),
        in_specs=[nblk, _full((H, H)), _full((8, H))],
        out_specs=(nblk, _full((8, H))),
        out_shape=(sds((N, H), f32), sds((8, H), f32)),
    )(hn1, W2n2, _rows(w1a, z1a, p['n2b2']))
    w2a, z2a = _affine(st6, N, p['n2bn2_g'], p['n2bn2_b'])

    batch3 = batch.reshape(GN, 1, TN)
    gsum, gcnt = pl.pallas_call(
        _k10, grid=(GN,),
        in_specs=[nblk, pl.BlockSpec((1, 1, TN), lambda i: (i, 0, 0)),
                  _full((8, H))],
        out_specs=(_full((G, H)), _full((G, 8))),
        out_shape=(sds((G, H), f32), sds((G, 8), f32)),
    )(hn2, batch3, _rows(w2a, z2a))

    W2g = jnp.zeros((H, 128), f32).at[:, :OUT].set(p['gW2'].T)
    b2g = jnp.zeros((8, 128), f32).at[0, :OUT].set(p['gb2'])
    outp = pl.pallas_call(
        _k11, grid=(1,),
        in_specs=[_full((G, H)), _full((G, 8)), _full((H, H)),
                  _full((8, H)), _full((H, 128)), _full((8, 128))],
        out_specs=_full((G, 128)),
        out_shape=sds((G, 128), f32),
    )(gsum, gcnt, p['gW1'].T, _rows(p['gb1'], p['gbn1_g'], p['gbn1_b']),
      W2g, b2g)
    return outp[:, :OUT]

# --- scband reference (transcript-rebuilt; emitter-appended) ---
"""Pipeline reference for scband-interaction-network-74096775790914 (READ-ONLY COPY).

The authoritative reference and input builder live on the scoring server;
editing this copy changes nothing except your own understanding.
"""

import jax, jax.numpy as jnp
import numpy as np

N = 50000
E = 800000
F_IN = 74
H = 256
OUT = 2
G = 512
EPS = 1e-5


def _lin_init(key, fin, fout):
    k1, k2 = jax.random.split(key)
    lim = 1.0 / np.sqrt(fin)
    W = jax.random.uniform(k1, (fout, fin), jnp.float32, -lim, lim)
    b = jax.random.uniform(k2, (fout,), jnp.float32, -lim, lim)
    return W, b


def setup_inputs(seed: int = 0):
    key = jax.random.key(seed)
    ks = jax.random.split(key, 16)
    x = jax.random.normal(ks[0], (N, F_IN), jnp.float32)
    edge_index = jax.random.randint(ks[1], (2, E), 0, N, dtype=jnp.int32)
    batch = jnp.sort(jax.random.randint(ks[2], (N,), 0, G, dtype=jnp.int32))
    p = {}
    p['bn0_g'] = jnp.ones((F_IN,), jnp.float32)
    p['bn0_b'] = jnp.zeros((F_IN,), jnp.float32)
    # EdgeBlock: Lin(2*F_IN,H), BN(H), ReLU, Lin(H,H), BN(H)
    p['eW1'], p['eb1'] = _lin_init(ks[3], 2 * F_IN, H)
    p['ebn1_g'] = jnp.ones((H,), jnp.float32); p['ebn1_b'] = jnp.zeros((H,), jnp.float32)
    p['eW2'], p['eb2'] = _lin_init(ks[4], H, H)
    p['ebn2_g'] = jnp.ones((H,), jnp.float32); p['ebn2_b'] = jnp.zeros((H,), jnp.float32)
    # NodeBlock mlp1: Lin(F_IN+H,H), BN, ReLU, Lin(H,H), BN
    p['n1W1'], p['n1b1'] = _lin_init(ks[5], F_IN + H, H)
    p['n1bn1_g'] = jnp.ones((H,), jnp.float32); p['n1bn1_b'] = jnp.zeros((H,), jnp.float32)
    p['n1W2'], p['n1b2'] = _lin_init(ks[6], H, H)
    p['n1bn2_g'] = jnp.ones((H,), jnp.float32); p['n1bn2_b'] = jnp.zeros((H,), jnp.float32)
    # NodeBlock mlp2: Lin(F_IN+H,H), BN, ReLU, Lin(H,H), BN
    p['n2W1'], p['n2b1'] = _lin_init(ks[7], F_IN + H, H)
    p['n2bn1_g'] = jnp.ones((H,), jnp.float32); p['n2bn1_b'] = jnp.zeros((H,), jnp.float32)
    p['n2W2'], p['n2b2'] = _lin_init(ks[8], H, H)
    p['n2bn2_g'] = jnp.ones((H,), jnp.float32); p['n2bn2_b'] = jnp.zeros((H,), jnp.float32)
    # GlobalBlock: Lin(H,H), BN, ReLU, Lin(H,OUT)
    p['gW1'], p['gb1'] = _lin_init(ks[9], H, H)
    p['gbn1_g'] = jnp.ones((H,), jnp.float32); p['gbn1_b'] = jnp.zeros((H,), jnp.float32)
    p['gW2'], p['gb2'] = _lin_init(ks[10], H, OUT)
    return {'x': x, 'params': p, 'edge_index': edge_index, 'batch': batch}


def _bn(h, g, b):
    m = jnp.mean(h, axis=0)
    v = jnp.var(h, axis=0)
    return (h - m) / jnp.sqrt(v + EPS) * g + b


def _segment_mean(data, ids, num_segments):
    s = jax.ops.segment_sum(data, ids, num_segments=num_segments)
    cnt = jax.ops.segment_sum(jnp.ones((data.shape[0],), data.dtype), ids, num_segments=num_segments)
    cnt = jnp.maximum(cnt, 1.0)
    return s / cnt[:, None]


def _forward(x, p, edge_index, batch):
    x = _bn(x, p['bn0_g'], p['bn0_b'])
    row = edge_index[0]
    col = edge_index[1]
    # EdgeBlock
    e = jnp.concatenate([x[row], x[col]], axis=1)
    e = e @ p['eW1'].T + p['eb1']
    e = _bn(e, p['ebn1_g'], p['ebn1_b'])
    e = jax.nn.relu(e)
    e = e @ p['eW2'].T + p['eb2']
    e = _bn(e, p['ebn2_g'], p['ebn2_b'])
    # NodeBlock
    out = jnp.concatenate([x[row], e], axis=1)
    out = out @ p['n1W1'].T + p['n1b1']
    out = _bn(out, p['n1bn1_g'], p['n1bn1_b'])
    out = jax.nn.relu(out)
    out = out @ p['n1W2'].T + p['n1b2']
    out = _bn(out, p['n1bn2_g'], p['n1bn2_b'])
    agg = _segment_mean(out, col, N)
    h = jnp.concatenate([x, agg], axis=1)
    h = h @ p['n2W1'].T + p['n2b1']
    h = _bn(h, p['n2bn1_g'], p['n2bn1_b'])
    h = jax.nn.relu(h)
    h = h @ p['n2W2'].T + p['n2b2']
    x_new = _bn(h, p['n2bn2_g'], p['n2bn2_b'])
    # GlobalBlock
    u = _segment_mean(x_new, batch, G)
    u = u @ p['gW1'].T + p['gb1']
    u = _bn(u, p['gbn1_g'], p['gbn1_b'])
    u = jax.nn.relu(u)
    u = u @ p['gW2'].T + p['gb2']
    return u


def reference(x, params, edge_index, batch):
    return _forward(x, params, edge_index, batch)

if __name__ == "__main__":
    import jax
    _d = setup_inputs()
    print(jax.jit(kernel)(*tuple(_d.values())))

</pallas_src>

<mosaic_0001>
#map = affine_map<(d0, d1) -> (0, 0)>
#map1 = affine_map<(d0, d1) -> (0)>
module attributes {stable_mosaic.version = 14 : i64} {
  func.func @_sc_gather(%arg0: i32, %arg1: i32, %arg2: memref<50000x128xf32, #tpu.memory_space<hbm>>, %arg3: memref<800000xi32, #tpu.memory_space<hbm>>, %arg4: memref<800000xi32, #tpu.memory_space<hbm>>, %arg5: memref<800000x128xf32, #tpu.memory_space<hbm>>, %arg6: memref<800000x128xf32, #tpu.memory_space<hbm>>, %arg7: memref<128xi32, #tpu.memory_space<vmem>>, %arg8: memref<128xi32, #tpu.memory_space<vmem>>, %arg9: memref<128x128xf32, #tpu.memory_space<vmem>>, %arg10: memref<128x128xf32, #tpu.memory_space<vmem>>, %arg11: memref<!tpu.dma_semaphore, #tpu.memory_space<semaphore_mem>>, %arg12: memref<!tpu.dma_semaphore, #tpu.memory_space<semaphore_mem>>) attributes {dimension_semantics = [#tpu.dimension_semantics<core_parallel>, #tpu.dimension_semantics<subcore_parallel>], iteration_bounds = array<i64: 2, 16>, scalar_prefetch = 0 : i64, scratch_operands = 6 : i64, tpu.core_type = #tpu.core_type<sc_vector_subcore>, window_params = [{transform_indices = #map}, {transform_indices = #map1}, {transform_indices = #map1}, {transform_indices = #map}, {transform_indices = #map}]} {
    %mul3A = arith.constant 2 : i32
    %mul3A_0 = arith.muli %arg1, %mul3A : i32
    %add3A = arith.addi %mul3A_0, %arg0 : i32
    %mul3A_1 = arith.constant 25000 : i32
    %mul3A_2 = arith.muli %add3A, %mul3A_1 : i32
    %scan3A = arith.constant 0 : i32
    %scan3A_3 = arith.constant 0 : i32
    %scan3A_4 = arith.constant 195 : i32
    %scan3A_5 = arith.addi %scan3A_3, %scan3A_4 : i32
    %scan3A_6 = arith.constant 1 : i32
    scf.for %scan3A_40 = %scan3A_3 to %scan3A_5 step %scan3A_6  : i32 {
      %mul3A_41 = arith.constant 128 : i32
      %mul3A_42 = arith.muli %scan3A_40, %mul3A_41 : i32
      %add3A_43 = arith.addi %mul3A_2, %mul3A_42 : i32
      "tpu.region"() ({
        %run_scoped3A = tpu.sem_alloc : memref<!tpu.dma_semaphore, #tpu.memory_space<semaphore_mem>>
        %dma_start3A_56 = tpu.memref_slice %arg3[%add3A_43] : memref<800000xi32, #tpu.memory_space<hbm>> -> memref<128xi32, #tpu.memory_space<hbm>>
        %dma_start3A_57 = tpu.memref_slice %arg3[%add3A_43] : memref<800000xi32, #tpu.memory_space<hbm>> -> memref<128xi32, #tpu.memory_space<hbm>>
        tpu.enqueue_dma source(%dma_start3A_57 : memref<128xi32, #tpu.memory_space<hbm>>) target(%arg7 : memref<128xi32, #tpu.memory_space<vmem>>) target_semaphore(%run_scoped3A : memref<!tpu.dma_semaphore, #tpu.memory_space<semaphore_mem>>)
        %dma_wait3A_58 = tpu.memref_slice %arg3[%add3A_43] : memref<800000xi32, #tpu.memory_space<hbm>> -> memref<128xi32, #tpu.memory_space<hbm>>
        %dma_wait3A_59 = tpu.memref_slice %arg3[%add3A_43] : memref<800000xi32, #tpu.memory_space<hbm>> -> memref<128xi32, #tpu.memory_space<hbm>>
        tpu.wait_dma2 semaphore(%run_scoped3A : memref<!tpu.dma_semaphore, #tpu.memory_space<semaphore_mem>>) src(%dma_wait3A_59 : memref<128xi32, #tpu.memory_space<hbm>>) dst(%arg7 : memref<128xi32, #tpu.memory_space<vmem>>)
        tpu.yield
      }) : () -> ()
      "tpu.region"() ({
        %run_scoped3A = tpu.sem_alloc : memref<!tpu.dma_semaphore, #tpu.memory_space<semaphore_mem>>
        %dma_start3A_56 = tpu.memref_slice %arg4[%add3A_43] : memref<800000xi32, #tpu.memory_space<hbm>> -> memref<128xi32, #tpu.memory_space<hbm>>
        %dma_start3A_57 = tpu.memref_slice %arg4[%add3A_43] : memref<800000xi32, #tpu.memory_space<hbm>> -> memref<128xi32, #tpu.memory_space<hbm>>
        tpu.enqueue_dma source(%dma_start3A_57 : memref<128xi32, #tpu.memory_space<hbm>>) target(%arg8 : memref<128xi32, #tpu.memory_space<vmem>>) target_semaphore(%run_scoped3A : memref<!tpu.dma_semaphore, #tpu.memory_space<semaphore_mem>>)
        %dma_wait3A_58 = tpu.memref_slice %arg4[%add3A_43] : memref<800000xi32, #tpu.memory_space<hbm>> -> memref<128xi32, #tpu.memory_space<hbm>>
        %dma_wait3A_59 = tpu.memref_slice %arg4[%add3A_43] : memref<800000xi32, #tpu.memory_space<hbm>> -> memref<128xi32, #tpu.memory_space<hbm>>
        tpu.wait_dma2 semaphore(%run_scoped3A : memref<!tpu.dma_semaphore, #tpu.memory_space<semaphore_mem>>) src(%dma_wait3A_59 : memref<128xi32, #tpu.memory_space<hbm>>) dst(%arg8 : memref<128xi32, #tpu.memory_space<vmem>>)
        tpu.yield
      }) : () -> ()
      %dma_start3A_44 = arith.constant 0 : i32
      %dma_start3A_45 = arith.constant 0 : i32
      %dma_start3A_46 = tpu.memref_slice %arg2[%dma_start3A_44, %dma_start3A_45] : memref<50000x128xf32, #tpu.memory_space<hbm>> -> memref<50000x128xf32, #tpu.memory_space<hbm>>
      tpu.enqueue_indirect_dma source(%dma_start3A_46 : memref<50000x128xf32, #tpu.memory_space<hbm>>) target(%arg9 : memref<128x128xf32, #tpu.memory_space<vmem>>) offsets(%arg7 : memref<128xi32, #tpu.memory_space<vmem>>) semaphore(%arg11 : memref<!tpu.dma_semaphore, #tpu.memory_space<semaphore_mem>>)
      %dma_start3A_47 = arith.constant 0 : i32
      %dma_start3A_48 = arith.constant 0 : i32
      %dma_start3A_49 = tpu.memref_slice %arg2[%dma_start3A_47, %dma_start3A_48] : memref<50000x128xf32, #tpu.memory_space<hbm>> -> memref<50000x128xf32, #tpu.memory_space<hbm>>
      tpu.enqueue_indirect_dma source(%dma_start3A_49 : memref<50000x128xf32, #tpu.memory_space<hbm>>) target(%arg10 : memref<128x128xf32, #tpu.memory_space<vmem>>) offsets(%arg8 : memref<128xi32, #tpu.memory_space<vmem>>) semaphore(%arg12 : memref<!tpu.dma_semaphore, #tpu.memory_space<semaphore_mem>>)
      %dma_wait3A_50 = arith.constant 0 : i32
      %dma_wait3A_51 = arith.constant 0 : i32
      %dma_wait3A_52 = tpu.memref_slice %arg2[%dma_wait3A_50, %dma_wait3A_51] : memref<50000x128xf32, #tpu.memory_space<hbm>> -> memref<50000x128xf32, #tpu.memory_space<hbm>>
      tpu.wait_indirect_dma semaphore(%arg11 : memref<!tpu.dma_semaphore, #tpu.memory_space<semaphore_mem>>) src(%dma_wait3A_52 : memref<50000x128xf32, #tpu.memory_space<hbm>>) dst(%arg9 : memref<128x128xf32, #tpu.memory_space<vmem>>)
      "tpu.region"() ({
        %run_scoped3A = tpu.sem_alloc : memref<!tpu.dma_semaphore, #tpu.memory_space<semaphore_mem>>
        %dma_start3A_56 = arith.constant 0 : i32
        %dma_start3A_57 = tpu.memref_slice %arg5[%add3A_43, %dma_start3A_56] : memref<800000x128xf32, #tpu.memory_space<hbm>> -> memref<128x128xf32, #tpu.memory_space<hbm>>
        %dma_start3A_58 = arith.constant 0 : i32
        %dma_start3A_59 = tpu.memref_slice %arg5[%add3A_43, %dma_start3A_58] : memref<800000x128xf32, #tpu.memory_space<hbm>> -> memref<128x128xf32, #tpu.memory_space<hbm>>
        tpu.enqueue_dma source(%arg9 : memref<128x128xf32, #tpu.memory_space<vmem>>) target(%dma_start3A_59 : memref<128x128xf32, #tpu.memory_space<hbm>>) target_semaphore(%run_scoped3A : memref<!tpu.dma_semaphore, #tpu.memory_space<semaphore_mem>>)
        %dma_wait3A_60 = arith.constant 0 : i32
        %dma_wait3A_61 = tpu.memref_slice %arg5[%add3A_43, %dma_wait3A_60] : memref<800000x128xf32, #tpu.memory_space<hbm>> -> memref<128x128xf32, #tpu.memory_space<hbm>>
        %dma_wait3A_62 = arith.constant 0 : i32
        %dma_wait3A_63 = tpu.memref_slice %arg5[%add3A_43, %dma_wait3A_62] : memref<800000x128xf32, #tpu.memory_space<hbm>> -> memref<128x128xf32, #tpu.memory_space<hbm>>
        tpu.wait_dma2 semaphore(%run_scoped3A : memref<!tpu.dma_semaphore, #tpu.memory_space<semaphore_mem>>) src(%arg9 : memref<128x128xf32, #tpu.memory_space<vmem>>) dst(%dma_wait3A_63 : memref<128x128xf32, #tpu.memory_space<hbm>>)
        tpu.yield
      }) : () -> ()
      %dma_wait3A_53 = arith.constant 0 : i32
      %dma_wait3A_54 = arith.constant 0 : i32
      %dma_wait3A_55 = tpu.memref_slice %arg2[%dma_wait3A_53, %dma_wait3A_54] : memref<50000x128xf32, #tpu.memory_space<hbm>> -> memref<50000x128xf32, #tpu.memory_space<hbm>>
      tpu.wait_indirect_dma semaphore(%arg12 : memref<!tpu.dma_semaphore, #tpu.memory_space<semaphore_mem>>) src(%dma_wait3A_55 : memref<50000x128xf32, #tpu.memory_space<hbm>>) dst(%arg10 : memref<128x128xf32, #tpu.memory_space<vmem>>)
      "tpu.region"() ({
        %run_scoped3A = tpu.sem_alloc : memref<!tpu.dma_semaphore, #tpu.memory_space<semaphore_mem>>
        %dma_start3A_56 = arith.constant 0 : i32
        %dma_start3A_57 = tpu.memref_slice %arg6[%add3A_43, %dma_start3A_56] : memref<800000x128xf32, #tpu.memory_space<hbm>> -> memref<128x128xf32, #tpu.memory_space<hbm>>
        %dma_start3A_58 = arith.constant 0 : i32
        %dma_start3A_59 = tpu.memref_slice %arg6[%add3A_43, %dma_start3A_58] : memref<800000x128xf32, #tpu.memory_space<hbm>> -> memref<128x128xf32, #tpu.memory_space<hbm>>
        tpu.enqueue_dma source(%arg10 : memref<128x128xf32, #tpu.memory_space<vmem>>) target(%dma_start3A_59 : memref<128x128xf32, #tpu.memory_space<hbm>>) target_semaphore(%run_scoped3A : memref<!tpu.dma_semaphore, #tpu.memory_space<semaphore_mem>>)
        %dma_wait3A_60 = arith.constant 0 : i32
        %dma_wait3A_61 = tpu.memref_slice %arg6[%add3A_43, %dma_wait3A_60] : memref<800000x128xf32, #tpu.memory_space<hbm>> -> memref<128x128xf32, #tpu.memory_space<hbm>>
        %dma_wait3A_62 = arith.constant 0 : i32
        %dma_wait3A_63 = tpu.memref_slice %arg6[%add3A_43, %dma_wait3A_62] : memref<800000x128xf32, #tpu.memory_space<hbm>> -> memref<128x128xf32, #tpu.memory_space<hbm>>
        tpu.wait_dma2 semaphore(%run_scoped3A : memref<!tpu.dma_semaphore, #tpu.memory_space<semaphore_mem>>) src(%arg10 : memref<128x128xf32, #tpu.memory_space<vmem>>) dst(%dma_wait3A_63 : memref<128x128xf32, #tpu.memory_space<hbm>>)
        tpu.yield
      }) : () -> ()
    }
    %scan3A_7 = arith.constant 195 : i32
    %add3A_8 = arith.constant 24960 : i32
    %add3A_9 = arith.addi %mul3A_2, %add3A_8 : i32
    "tpu.region"() ({
      %run_scoped3A = tpu.sem_alloc : memref<!tpu.dma_semaphore, #tpu.memory_space<semaphore_mem>>
      %dma_start3A_40 = arith.constant 0 : i32
      %dma_start3A_41 = tpu.memref_slice %arg7[%dma_start3A_40] : memref<128xi32, #tpu.memory_space<vmem>> -> memref<40xi32, #tpu.memory_space<vmem>>
      %dma_start3A_42 = tpu.memref_slice %arg3[%add3A_9] : memref<800000xi32, #tpu.memory_space<hbm>> -> memref<40xi32, #tpu.memory_space<hbm>>
      %dma_start3A_43 = arith.constant 0 : i32
      %dma_start3A_44 = tpu.memref_slice %arg7[%dma_start3A_43] : memref<128xi32, #tpu.memory_space<vmem>> -> memref<40xi32, #tpu.memory_space<vmem>>
      %dma_start3A_45 = tpu.memref_slice %arg3[%add3A_9] : memref<800000xi32, #tpu.memory_space<hbm>> -> memref<40xi32, #tpu.memory_space<hbm>>
      tpu.enqueue_dma source(%dma_start3A_45 : memref<40xi32, #tpu.memory_space<hbm>>) target(%dma_start3A_44 : memref<40xi32, #tpu.memory_space<vmem>>) target_semaphore(%run_scoped3A : memref<!tpu.dma_semaphore, #tpu.memory_space<semaphore_mem>>)
      %dma_wait3A_46 = arith.constant 0 : i32
      %dma_wait3A_47 = tpu.memref_slice %arg7[%dma_wait3A_46] : memref<128xi32, #tpu.memory_space<vmem>> -> memref<40xi32, #tpu.memory_space<vmem>>
      %dma_wait3A_48 = tpu.memref_slice %arg3[%add3A_9] : memref<800000xi32, #tpu.memory_space<hbm>> -> memref<40xi32, #tpu.memory_space<hbm>>
      %dma_wait3A_49 = arith.constant 0 : i32
      %dma_wait3A_50 = tpu.memref_slice %arg7[%dma_wait3A_49] : memref<128xi32, #tpu.memory_space<vmem>> -> memref<40xi32, #tpu.memory_space<vmem>>
      %dma_wait3A_51 = tpu.memref_slice %arg3[%add3A_9] : memref<800000xi32, #tpu.memory_space<hbm>> -> memref<40xi32, #tpu.memory_space<hbm>>
      tpu.wait_dma2 semaphore(%run_scoped3A : memref<!tpu.dma_semaphore, #tpu.memory_space<semaphore_mem>>) src(%dma_wait3A_51 : memref<40xi32, #tpu.memory_space<hbm>>) dst(%dma_wait3A_50 : memref<40xi32, #tpu.memory_space<vmem>>)
      tpu.yield
    }) : () -> ()
    "tpu.region"() ({
      %run_scoped3A = tpu.sem_alloc : memref<!tpu.dma_semaphore, #tpu.memory_space<semaphore_mem>>
      %dma_start3A_40 = arith.constant 0 : i32
      %dma_start3A_41 = tpu.memref_slice %arg8[%dma_start3A_40] : memref<128xi32, #tpu.memory_space<vmem>> -> memref<40xi32, #tpu.memory_space<vmem>>
      %dma_start3A_42 = tpu.memref_slice %arg4[%add3A_9] : memref<800000xi32, #tpu.memory_space<hbm>> -> memref<40xi32, #tpu.memory_space<hbm>>
      %dma_start3A_43 = arith.constant 0 : i32
      %dma_start3A_44 = tpu.memref_slice %arg8[%dma_start3A_43] : memref<128xi32, #tpu.memory_space<vmem>> -> memref<40xi32, #tpu.memory_space<vmem>>
      %dma_start3A_45 = tpu.memref_slice %arg4[%add3A_9] : memref<800000xi32, #tpu.memory_space<hbm>> -> memref<40xi32, #tpu.memory_space<hbm>>
      tpu.enqueue_dma source(%dma_start3A_45 : memref<40xi32, #tpu.memory_space<hbm>>) target(%dma_start3A_44 : memref<40xi32, #tpu.memory_space<vmem>>) target_semaphore(%run_scoped3A : memref<!tpu.dma_semaphore, #tpu.memory_space<semaphore_mem>>)
      %dma_wait3A_46 = arith.constant 0 : i32
      %dma_wait3A_47 = tpu.memref_slice %arg8[%dma_wait3A_46] : memref<128xi32, #tpu.memory_space<vmem>> -> memref<40xi32, #tpu.memory_space<vmem>>
      %dma_wait3A_48 = tpu.memref_slice %arg4[%add3A_9] : memref<800000xi32, #tpu.memory_space<hbm>> -> memref<40xi32, #tpu.memory_space<hbm>>
      %dma_wait3A_49 = arith.constant 0 : i32
      %dma_wait3A_50 = tpu.memref_slice %arg8[%dma_wait3A_49] : memref<128xi32, #tpu.memory_space<vmem>> -> memref<40xi32, #tpu.memory_space<vmem>>
      %dma_wait3A_51 = tpu.memref_slice %arg4[%add3A_9] : memref<800000xi32, #tpu.memory_space<hbm>> -> memref<40xi32, #tpu.memory_space<hbm>>
      tpu.wait_dma2 semaphore(%run_scoped3A : memref<!tpu.dma_semaphore, #tpu.memory_space<semaphore_mem>>) src(%dma_wait3A_51 : memref<40xi32, #tpu.memory_space<hbm>>) dst(%dma_wait3A_50 : memref<40xi32, #tpu.memory_space<vmem>>)
      tpu.yield
    }) : () -> ()
    %dma_start3A = arith.constant 0 : i32
    %dma_start3A_10 = arith.constant 0 : i32
    %dma_start3A_11 = tpu.memref_slice %arg9[%dma_start3A, %dma_start3A_10] : memref<128x128xf32, #tpu.memory_space<vmem>> -> memref<40x128xf32, #tpu.memory_space<vmem>>
    %dma_start3A_12 = arith.constant 0 : i32
    %dma_start3A_13 = tpu.memref_slice %arg7[%dma_start3A_12] : memref<128xi32, #tpu.memory_space<vmem>> -> memref<40xi32, #tpu.memory_space<vmem>>
    %dma_start3A_14 = arith.constant 0 : i32
    %dma_start3A_15 = arith.constant 0 : i32
    %dma_start3A_16 = tpu.memref_slice %arg2[%dma_start3A_14, %dma_start3A_15] : memref<50000x128xf32, #tpu.memory_space<hbm>> -> memref<50000x128xf32, #tpu.memory_space<hbm>>
    tpu.enqueue_indirect_dma source(%dma_start3A_16 : memref<50000x128xf32, #tpu.memory_space<hbm>>) target(%dma_start3A_11 : memref<40x128xf32, #tpu.memory_space<vmem>>) offsets(%dma_start3A_13 : memref<40xi32, #tpu.memory_space<vmem>>) semaphore(%arg11 : memref<!tpu.dma_semaphore, #tpu.memory_space<semaphore_mem>>)
    %dma_start3A_17 = arith.constant 0 : i32
    %dma_start3A_18 = arith.constant 0 : i32
    %dma_start3A_19 = tpu.memref_slice %arg10[%dma_start3A_17, %dma_start3A_18] : memref<128x128xf32, #tpu.memory_space<vmem>> -> memref<40x128xf32, #tpu.memory_space<vmem>>
    %dma_start3A_20 = arith.constant 0 : i32
    %dma_start3A_21 = tpu.memref_slice %arg8[%dma_start3A_20] : memref<128xi32, #tpu.memory_space<vmem>> -> memref<40xi32, #tpu.memory_space<vmem>>
    %dma_start3A_22 = arith.constant 0 : i32
    %dma_start3A_23 = arith.constant 0 : i32
    %dma_start3A_24 = tpu.memref_slice %arg2[%dma_start3A_22, %dma_start3A_23] : memref<50000x128xf32, #tpu.memory_space<hbm>> -> memref<50000x128xf32, #tpu.memory_space<hbm>>
    tpu.enqueue_indirect_dma source(%dma_start3A_24 : memref<50000x128xf32, #tpu.memory_space<hbm>>) target(%dma_start3A_19 : memref<40x128xf32, #tpu.memory_space<vmem>>) offsets(%dma_start3A_21 : memref<40xi32, #tpu.memory_space<vmem>>) semaphore(%arg12 : memref<!tpu.dma_semaphore, #tpu.memory_space<semaphore_mem>>)
    %dma_wait3A = arith.constant 0 : i32
    %dma_wait3A_25 = arith.constant 0 : i32
    %dma_wait3A_26 = tpu.memref_slice %arg9[%dma_wait3A, %dma_wait3A_25] : memref<128x128xf32, #tpu.memory_space<vmem>> -> memref<40x128xf32, #tpu.memory_space<vmem>>
    %dma_wait3A_27 = arith.constant 0 : i32
    %dma_wait3A_28 = tpu.memref_slice %arg7[%dma_wait3A_27] : memref<128xi32, #tpu.memory_space<vmem>> -> memref<40xi32, #tpu.memory_space<vmem>>
    %dma_wait3A_29 = arith.constant 0 : i32
    %dma_wait3A_30 = arith.constant 0 : i32
    %dma_wait3A_31 = tpu.memref_slice %arg2[%dma_wait3A_29, %dma_wait3A_30] : memref<50000x128xf32, #tpu.memory_space<hbm>> -> memref<50000x128xf32, #tpu.memory_space<hbm>>
    tpu.wait_indirect_dma semaphore(%arg11 : memref<!tpu.dma_semaphore, #tpu.memory_space<semaphore_mem>>) src(%dma_wait3A_31 : memref<50000x128xf32, #tpu.memory_space<hbm>>) dst(%dma_wait3A_26 : memref<40x128xf32, #tpu.memory_space<vmem>>)
    "tpu.region"() ({
      %run_scoped3A = tpu.sem_alloc : memref<!tpu.dma_semaphore, #tpu.memory_space<semaphore_mem>>
      %dma_start3A_40 = arith.constant 0 : i32
      %dma_start3A_41 = arith.constant 0 : i32
      %dma_start3A_42 = tpu.memref_slice %arg9[%dma_start3A_40, %dma_start3A_41] : memref<128x128xf32, #tpu.memory_space<vmem>> -> memref<40x128xf32, #tpu.memory_space<vmem>>
      %dma_start3A_43 = arith.constant 0 : i32
      %dma_start3A_44 = tpu.memref_slice %arg5[%add3A_9, %dma_start3A_43] : memref<800000x128xf32, #tpu.memory_space<hbm>> -> memref<40x128xf32, #tpu.memory_space<hbm>>
      %dma_start3A_45 = arith.constant 0 : i32
      %dma_start3A_46 = tpu.memref_slice %arg5[%add3A_9, %dma_start3A_45] : memref<800000x128xf32, #tpu.memory_space<hbm>> -> memref<40x128xf32, #tpu.memory_space<hbm>>
      %dma_start3A_47 = arith.constant 0 : i32
      %dma_start3A_48 = arith.constant 0 : i32
      %dma_start3A_49 = tpu.memref_slice %arg9[%dma_start3A_47, %dma_start3A_48] : memref<128x128xf32, #tpu.memory_space<vmem>> -> memref<40x128xf32, #tpu.memory_space<vmem>>
      tpu.enqueue_dma source(%dma_start3A_49 : memref<40x128xf32, #tpu.memory_space<vmem>>) target(%dma_start3A_46 : memref<40x128xf32, #tpu.memory_space<hbm>>) target_semaphore(%run_scoped3A : memref<!tpu.dma_semaphore, #tpu.memory_space<semaphore_mem>>)
      %dma_wait3A_50 = arith.constant 0 : i32
      %dma_wait3A_51 = arith.constant 0 : i32
      %dma_wait3A_52 = tpu.memref_slice %arg9[%dma_wait3A_50, %dma_wait3A_51] : memref<128x128xf32, #tpu.memory_space<vmem>> -> memref<40x128xf32, #tpu.memory_space<vmem>>
      %dma_wait3A_53 = arith.constant 0 : i32
      %dma_wait3A_54 = tpu.memref_slice %arg5[%add3A_9, %dma_wait3A_53] : memref<800000x128xf32, #tpu.memory_space<hbm>> -> memref<40x128xf32, #tpu.memory_space<hbm>>
      %dma_wait3A_55 = arith.constant 0 : i32
      %dma_wait3A_56 = tpu.memref_slice %arg5[%add3A_9, %dma_wait3A_55] : memref<800000x128xf32, #tpu.memory_space<hbm>> -> memref<40x128xf32, #tpu.memory_space<hbm>>
      %dma_wait3A_57 = arith.constant 0 : i32
      %dma_wait3A_58 = arith.constant 0 : i32
      %dma_wait3A_59 = tpu.memref_slice %arg9[%dma_wait3A_57, %dma_wait3A_58] : memref<128x128xf32, #tpu.memory_space<vmem>> -> memref<40x128xf32, #tpu.memory_space<vmem>>
      tpu.wait_dma2 semaphore(%run_scoped3A : memref<!tpu.dma_semaphore, #tpu.memory_space<semaphore_mem>>) src(%dma_wait3A_59 : memref<40x128xf32, #tpu.memory_space<vmem>>) dst(%dma_wait3A_56 : memref<40x128xf32, #tpu.memory_space<hbm>>)
      tpu.yield
    }) : () -> ()
    %dma_wait3A_32 = arith.constant 0 : i32
    %dma_wait3A_33 = arith.constant 0 : i32
    %dma_wait3A_34 = tpu.memref_slice %arg10[%dma_wait3A_32, %dma_wait3A_33] : memref<128x128xf32, #tpu.memory_space<vmem>> -> memref<40x128xf32, #tpu.memory_space<vmem>>
    %dma_wait3A_35 = arith.constant 0 : i32
    %dma_wait3A_36 = tpu.memref_slice %arg8[%dma_wait3A_35] : memref<128xi32, #tpu.memory_space<vmem>> -> memref<40xi32, #tpu.memory_space<vmem>>
    %dma_wait3A_37 = arith.constant 0 : i32
    %dma_wait3A_38 = arith.constant 0 : i32
    %dma_wait3A_39 = tpu.memref_slice %arg2[%dma_wait3A_37, %dma_wait3A_38] : memref<50000x128xf32, #tpu.memory_space<hbm>> -> memref<50000x128xf32, #tpu.memory_space<hbm>>
    tpu.wait_indirect_dma semaphore(%arg12 : memref<!tpu.dma_semaphore, #tpu.memory_space<semaphore_mem>>) src(%dma_wait3A_39 : memref<50000x128xf32, #tpu.memory_space<hbm>>) dst(%dma_wait3A_34 : memref<40x128xf32, #tpu.memory_space<vmem>>)
    "tpu.region"() ({
      %run_scoped3A = tpu.sem_alloc : memref<!tpu.dma_semaphore, #tpu.memory_space<semaphore_mem>>
      %dma_start3A_40 = arith.constant 0 : i32
      %dma_start3A_41 = arith.constant 0 : i32
      %dma_start3A_42 = tpu.memref_slice %arg10[%dma_start3A_40, %dma_start3A_41] : memref<128x128xf32, #tpu.memory_space<vmem>> -> memref<40x128xf32, #tpu.memory_space<vmem>>
      %dma_start3A_43 = arith.constant 0 : i32
      %dma_start3A_44 = tpu.memref_slice %arg6[%add3A_9, %dma_start3A_43] : memref<800000x128xf32, #tpu.memory_space<hbm>> -> memref<40x128xf32, #tpu.memory_space<hbm>>
      %dma_start3A_45 = arith.constant 0 : i32
      %dma_start3A_46 = tpu.memref_slice %arg6[%add3A_9, %dma_start3A_45] : memref<800000x128xf32, #tpu.memory_space<hbm>> -> memref<40x128xf32, #tpu.memory_space<hbm>>
      %dma_start3A_47 = arith.constant 0 : i32
      %dma_start3A_48 = arith.constant 0 : i32
      %dma_start3A_49 = tpu.memref_slice %arg10[%dma_start3A_47, %dma_start3A_48] : memref<128x128xf32, #tpu.memory_space<vmem>> -> memref<40x128xf32, #tpu.memory_space<vmem>>
      tpu.enqueue_dma source(%dma_start3A_49 : memref<40x128xf32, #tpu.memory_space<vmem>>) target(%dma_start3A_46 : memref<40x128xf32, #tpu.memory_space<hbm>>) target_semaphore(%run_scoped3A : memref<!tpu.dma_semaphore, #tpu.memory_space<semaphore_mem>>)
      %dma_wait3A_50 = arith.constant 0 : i32
      %dma_wait3A_51 = arith.constant 0 : i32
      %dma_wait3A_52 = tpu.memref_slice %arg10[%dma_wait3A_50, %dma_wait3A_51] : memref<128x128xf32, #tpu.memory_space<vmem>> -> memref<40x128xf32, #tpu.memory_space<vmem>>
      %dma_wait3A_53 = arith.constant 0 : i32
      %dma_wait3A_54 = tpu.memref_slice %arg6[%add3A_9, %dma_wait3A_53] : memref<800000x128xf32, #tpu.memory_space<hbm>> -> memref<40x128xf32, #tpu.memory_space<hbm>>
      %dma_wait3A_55 = arith.constant 0 : i32
      %dma_wait3A_56 = tpu.memref_slice %arg6[%add3A_9, %dma_wait3A_55] : memref<800000x128xf32, #tpu.memory_space<hbm>> -> memref<40x128xf32, #tpu.memory_space<hbm>>
      %dma_wait3A_57 = arith.constant 0 : i32
      %dma_wait3A_58 = arith.constant 0 : i32
      %dma_wait3A_59 = tpu.memref_slice %arg10[%dma_wait3A_57, %dma_wait3A_58] : memref<128x128xf32, #tpu.memory_space<vmem>> -> memref<40x128xf32, #tpu.memory_space<vmem>>
      tpu.wait_dma2 semaphore(%run_scoped3A : memref<!tpu.dma_semaphore, #tpu.memory_space<semaphore_mem>>) src(%dma_wait3A_59 : memref<40x128xf32, #tpu.memory_space<vmem>>) dst(%dma_wait3A_56 : memref<40x128xf32, #tpu.memory_space<hbm>>)
      tpu.yield
    }) : () -> ()
    return
  }
}

#map = affine_map<(d0, d1) -> (0, 0)>
#map1 = affine_map<(d0, d1) -> (0)>
module attributes {stable_mosaic.version = 14 : i64} {
  func.func @_sc_scatter(%arg0: i32, %arg1: i32, %arg2: memref<800000x256xf32, #tpu.memory_space<hbm>>, %arg3: memref<800000xi32, #tpu.memory_space<hbm>>, %arg4: memref<16x256xf32, #tpu.memory_space<hbm>>, %arg5: memref<129x16xf32, #tpu.memory_space<hbm>>, %arg6: memref<128x16xf32, #tpu.memory_space<hbm>>, %arg7: memref<53248x256xf32, #tpu.memory_space<hbm>>, %arg8: memref<53248x16xf32, #tpu.memory_space<hbm>>, %arg9: memref<2000xi32, #tpu.memory_space<vmem>>, %arg10: memref<2160xi32, #tpu.memory_space<vmem>>, %arg11: memref<2160xi32, #tpu.memory_space<vmem>>, %arg12: memref<128xi32, #tpu.memory_space<vmem>>, %arg13: memref<128xi32, #tpu.memory_space<vmem>>, %arg14: memref<128x256xf32, #tpu.memory_space<vmem>>, %arg15: memref<128x256xf32, #tpu.memory_space<vmem>>, %arg16: memref<16x256xf32, #tpu.memory_space<vmem>>, %arg17: memref<129x16xf32, #tpu.memory_space<vmem>>, %arg18: memref<128x16xf32, #tpu.memory_space<vmem>>, %arg19: memref<2064x256xf32, #tpu.memory_space<vmem_shared>>, %arg20: memref<2064x16xf32, #tpu.memory_space<vmem_shared>>, %arg21: memref<!tpu.dma_semaphore, #tpu.memory_space<semaphore_mem>>, %arg22: memref<!tpu.dma_semaphore, #tpu.memory_space<semaphore_mem>>) attributes {dimension_semantics = [#tpu.dimension_semantics<core_parallel>, #tpu.dimension_semantics<subcore_parallel>], iteration_bounds = array<i64: 2, 16>, scalar_prefetch = 0 : i64, scratch_operands = 14 : i64, tpu.core_type = #tpu.core_type<sc_vector_subcore>, window_params = [{transform_indices = #map}, {transform_indices = #map1}, {transform_indices = #map}, {transform_indices = #map}, {transform_indices = #map}, {transform_indices = #map}, {transform_indices = #map}]} {
    %iota3A = tpu.iota {dimensions = array<i32: 0>} : vector<16xi32>
    %mul3A = arith.constant 50000 : i32
    %mul3A_0 = arith.muli %arg1, %mul3A : i32
    "tpu.region"() ({
      %run_scoped3A = tpu.sem_alloc : memref<!tpu.dma_semaphore, #tpu.memory_space<semaphore_mem>>
      tpu.enqueue_dma source(%arg4 : memref<16x256xf32, #tpu.memory_space<hbm>>) target(%arg16 : memref<16x256xf32, #tpu.memory_space<vmem>>) target_semaphore(%run_scoped3A : memref<!tpu.dma_semaphore, #tpu.memory_space<semaphore_mem>>)
      tpu.wait_dma2 semaphore(%run_scoped3A : memref<!tpu.dma_semaphore, #tpu.memory_space<semaphore_mem>>) src(%arg4 : memref<16x256xf32, #tpu.memory_space<hbm>>) dst(%arg16 : memref<16x256xf32, #tpu.memory_space<vmem>>)
      tpu.yield
    }) : () -> ()
    "tpu.region"() ({
      %run_scoped3A = tpu.sem_alloc : memref<!tpu.dma_semaphore, #tpu.memory_space<semaphore_mem>>
      tpu.enqueue_dma source(%arg5 : memref<129x16xf32, #tpu.memory_space<hbm>>) target(%arg17 : memref<129x16xf32, #tpu.memory_space<vmem>>) target_semaphore(%run_scoped3A : memref<!tpu.dma_semaphore, #tpu.memory_space<semaphore_mem>>)
      tpu.wait_dma2 semaphore(%run_scoped3A : memref<!tpu.dma_semaphore, #tpu.memory_space<semaphore_mem>>) src(%arg5 : memref<129x16xf32, #tpu.memory_space<hbm>>) dst(%arg17 : memref<129x16xf32, #tpu.memory_space<vmem>>)
      tpu.yield
    }) : () -> ()
    "tpu.region"() ({
      %run_scoped3A = tpu.sem_alloc : memref<!tpu.dma_semaphore, #tpu.memory_space<semaphore_mem>>
      tpu.enqueue_dma source(%arg6 : memref<128x16xf32, #tpu.memory_space<hbm>>) target(%arg18 : memref<128x16xf32, #tpu.memory_space<vmem>>) target_semaphore(%run_scoped3A : memref<!tpu.dma_semaphore, #tpu.memory_space<semaphore_mem>>)
      tpu.wait_dma2 semaphore(%run_scoped3A : memref<!tpu.dma_semaphore, #tpu.memory_space<semaphore_mem>>) src(%arg6 : memref<128x16xf32, #tpu.memory_space<hbm>>) dst(%arg18 : memref<128x16xf32, #tpu.memory_space<vmem>>)
      tpu.yield
    }) : () -> ()
    %scan3A = arith.constant 0 : i32
    %scan3A_1 = arith.constant 0 : i32
    %scan3A_2 = arith.constant 13 : i32
    %scan3A_3 = arith.addi %scan3A_1, %scan3A_2 : i32
    %scan3A_4 = arith.constant 1 : i32
    scf.for %scan3A_6 = %scan3A_1 to %scan3A_3 step %scan3A_4  : i32 {
      %mul3A_7 = arith.constant 2 : i32
      %mul3A_8 = arith.muli %mul3A_7, %scan3A_6 : i32
      %add3A = arith.addi %mul3A_8, %arg0 : i32
      %mul3A_9 = arith.constant 2048 : i32
      %mul3A_10 = arith.muli %add3A, %mul3A_9 : i32
      %scan3A_11 = arith.constant 0 : i32
      %scan3A_12 = arith.constant 0 : i32
      %scan3A_13 = arith.constant 8 : i32
      %scan3A_14 = arith.addi %scan3A_12, %scan3A_13 : i32
      %scan3A_15 = arith.constant 1 : i32
      scf.for %scan3A_133 = %scan3A_12 to %scan3A_14 step %scan3A_15  : i32 {
        %mul3A_134 = arith.constant 128 : i32
        %mul3A_135 = arith.muli %arg1, %mul3A_134 : i32
        %mul3A_136 = arith.constant 16 : i32
        %mul3A_137 = arith.muli %scan3A_133, %mul3A_136 : i32
        %add3A_138 = arith.addi %mul3A_135, %mul3A_137 : i32
        "tpu.region"() ({
          %run_scoped3A = tpu.sem_alloc : memref<!tpu.dma_semaphore, #tpu.memory_space<semaphore_mem>>
          %dma_start3A = arith.constant 0 : i32
          %dma_start3A_139 = tpu.memref_slice %arg19[%add3A_138, %dma_start3A] : memref<2064x256xf32, #tpu.memory_space<vmem_shared>> -> memref<16x256xf32, #tpu.memory_space<vmem_shared>>
          %dma_start3A_140 = arith.constant 0 : i32
          %dma_start3A_141 = tpu.memref_slice %arg19[%add3A_138, %dma_start3A_140] : memref<2064x256xf32, #tpu.memory_space<vmem_shared>> -> memref<16x256xf32, #tpu.memory_space<vmem_shared>>
          tpu.enqueue_dma source(%arg16 : memref<16x256xf32, #tpu.memory_space<vmem>>) target(%dma_start3A_141 : memref<16x256xf32, #tpu.memory_space<vmem_shared>>) target_semaphore(%run_scoped3A : memref<!tpu.dma_semaphore, #tpu.memory_space<semaphore_mem>>)
          %dma_wait3A = arith.constant 0 : i32
          %dma_wait3A_142 = tpu.memref_slice %arg19[%add3A_138, %dma_wait3A] : memref<2064x256xf32, #tpu.memory_space<vmem_shared>> -> memref<16x256xf32, #tpu.memory_space<vmem_shared>>
          %dma_wait3A_143 = arith.constant 0 : i32
          %dma_wait3A_144 = tpu.memref_slice %arg19[%add3A_138, %dma_wait3A_143] : memref<2064x256xf32, #tpu.memory_space<vmem_shared>> -> memref<16x256xf32, #tpu.memory_space<vmem_shared>>
          tpu.wait_dma2 semaphore(%run_scoped3A : memref<!tpu.dma_semaphore, #tpu.memory_space<semaphore_mem>>) src(%arg16 : memref<16x256xf32, #tpu.memory_space<vmem>>) dst(%dma_wait3A_144 : memref<16x256xf32, #tpu.memory_space<vmem_shared>>)
          tpu.yield
        }) : () -> ()
      }
      %scan3A_16 = arith.constant 8 : i32
      %mul3A_17 = arith.constant 129 : i32
      %mul3A_18 = arith.muli %arg1, %mul3A_17 : i32
      "tpu.region"() ({
        %run_scoped3A = tpu.sem_alloc : memref<!tpu.dma_semaphore, #tpu.memory_space<semaphore_mem>>
        %dma_start3A = arith.constant 0 : i32
        %dma_start3A_133 = tpu.memref_slice %arg20[%mul3A_18, %dma_start3A] : memref<2064x16xf32, #tpu.memory_space<vmem_shared>> -> memref<129x16xf32, #tpu.memory_space<vmem_shared>>
        %dma_start3A_134 = arith.constant 0 : i32
        %dma_start3A_135 = tpu.memref_slice %arg20[%mul3A_18, %dma_start3A_134] : memref<2064x16xf32, #tpu.memory_space<vmem_shared>> -> memref<129x16xf32, #tpu.memory_space<vmem_shared>>
        tpu.enqueue_dma source(%arg17 : memref<129x16xf32, #tpu.memory_space<vmem>>) target(%dma_start3A_135 : memref<129x16xf32, #tpu.memory_space<vmem_shared>>) target_semaphore(%run_scoped3A : memref<!tpu.dma_semaphore, #tpu.memory_space<semaphore_mem>>)
        %dma_wait3A = arith.constant 0 : i32
        %dma_wait3A_136 = tpu.memref_slice %arg20[%mul3A_18, %dma_wait3A] : memref<2064x16xf32, #tpu.memory_space<vmem_shared>> -> memref<129x16xf32, #tpu.memory_space<vmem_shared>>
        %dma_wait3A_137 = arith.constant 0 : i32
        %dma_wait3A_138 = tpu.memref_slice %arg20[%mul3A_18, %dma_wait3A_137] : memref<2064x16xf32, #tpu.memory_space<vmem_shared>> -> memref<129x16xf32, #tpu.memory_space<vmem_shared>>
        tpu.wait_dma2 semaphore(%run_scoped3A : memref<!tpu.dma_semaphore, #tpu.memory_space<semaphore_mem>>) src(%arg17 : memref<129x16xf32, #tpu.memory_space<vmem>>) dst(%dma_wait3A_138 : memref<129x16xf32, #tpu.memory_space<vmem_shared>>)
        tpu.yield
      }) : () -> ()
      %barrier3A = arith.constant 0 : index
      tpu.barrier barrier_id(%barrier3A)
      %scan3A_19 = arith.constant 0 : i32
      %scan3A_20 = arith.constant 0 : i32
      %scan3A_21 = arith.constant 25 : i32
      %scan3A_22 = arith.addi %scan3A_20, %scan3A_21 : i32
      %scan3A_23 = arith.constant 1 : i32
      %scan3A_24 = scf.for %scan3A_133 = %scan3A_20 to %scan3A_22 step %scan3A_23 iter_args(%scan3A_134 = %scan3A_19) -> (i32)  : i32 {
        %mul3A_135 = arith.constant 2000 : i32
        %mul3A_136 = arith.muli %scan3A_133, %mul3A_135 : i32
        %add3A_137 = arith.addi %mul3A_0, %mul3A_136 : i32
        "tpu.region"() ({
          %run_scoped3A = tpu.sem_alloc : memref<!tpu.dma_semaphore, #tpu.memory_space<semaphore_mem>>
          %dma_start3A = tpu.memref_slice %arg3[%add3A_137] : memref<800000xi32, #tpu.memory_space<hbm>> -> memref<2000xi32, #tpu.memory_space<hbm>>
          %dma_start3A_342 = tpu.memref_slice %arg3[%add3A_137] : memref<800000xi32, #tpu.memory_space<hbm>> -> memref<2000xi32, #tpu.memory_space<hbm>>
          tpu.enqueue_dma source(%dma_start3A_342 : memref<2000xi32, #tpu.memory_space<hbm>>) target(%arg9 : memref<2000xi32, #tpu.memory_space<vmem>>) target_semaphore(%run_scoped3A : memref<!tpu.dma_semaphore, #tpu.memory_space<semaphore_mem>>)
          %dma_wait3A = tpu.memref_slice %arg3[%add3A_137] : memref<800000xi32, #tpu.memory_space<hbm>> -> memref<2000xi32, #tpu.memory_space<hbm>>
          %dma_wait3A_343 = tpu.memref_slice %arg3[%add3A_137] : memref<800000xi32, #tpu.memory_space<hbm>> -> memref<2000xi32, #tpu.memory_space<hbm>>
          tpu.wait_dma2 semaphore(%run_scoped3A : memref<!tpu.dma_semaphore, #tpu.memory_space<semaphore_mem>>) src(%dma_wait3A_343 : memref<2000xi32, #tpu.memory_space<hbm>>) dst(%arg9 : memref<2000xi32, #tpu.memory_space<vmem>>)
          tpu.yield
        }) : () -> ()
        %scan3A_138 = arith.constant 0 : i32
        %scan3A_139 = arith.constant 125 : i32
        %scan3A_140 = arith.addi %scan3A_138, %scan3A_139 : i32
        %scan3A_141 = arith.constant 1 : i32
        %scan3A_142 = scf.for %scan3A_342 = %scan3A_138 to %scan3A_140 step %scan3A_141 iter_args(%scan3A_343 = %scan3A_134) -> (i32)  : i32 {
          %mul3A_344 = arith.constant 16 : i32
          %mul3A_345 = arith.muli %scan3A_342, %mul3A_344 : i32
          %get3A_346 = arith.index_cast %mul3A_345 : i32 to index
          %get3A_347 = tpu.vector_load %arg9[%get3A_346] {strides = array<i32>} : memref<2000xi32, #tpu.memory_space<vmem>>, vector<16xi32>,
          %ge3A = vector.broadcast %mul3A_10 : i32 to vector<16xi32>
          %ge3A_348 = arith.cmpi sge, %get3A_347, %ge3A : vector<16xi32>
          %add3A_349 = arith.constant 2048 : i32
          %add3A_350 = arith.addi %mul3A_10, %add3A_349 : i32
          %lt3A_351 = vector.broadcast %add3A_350 : i32 to vector<16xi32>
          %lt3A_352 = arith.cmpi slt, %get3A_347, %lt3A_351 : vector<16xi32>
          %and3A_353 = arith.andi %ge3A_348, %lt3A_352 : vector<16xi1>
          %convert_element_type3A_354 = arith.extui %and3A_353 : vector<16xi1> to vector<16xi32>
          %broadcast_in_dim3A_355 = arith.constant true
          %broadcast_in_dim3A_356 = vector.broadcast %broadcast_in_dim3A_355 : i1 to vector<16xi1>
          %masked_cumsum3A = tpu.scan <sum>, %convert_element_type3A_354 masked %broadcast_in_dim3A_356 : vector<16xi32>, vector<16xi1> -> vector<16xi32>
          %mul3A_357 = arith.constant 16 : i32
          %mul3A_358 = arith.muli %scan3A_342, %mul3A_357 : i32
          %add3A_359 = arith.addi %add3A_137, %mul3A_358 : i32
          %add3A_360 = vector.broadcast %add3A_359 : i32 to vector<16xi32>
          %add3A_361 = arith.addi %add3A_360, %iota3A : vector<16xi32>
          %add3A_362 = vector.broadcast %scan3A_343 : i32 to vector<16xi32>
          %add3A_363 = arith.addi %add3A_362, %masked_cumsum3A : vector<16xi32>
          %sub3A_364 = arith.constant 1 : i32
          %sub3A_365 = vector.broadcast %sub3A_364 : i32 to vector<16xi32>
          %sub3A_366 = arith.subi %add3A_363, %sub3A_365 : vector<16xi32>
          %add3A_367 = arith.constant 2128 : i32
          %add3A_368 = vector.broadcast %add3A_367 : i32 to vector<16xi32>
          %add3A_369 = arith.addi %add3A_368, %iota3A : vector<16xi32>
          %select_n3A_370 = arith.select %and3A_353, %sub3A_366, %add3A_369 : vector<16xi1>, vector<16xi32>
          tpu.vector_store_idx %arg10[%select_n3A_370], %add3A_361 : memref<2160xi32, #tpu.memory_space<vmem>>[vector<16xi32>], vector<16xi32>,
          %sub3A_371 = vector.broadcast %mul3A_10 : i32 to vector<16xi32>
          %sub3A_372 = arith.subi %get3A_347, %sub3A_371 : vector<16xi32>
          tpu.vector_store_idx %arg11[%select_n3A_370], %sub3A_372 : memref<2160xi32, #tpu.memory_space<vmem>>[vector<16xi32>], vector<16xi32>,
          %slice3A = vector.extract_strided_slice %masked_cumsum3A {offsets = [15], sizes = [1], strides = [1]} : vector<16xi32> to vector<1xi32>
          %squeeze3A = vector.extract %slice3A[0] : i32 from vector<1xi32>
          %add3A_373 = arith.addi %scan3A_343, %squeeze3A : i32
          scf.yield %add3A_373 : i32
        }
        %scan3A_143 = arith.constant 125 : i32
        %jit3A = arith.constant 128 : i32
        %div3A = arith.divsi %scan3A_142, %jit3A : i32
        %sign3A = arith.constant 0 : i32
        %sign3A_144 = arith.cmpi sgt, %scan3A_142, %sign3A : i32
        %sign3A_145 = arith.extui %sign3A_144 : i1 to i32
        %sign3A_146 = arith.constant 0 : i32
        %sign3A_147 = arith.cmpi slt, %scan3A_142, %sign3A_146 : i32
        %sign3A_148 = arith.extui %sign3A_147 : i1 to i32
        %sign3A_149 = arith.subi %sign3A_145, %sign3A_148 : i32
        %sign3A_150 = arith.constant 0 : i32
        %sign3A_151 = arith.cmpi sgt, %jit3A, %sign3A_150 : i32
        %sign3A_152 = arith.extui %sign3A_151 : i1 to i32
        %sign3A_153 = arith.constant 0 : i32
        %sign3A_154 = arith.cmpi slt, %jit3A, %sign3A_153 : i32
        %sign3A_155 = arith.extui %sign3A_154 : i1 to i32
        %sign3A_156 = arith.subi %sign3A_152, %sign3A_155 : i32
        %ne3A = arith.cmpi ne, %sign3A_149, %sign3A_156 : i32
        %rem3A = arith.remsi %scan3A_142, %jit3A : i32
        %ne3A_157 = arith.constant 0 : i32
        %ne3A_158 = arith.cmpi ne, %rem3A, %ne3A_157 : i32
        %and3A = arith.andi %ne3A, %ne3A_158 : i1
        %sub3A = arith.constant 1 : i32
        %sub3A_159 = arith.subi %div3A, %sub3A : i32
        %select_n3A = arith.select %and3A, %sub3A_159, %div3A : i32
        %jit3A_160 = arith.constant 2 : i32
        %div3A_161 = arith.divsi %select_n3A, %jit3A_160 : i32
        %sign3A_162 = arith.constant 0 : i32
        %sign3A_163 = arith.cmpi sgt, %select_n3A, %sign3A_162 : i32
        %sign3A_164 = arith.extui %sign3A_163 : i1 to i32
        %sign3A_165 = arith.constant 0 : i32
        %sign3A_166 = arith.cmpi slt, %select_n3A, %sign3A_165 : i32
        %sign3A_167 = arith.extui %sign3A_166 : i1 to i32
        %sign3A_168 = arith.subi %sign3A_164, %sign3A_167 : i32
        %sign3A_169 = arith.constant 0 : i32
        %sign3A_170 = arith.cmpi sgt, %jit3A_160, %sign3A_169 : i32
        %sign3A_171 = arith.extui %sign3A_170 : i1 to i32
        %sign3A_172 = arith.constant 0 : i32
        %sign3A_173 = arith.cmpi slt, %jit3A_160, %sign3A_172 : i32
        %sign3A_174 = arith.extui %sign3A_173 : i1 to i32
        %sign3A_175 = arith.subi %sign3A_171, %sign3A_174 : i32
        %ne3A_176 = arith.cmpi ne, %sign3A_168, %sign3A_175 : i32
        %rem3A_177 = arith.remsi %select_n3A, %jit3A_160 : i32
        %ne3A_178 = arith.constant 0 : i32
        %ne3A_179 = arith.cmpi ne, %rem3A_177, %ne3A_178 : i32
        %and3A_180 = arith.andi %ne3A_176, %ne3A_179 : i1
        %sub3A_181 = arith.constant 1 : i32
        %sub3A_182 = arith.subi %div3A_161, %sub3A_181 : i32
        %select_n3A_183 = arith.select %and3A_180, %sub3A_182, %div3A_161 : i32
        %while3A = arith.constant 0 : i32
        %while3A_184 = arith.constant 0 : i32
        %while3A_185 = arith.subi %select_n3A_183, %while3A_184 : i32
        %while3A_186 = arith.addi %while3A_184, %while3A_185 : i32
        %while3A_187 = arith.constant 1 : i32
        %while3A_188 = arith.divsi %while3A_185, %while3A_187 : i32
        %while3A_189 = arith.muli %while3A_188, %while3A_187 : i32
        %while3A_190 = arith.addi %while3A_184, %while3A_189 : i32
        %while3A_191 = arith.constant 1 : i32
        scf.for %while3A_342 = %while3A_184 to %while3A_190 step %while3A_191  : i32 {
          %mul3A_343 = arith.constant 2 : i32
          %mul3A_344 = arith.muli %mul3A_343, %while3A_342 : i32
          %mul3A_345 = arith.constant 128 : i32
          %mul3A_346 = arith.muli %mul3A_344, %mul3A_345 : i32
          %add3A_347 = arith.constant 0 : i32
          %add3A_348 = arith.addi %mul3A_346, %add3A_347 : i32
          %get3A_349 = arith.index_cast %add3A_348 : i32 to index
          %get3A_350 = tpu.vector_load %arg11[%get3A_349] {strides = array<i32>} : memref<2160xi32, #tpu.memory_space<vmem>>, vector<16xi32>,
          %swap3A_351 = arith.constant 0 : index
          %swap3A_352 = tpu.vector_load %arg12[%swap3A_351] {strides = array<i32>} : memref<128xi32, #tpu.memory_space<vmem>>, vector<16xi32>,
          tpu.vector_store %arg12[%swap3A_351], %get3A_350 {strides = array<i32>} : memref<128xi32, #tpu.memory_space<vmem>>, vector<16xi32>,
          %mul3A_353 = arith.constant 128 : i32
          %mul3A_354 = arith.muli %mul3A_344, %mul3A_353 : i32
          %add3A_355 = arith.constant 16 : i32
          %add3A_356 = arith.addi %mul3A_354, %add3A_355 : i32
          %get3A_357 = arith.index_cast %add3A_356 : i32 to index
          %get3A_358 = tpu.vector_load %arg11[%get3A_357] {strides = array<i32>} : memref<2160xi32, #tpu.memory_space<vmem>>, vector<16xi32>,
          %swap3A_359 = arith.constant 16 : index
          %swap3A_360 = tpu.vector_load %arg12[%swap3A_359] {strides = array<i32>} : memref<128xi32, #tpu.memory_space<vmem>>, vector<16xi32>,
          tpu.vector_store %arg12[%swap3A_359], %get3A_358 {strides = array<i32>} : memref<128xi32, #tpu.memory_space<vmem>>, vector<16xi32>,
          %mul3A_361 = arith.constant 128 : i32
          %mul3A_362 = arith.muli %mul3A_344, %mul3A_361 : i32
          %add3A_363 = arith.constant 32 : i32
          %add3A_364 = arith.addi %mul3A_362, %add3A_363 : i32
          %get3A_365 = arith.index_cast %add3A_364 : i32 to index
          %get3A_366 = tpu.vector_load %arg11[%get3A_365] {strides = array<i32>} : memref<2160xi32, #tpu.memory_space<vmem>>, vector<16xi32>,
          %swap3A_367 = arith.constant 32 : index
          %swap3A_368 = tpu.vector_load %arg12[%swap3A_367] {strides = array<i32>} : memref<128xi32, #tpu.memory_space<vmem>>, vector<16xi32>,
          tpu.vector_store %arg12[%swap3A_367], %get3A_366 {strides = array<i32>} : memref<128xi32, #tpu.memory_space<vmem>>, vector<16xi32>,
          %mul3A_369 = arith.constant 128 : i32
          %mul3A_370 = arith.muli %mul3A_344, %mul3A_369 : i32
          %add3A_371 = arith.constant 48 : i32
          %add3A_372 = arith.addi %mul3A_370, %add3A_371 : i32
          %get3A_373 = arith.index_cast %add3A_372 : i32 to index
          %get3A_374 = tpu.vector_load %arg11[%get3A_373] {strides = array<i32>} : memref<2160xi32, #tpu.memory_space<vmem>>, vector<16xi32>,
          %swap3A_375 = arith.constant 48 : index
          %swap3A_376 = tpu.vector_load %arg12[%swap3A_375] {strides = array<i32>} : memref<128xi32, #tpu.memory_space<vmem>>, vector<16xi32>,
          tpu.vector_store %arg12[%swap3A_375], %get3A_374 {strides = array<i32>} : memref<128xi32, #tpu.memory_space<vmem>>, vector<16xi32>,
          %mul3A_377 = arith.constant 128 : i32
          %mul3A_378 = arith.muli %mul3A_344, %mul3A_377 : i32
          %add3A_379 = arith.constant 64 : i32
          %add3A_380 = arith.addi %mul3A_378, %add3A_379 : i32
          %get3A_381 = arith.index_cast %add3A_380 : i32 to index
          %get3A_382 = tpu.vector_load %arg11[%get3A_381] {strides = array<i32>} : memref<2160xi32, #tpu.memory_space<vmem>>, vector<16xi32>,
          %swap3A_383 = arith.constant 64 : index
          %swap3A_384 = tpu.vector_load %arg12[%swap3A_383] {strides = array<i32>} : memref<128xi32, #tpu.memory_space<vmem>>, vector<16xi32>,
          tpu.vector_store %arg12[%swap3A_383], %get3A_382 {strides = array<i32>} : memref<128xi32, #tpu.memory_space<vmem>>, vector<16xi32>,
          %mul3A_385 = arith.constant 128 : i32
          %mul3A_386 = arith.muli %mul3A_344, %mul3A_385 : i32
          %add3A_387 = arith.constant 80 : i32
          %add3A_388 = arith.addi %mul3A_386, %add3A_387 : i32
          %get3A_389 = arith.index_cast %add3A_388 : i32 to index
          %get3A_390 = tpu.vector_load %arg11[%get3A_389] {strides = array<i32>} : memref<2160xi32, #tpu.memory_space<vmem>>, vector<16xi32>,
          %swap3A_391 = arith.constant 80 : index
          %swap3A_392 = tpu.vector_load %arg12[%swap3A_391] {strides = array<i32>} : memref<128xi32, #tpu.memory_space<vmem>>, vector<16xi32>,
          tpu.vector_store %arg12[%swap3A_391], %get3A_390 {strides = array<i32>} : memref<128xi32, #tpu.memory_space<vmem>>, vector<16xi32>,
          %mul3A_393 = arith.constant 128 : i32
          %mul3A_394 = arith.muli %mul3A_344, %mul3A_393 : i32
          %add3A_395 = arith.constant 96 : i32
          %add3A_396 = arith.addi %mul3A_394, %add3A_395 : i32
          %get3A_397 = arith.index_cast %add3A_396 : i32 to index
          %get3A_398 = tpu.vector_load %arg11[%get3A_397] {strides = array<i32>} : memref<2160xi32, #tpu.memory_space<vmem>>, vector<16xi32>,
          %swap3A_399 = arith.constant 96 : index
          %swap3A_400 = tpu.vector_load %arg12[%swap3A_399] {strides = array<i32>} : memref<128xi32, #tpu.memory_space<vmem>>, vector<16xi32>,
          tpu.vector_store %arg12[%swap3A_399], %get3A_398 {strides = array<i32>} : memref<128xi32, #tpu.memory_space<vmem>>, vector<16xi32>,
          %mul3A_401 = arith.constant 128 : i32
          %mul3A_402 = arith.muli %mul3A_344, %mul3A_401 : i32
          %add3A_403 = arith.constant 112 : i32
          %add3A_404 = arith.addi %mul3A_402, %add3A_403 : i32
          %get3A_405 = arith.index_cast %add3A_404 : i32 to index
          %get3A_406 = tpu.vector_load %arg11[%get3A_405] {strides = array<i32>} : memref<2160xi32, #tpu.memory_space<vmem>>, vector<16xi32>,
          %swap3A_407 = arith.constant 112 : index
          %swap3A_408 = tpu.vector_load %arg12[%swap3A_407] {strides = array<i32>} : memref<128xi32, #tpu.memory_space<vmem>>, vector<16xi32>,
          tpu.vector_store %arg12[%swap3A_407], %get3A_406 {strides = array<i32>} : memref<128xi32, #tpu.memory_space<vmem>>, vector<16xi32>,
          %mul3A_409 = arith.constant 128 : i32
          %mul3A_410 = arith.muli %mul3A_344, %mul3A_409 : i32
          %dma_start3A = tpu.memref_slice %arg10[%mul3A_410] : memref<2160xi32, #tpu.memory_space<vmem>> -> memref<128xi32, #tpu.memory_space<vmem>>
          %dma_start3A_411 = arith.constant 0 : i32
          %dma_start3A_412 = arith.constant 0 : i32
          %dma_start3A_413 = tpu.memref_slice %arg2[%dma_start3A_411, %dma_start3A_412] : memref<800000x256xf32, #tpu.memory_space<hbm>> -> memref<800000x256xf32, #tpu.memory_space<hbm>>
          tpu.enqueue_indirect_dma source(%dma_start3A_413 : memref<800000x256xf32, #tpu.memory_space<hbm>>) target(%arg14 : memref<128x256xf32, #tpu.memory_space<vmem>>) offsets(%dma_start3A : memref<128xi32, #tpu.memory_space<vmem>>) semaphore(%arg21 : memref<!tpu.dma_semaphore, #tpu.memory_space<semaphore_mem>>)
          %mul3A_414 = arith.constant 2 : i32
          %mul3A_415 = arith.muli %mul3A_414, %while3A_342 : i32
          %add3A_416 = arith.constant 1 : i32
          %add3A_417 = arith.addi %mul3A_415, %add3A_416 : i32
          %mul3A_418 = arith.constant 128 : i32
          %mul3A_419 = arith.muli %add3A_417, %mul3A_418 : i32
          %add3A_420 = arith.constant 0 : i32
          %add3A_421 = arith.addi %mul3A_419, %add3A_420 : i32
          %get3A_422 = arith.index_cast %add3A_421 : i32 to index
          %get3A_423 = tpu.vector_load %arg11[%get3A_422] {strides = array<i32>} : memref<2160xi32, #tpu.memory_space<vmem>>, vector<16xi32>,
          %swap3A_424 = arith.constant 0 : index
          %swap3A_425 = tpu.vector_load %arg13[%swap3A_424] {strides = array<i32>} : memref<128xi32, #tpu.memory_space<vmem>>, vector<16xi32>,
          tpu.vector_store %arg13[%swap3A_424], %get3A_423 {strides = array<i32>} : memref<128xi32, #tpu.memory_space<vmem>>, vector<16xi32>,
          %mul3A_426 = arith.constant 128 : i32
          %mul3A_427 = arith.muli %add3A_417, %mul3A_426 : i32
          %add3A_428 = arith.constant 16 : i32
          %add3A_429 = arith.addi %mul3A_427, %add3A_428 : i32
          %get3A_430 = arith.index_cast %add3A_429 : i32 to index
          %get3A_431 = tpu.vector_load %arg11[%get3A_430] {strides = array<i32>} : memref<2160xi32, #tpu.memory_space<vmem>>, vector<16xi32>,
          %swap3A_432 = arith.constant 16 : index
          %swap3A_433 = tpu.vector_load %arg13[%swap3A_432] {strides = array<i32>} : memref<128xi32, #tpu.memory_space<vmem>>, vector<16xi32>,
          tpu.vector_store %arg13[%swap3A_432], %get3A_431 {strides = array<i32>} : memref<128xi32, #tpu.memory_space<vmem>>, vector<16xi32>,
          %mul3A_434 = arith.constant 128 : i32
          %mul3A_435 = arith.muli %add3A_417, %mul3A_434 : i32
          %add3A_436 = arith.constant 32 : i32
          %add3A_437 = arith.addi %mul3A_435, %add3A_436 : i32
          %get3A_438 = arith.index_cast %add3A_437 : i32 to index
          %get3A_439 = tpu.vector_load %arg11[%get3A_438] {strides = array<i32>} : memref<2160xi32, #tpu.memory_space<vmem>>, vector<16xi32>,
          %swap3A_440 = arith.constant 32 : index
          %swap3A_441 = tpu.vector_load %arg13[%swap3A_440] {strides = array<i32>} : memref<128xi32, #tpu.memory_space<vmem>>, vector<16xi32>,
          tpu.vector_store %arg13[%swap3A_440], %get3A_439 {strides = array<i32>} : memref<128xi32, #tpu.memory_space<vmem>>, vector<16xi32>,
          %mul3A_442 = arith.constant 128 : i32
          %mul3A_443 = arith.muli %add3A_417, %mul3A_442 : i32
          %add3A_444 = arith.constant 48 : i32
          %add3A_445 = arith.addi %mul3A_443, %add3A_444 : i32
          %get3A_446 = arith.index_cast %add3A_445 : i32 to index
          %get3A_447 = tpu.vector_load %arg11[%get3A_446] {strides = array<i32>} : memref<2160xi32, #tpu.memory_space<vmem>>, vector<16xi32>,
          %swap3A_448 = arith.constant 48 : index
          %swap3A_449 = tpu.vector_load %arg13[%swap3A_448] {strides = array<i32>} : memref<128xi32, #tpu.memory_space<vmem>>, vector<16xi32>,
          tpu.vector_store %arg13[%swap3A_448], %get3A_447 {strides = array<i32>} : memref<128xi32, #tpu.memory_space<vmem>>, vector<16xi32>,
          %mul3A_450 = arith.constant 128 : i32
          %mul3A_451 = arith.muli %add3A_417, %mul3A_450 : i32
          %add3A_452 = arith.constant 64 : i32
          %add3A_453 = arith.addi %mul3A_451, %add3A_452 : i32
          %get3A_454 = arith.index_cast %add3A_453 : i32 to index
          %get3A_455 = tpu.vector_load %arg11[%get3A_454] {strides = array<i32>} : memref<2160xi32, #tpu.memory_space<vmem>>, vector<16xi32>,
          %swap3A_456 = arith.constant 64 : index
          %swap3A_457 = tpu.vector_load %arg13[%swap3A_456] {strides = array<i32>} : memref<128xi32, #tpu.memory_space<vmem>>, vector<16xi32>,
          tpu.vector_store %arg13[%swap3A_456], %get3A_455 {strides = array<i32>} : memref<128xi32, #tpu.memory_space<vmem>>, vector<16xi32>,
          %mul3A_458 = arith.constant 128 : i32
          %mul3A_459 = arith.muli %add3A_417, %mul3A_458 : i32
          %add3A_460 = arith.constant 80 : i32
          %add3A_461 = arith.addi %mul3A_459, %add3A_460 : i32
          %get3A_462 = arith.index_cast %add3A_461 : i32 to index
          %get3A_463 = tpu.vector_load %arg11[%get3A_462] {strides = array<i32>} : memref<2160xi32, #tpu.memory_space<vmem>>, vector<16xi32>,
          %swap3A_464 = arith.constant 80 : index
          %swap3A_465 = tpu.vector_load %arg13[%swap3A_464] {strides = array<i32>} : memref<128xi32, #tpu.memory_space<vmem>>, vector<16xi32>,
          tpu.vector_store %arg13[%swap3A_464], %get3A_463 {strides = array<i32>} : memref<128xi32, #tpu.memory_space<vmem>>, vector<16xi32>,
          %mul3A_466 = arith.constant 128 : i32
          %mul3A_467 = arith.muli %add3A_417, %mul3A_466 : i32
          %add3A_468 = arith.constant 96 : i32
          %add3A_469 = arith.addi %mul3A_467, %add3A_468 : i32
          %get3A_470 = arith.index_cast %add3A_469 : i32 to index
          %get3A_471 = tpu.vector_load %arg11[%get3A_470] {strides = array<i32>} : memref<2160xi32, #tpu.memory_space<vmem>>, vector<16xi32>,
          %swap3A_472 = arith.constant 96 : index
          %swap3A_473 = tpu.vector_load %arg13[%swap3A_472] {strides = array<i32>} : memref<128xi32, #tpu.memory_space<vmem>>, vector<16xi32>,
          tpu.vector_store %arg13[%swap3A_472], %get3A_471 {strides = array<i32>} : memref<128xi32, #tpu.memory_space<vmem>>, vector<16xi32>,
          %mul3A_474 = arith.constant 128 : i32
          %mul3A_475 = arith.muli %add3A_417, %mul3A_474 : i32
          %add3A_476 = arith.constant 112 : i32
          %add3A_477 = arith.addi %mul3A_475, %add3A_476 : i32
          %get3A_478 = arith.index_cast %add3A_477 : i32 to index
          %get3A_479 = tpu.vector_load %arg11[%get3A_478] {strides = array<i32>} : memref<2160xi32, #tpu.memory_space<vmem>>, vector<16xi32>,
          %swap3A_480 = arith.constant 112 : index
          %swap3A_481 = tpu.vector_load %arg13[%swap3A_480] {strides = array<i32>} : memref<128xi32, #tpu.memory_space<vmem>>, vector<16xi32>,
          tpu.vector_store %arg13[%swap3A_480], %get3A_479 {strides = array<i32>} : memref<128xi32, #tpu.memory_space<vmem>>, vector<16xi32>,
          %mul3A_482 = arith.constant 128 : i32
          %mul3A_483 = arith.muli %add3A_417, %mul3A_482 : i32
          %dma_start3A_484 = tpu.memref_slice %arg10[%mul3A_483] : memref<2160xi32, #tpu.memory_space<vmem>> -> memref<128xi32, #tpu.memory_space<vmem>>
          %dma_start3A_485 = arith.constant 0 : i32
          %dma_start3A_486 = arith.constant 0 : i32
          %dma_start3A_487 = tpu.memref_slice %arg2[%dma_start3A_485, %dma_start3A_486] : memref<800000x256xf32, #tpu.memory_space<hbm>> -> memref<800000x256xf32, #tpu.memory_space<hbm>>
          tpu.enqueue_indirect_dma source(%dma_start3A_487 : memref<800000x256xf32, #tpu.memory_space<hbm>>) target(%arg15 : memref<128x256xf32, #tpu.memory_space<vmem>>) offsets(%dma_start3A_484 : memref<128xi32, #tpu.memory_space<vmem>>) semaphore(%arg22 : memref<!tpu.dma_semaphore, #tpu.memory_space<semaphore_mem>>)
          %dma_wait3A = tpu.memref_slice %arg10[%mul3A_410] : memref<2160xi32, #tpu.memory_space<vmem>> -> memref<128xi32, #tpu.memory_space<vmem>>
          %dma_wait3A_488 = arith.constant 0 : i32
          %dma_wait3A_489 = arith.constant 0 : i32
          %dma_wait3A_490 = tpu.memref_slice %arg2[%dma_wait3A_488, %dma_wait3A_489] : memref<800000x256xf32, #tpu.memory_space<hbm>> -> memref<800000x256xf32, #tpu.memory_space<hbm>>
          tpu.wait_indirect_dma semaphore(%arg21 : memref<!tpu.dma_semaphore, #tpu.memory_space<semaphore_mem>>) src(%dma_wait3A_490 : memref<800000x256xf32, #tpu.memory_space<hbm>>) dst(%arg14 : memref<128x256xf32, #tpu.memory_space<vmem>>)
          "tpu.region"() ({
            %run_scoped3A = tpu.sem_alloc : memref<!tpu.dma_semaphore, #tpu.memory_space<semaphore_mem>>
            %dma_start3A_495 = arith.constant 0 : i32
            %dma_start3A_496 = arith.constant 0 : i32
            %dma_start3A_497 = tpu.memref_slice %arg19[%dma_start3A_495, %dma_start3A_496] : memref<2064x256xf32, #tpu.memory_space<vmem_shared>> -> memref<2064x256xf32, #tpu.memory_space<vmem_shared>>
            tpu.enqueue_indirect_dma source(%arg14 : memref<128x256xf32, #tpu.memory_space<vmem>>) target(%dma_start3A_497 : memref<2064x256xf32, #tpu.memory_space<vmem_shared>>) offsets(%arg12 : memref<128xi32, #tpu.memory_space<vmem>>) semaphore(%run_scoped3A : memref<!tpu.dma_semaphore, #tpu.memory_space<semaphore_mem>>) {add = true}
            %dma_wait3A_498 = arith.constant 0 : i32
            %dma_wait3A_499 = arith.constant 0 : i32
            %dma_wait3A_500 = tpu.memref_slice %arg19[%dma_wait3A_498, %dma_wait3A_499] : memref<2064x256xf32, #tpu.memory_space<vmem_shared>> -> memref<2064x256xf32, #tpu.memory_space<vmem_shared>>
            tpu.wait_indirect_dma semaphore(%run_scoped3A : memref<!tpu.dma_semaphore, #tpu.memory_space<semaphore_mem>>) src(%arg14 : memref<128x256xf32, #tpu.memory_space<vmem>>) dst(%dma_wait3A_500 : memref<2064x256xf32, #tpu.memory_space<vmem_shared>>)
            tpu.yield
          }) : () -> ()
          "tpu.region"() ({
            %run_scoped3A = tpu.sem_alloc : memref<!tpu.dma_semaphore, #tpu.memory_space<semaphore_mem>>
            %dma_start3A_495 = arith.constant 0 : i32
            %dma_start3A_496 = arith.constant 0 : i32
            %dma_start3A_497 = tpu.memref_slice %arg20[%dma_start3A_495, %dma_start3A_496] : memref<2064x16xf32, #tpu.memory_space<vmem_shared>> -> memref<2064x16xf32, #tpu.memory_space<vmem_shared>>
            tpu.enqueue_indirect_dma source(%arg18 : memref<128x16xf32, #tpu.memory_space<vmem>>) target(%dma_start3A_497 : memref<2064x16xf32, #tpu.memory_space<vmem_shared>>) offsets(%arg12 : memref<128xi32, #tpu.memory_space<vmem>>) semaphore(%run_scoped3A : memref<!tpu.dma_semaphore, #tpu.memory_space<semaphore_mem>>) {add = true}
            %dma_wait3A_498 = arith.constant 0 : i32
            %dma_wait3A_499 = arith.constant 0 : i32
            %dma_wait3A_500 = tpu.memref_slice %arg20[%dma_wait3A_498, %dma_wait3A_499] : memref<2064x16xf32, #tpu.memory_space<vmem_shared>> -> memref<2064x16xf32, #tpu.memory_space<vmem_shared>>
            tpu.wait_indirect_dma semaphore(%run_scoped3A : memref<!tpu.dma_semaphore, #tpu.memory_space<semaphore_mem>>) src(%arg18 : memref<128x16xf32, #tpu.memory_space<vmem>>) dst(%dma_wait3A_500 : memref<2064x16xf32, #tpu.memory_space<vmem_shared>>)
            tpu.yield
          }) : () -> ()
          %dma_wait3A_491 = tpu.memref_slice %arg10[%mul3A_483] : memref<2160xi32, #tpu.memory_space<vmem>> -> memref<128xi32, #tpu.memory_space<vmem>>
          %dma_wait3A_492 = arith.constant 0 : i32
          %dma_wait3A_493 = arith.constant 0 : i32
          %dma_wait3A_494 = tpu.memref_slice %arg2[%dma_wait3A_492, %dma_wait3A_493] : memref<800000x256xf32, #tpu.memory_space<hbm>> -> memref<800000x256xf32, #tpu.memory_space<hbm>>
          tpu.wait_indirect_dma semaphore(%arg22 : memref<!tpu.dma_semaphore, #tpu.memory_space<semaphore_mem>>) src(%dma_wait3A_494 : memref<800000x256xf32, #tpu.memory_space<hbm>>) dst(%arg15 : memref<128x256xf32, #tpu.memory_space<vmem>>)
          "tpu.region"() ({
            %run_scoped3A = tpu.sem_alloc : memref<!tpu.dma_semaphore, #tpu.memory_space<semaphore_mem>>
            %dma_start3A_495 = arith.constant 0 : i32
            %dma_start3A_496 = arith.constant 0 : i32
            %dma_start3A_497 = tpu.memref_slice %arg19[%dma_start3A_495, %dma_start3A_496] : memref<2064x256xf32, #tpu.memory_space<vmem_shared>> -> memref<2064x256xf32, #tpu.memory_space<vmem_shared>>
            tpu.enqueue_indirect_dma source(%arg15 : memref<128x256xf32, #tpu.memory_space<vmem>>) target(%dma_start3A_497 : memref<2064x256xf32, #tpu.memory_space<vmem_shared>>) offsets(%arg13 : memref<128xi32, #tpu.memory_space<vmem>>) semaphore(%run_scoped3A : memref<!tpu.dma_semaphore, #tpu.memory_space<semaphore_mem>>) {add = true}
            %dma_wait3A_498 = arith.constant 0 : i32
            %dma_wait3A_499 = arith.constant 0 : i32
            %dma_wait3A_500 = tpu.memref_slice %arg19[%dma_wait3A_498, %dma_wait3A_499] : memref<2064x256xf32, #tpu.memory_space<vmem_shared>> -> memref<2064x256xf32, #tpu.memory_space<vmem_shared>>
            tpu.wait_indirect_dma semaphore(%run_scoped3A : memref<!tpu.dma_semaphore, #tpu.memory_space<semaphore_mem>>) src(%arg15 : memref<128x256xf32, #tpu.memory_space<vmem>>) dst(%dma_wait3A_500 : memref<2064x256xf32, #tpu.memory_space<vmem_shared>>)
            tpu.yield
          }) : () -> ()
          "tpu.region"() ({
            %run_scoped3A = tpu.sem_alloc : memref<!tpu.dma_semaphore, #tpu.memory_space<semaphore_mem>>
            %dma_start3A_495 = arith.constant 0 : i32
            %dma_start3A_496 = arith.constant 0 : i32
            %dma_start3A_497 = tpu.memref_slice %arg20[%dma_start3A_495, %dma_start3A_496] : memref<2064x16xf32, #tpu.memory_space<vmem_shared>> -> memref<2064x16xf32, #tpu.memory_space<vmem_shared>>
            tpu.enqueue_indirect_dma source(%arg18 : memref<128x16xf32, #tpu.memory_space<vmem>>) target(%dma_start3A_497 : memref<2064x16xf32, #tpu.memory_space<vmem_shared>>) offsets(%arg13 : memref<128xi32, #tpu.memory_space<vmem>>) semaphore(%run_scoped3A : memref<!tpu.dma_semaphore, #tpu.memory_space<semaphore_mem>>) {add = true}
            %dma_wait3A_498 = arith.constant 0 : i32
            %dma_wait3A_499 = arith.constant 0 : i32
            %dma_wait3A_500 = tpu.memref_slice %arg20[%dma_wait3A_498, %dma_wait3A_499] : memref<2064x16xf32, #tpu.memory_space<vmem_shared>> -> memref<2064x16xf32, #tpu.memory_space<vmem_shared>>
            tpu.wait_indirect_dma semaphore(%run_scoped3A : memref<!tpu.dma_semaphore, #tpu.memory_space<semaphore_mem>>) src(%arg18 : memref<128x16xf32, #tpu.memory_space<vmem>>) dst(%dma_wait3A_500 : memref<2064x16xf32, #tpu.memory_space<vmem_shared>>)
            tpu.yield
          }) : () -> ()
        }
        %while3A_192 = arith.constant 1 : i32
        scf.for %while3A_342 = %while3A_190 to %while3A_186 step %while3A_192  : i32 {
          %mul3A_343 = arith.constant 2 : i32
          %mul3A_344 = arith.muli %mul3A_343, %while3A_342 : i32
          %mul3A_345 = arith.constant 128 : i32
          %mul3A_346 = arith.muli %mul3A_344, %mul3A_345 : i32
          %add3A_347 = arith.constant 0 : i32
          %add3A_348 = arith.addi %mul3A_346, %add3A_347 : i32
          %get3A_349 = arith.index_cast %add3A_348 : i32 to index
          %get3A_350 = tpu.vector_load %arg11[%get3A_349] {strides = array<i32>} : memref<2160xi32, #tpu.memory_space<vmem>>, vector<16xi32>,
          %swap3A_351 = arith.constant 0 : index
          %swap3A_352 = tpu.vector_load %arg12[%swap3A_351] {strides = array<i32>} : memref<128xi32, #tpu.memory_space<vmem>>, vector<16xi32>,
          tpu.vector_store %arg12[%swap3A_351], %get3A_350 {strides = array<i32>} : memref<128xi32, #tpu.memory_space<vmem>>, vector<16xi32>,
          %mul3A_353 = arith.constant 128 : i32
          %mul3A_354 = arith.muli %mul3A_344, %mul3A_353 : i32
          %add3A_355 = arith.constant 16 : i32
          %add3A_356 = arith.addi %mul3A_354, %add3A_355 : i32
          %get3A_357 = arith.index_cast %add3A_356 : i32 to index
          %get3A_358 = tpu.vector_load %arg11[%get3A_357] {strides = array<i32>} : memref<2160xi32, #tpu.memory_space<vmem>>, vector<16xi32>,
          %swap3A_359 = arith.constant 16 : index
          %swap3A_360 = tpu.vector_load %arg12[%swap3A_359] {strides = array<i32>} : memref<128xi32, #tpu.memory_space<vmem>>, vector<16xi32>,
          tpu.vector_store %arg12[%swap3A_359], %get3A_358 {strides = array<i32>} : memref<128xi32, #tpu.memory_space<vmem>>, vector<16xi32>,
          %mul3A_361 = arith.constant 128 : i32
          %mul3A_362 = arith.muli %mul3A_344, %mul3A_361 : i32
          %add3A_363 = arith.constant 32 : i32
          %add3A_364 = arith.addi %mul3A_362, %add3A_363 : i32
          %get3A_365 = arith.index_cast %add3A_364 : i32 to index
          %get3A_366 = tpu.vector_load %arg11[%get3A_365] {strides = array<i32>} : memref<2160xi32, #tpu.memory_space<vmem>>, vector<16xi32>,
          %swap3A_367 = arith.constant 32 : index
          %swap3A_368 = tpu.vector_load %arg12[%swap3A_367] {strides = array<i32>} : memref<128xi32, #tpu.memory_space<vmem>>, vector<16xi32>,
          tpu.vector_store %arg12[%swap3A_367], %get3A_366 {strides = array<i32>} : memref<128xi32, #tpu.memory_space<vmem>>, vector<16xi32>,
          %mul3A_369 = arith.constant 128 : i32
          %mul3A_370 = arith.muli %mul3A_344, %mul3A_369 : i32
          %add3A_371 = arith.constant 48 : i32
          %add3A_372 = arith.addi %mul3A_370, %add3A_371 : i32
          %get3A_373 = arith.index_cast %add3A_372 : i32 to index
          %get3A_374 = tpu.vector_load %arg11[%get3A_373] {strides = array<i32>} : memref<2160xi32, #tpu.memory_space<vmem>>, vector<16xi32>,
          %swap3A_375 = arith.constant 48 : index
          %swap3A_376 = tpu.vector_load %arg12[%swap3A_375] {strides = array<i32>} : memref<128xi32, #tpu.memory_space<vmem>>, vector<16xi32>,
          tpu.vector_store %arg12[%swap3A_375], %get3A_374 {strides = array<i32>} : memref<128xi32, #tpu.memory_space<vmem>>, vector<16xi32>,
          %mul3A_377 = arith.constant 128 : i32
          %mul3A_378 = arith.muli %mul3A_344, %mul3A_377 : i32
          %add3A_379 = arith.constant 64 : i32
          %add3A_380 = arith.addi %mul3A_378, %add3A_379 : i32
          %get3A_381 = arith.index_cast %add3A_380 : i32 to index
          %get3A_382 = tpu.vector_load %arg11[%get3A_381] {strides = array<i32>} : memref<2160xi32, #tpu.memory_space<vmem>>, vector<16xi32>,
          %swap3A_383 = arith.constant 64 : index
          %swap3A_384 = tpu.vector_load %arg12[%swap3A_383] {strides = array<i32>} : memref<128xi32, #tpu.memory_space<vmem>>, vector<16xi32>,
          tpu.vector_store %arg12[%swap3A_383], %get3A_382 {strides = array<i32>} : memref<128xi32, #tpu.memory_space<vmem>>, vector<16xi32>,
          %mul3A_385 = arith.constant 128 : i32
          %mul3A_386 = arith.muli %mul3A_344, %mul3A_385 : i32
          %add3A_387 = arith.constant 80 : i32
          %add3A_388 = arith.addi %mul3A_386, %add3A_387 : i32
          %get3A_389 = arith.index_cast %add3A_388 : i32 to index
          %get3A_390 = tpu.vector_load %arg11[%get3A_389] {strides = array<i32>} : memref<2160xi32, #tpu.memory_space<vmem>>, vector<16xi32>,
          %swap3A_391 = arith.constant 80 : index
          %swap3A_392 = tpu.vector_load %arg12[%swap3A_391] {strides = array<i32>} : memref<128xi32, #tpu.memory_space<vmem>>, vector<16xi32>,
          tpu.vector_store %arg12[%swap3A_391], %get3A_390 {strides = array<i32>} : memref<128xi32, #tpu.memory_space<vmem>>, vector<16xi32>,
          %mul3A_393 = arith.constant 128 : i32
          %mul3A_394 = arith.muli %mul3A_344, %mul3A_393 : i32
          %add3A_395 = arith.constant 96 : i32
          %add3A_396 = arith.addi %mul3A_394, %add3A_395 : i32
          %get3A_397 = arith.index_cast %add3A_396 : i32 to index
          %get3A_398 = tpu.vector_load %arg11[%get3A_397] {strides = array<i32>} : memref<2160xi32, #tpu.memory_space<vmem>>, vector<16xi32>,
          %swap3A_399 = arith.constant 96 : index
          %swap3A_400 = tpu.vector_load %arg12[%swap3A_399] {strides = array<i32>} : memref<128xi32, #tpu.memory_space<vmem>>, vector<16xi32>,
          tpu.vector_store %arg12[%swap3A_399], %get3A_398 {strides = array<i32>} : memref<128xi32, #tpu.memory_space<vmem>>, vector<16xi32>,
          %mul3A_401 = arith.constant 128 : i32
          %mul3A_402 = arith.muli %mul3A_344, %mul3A_401 : i32
          %add3A_403 = arith.constant 112 : i32
          %add3A_404 = arith.addi %mul3A_402, %add3A_403 : i32
          %get3A_405 = arith.index_cast %add3A_404 : i32 to index
          %get3A_406 = tpu.vector_load %arg11[%get3A_405] {strides = array<i32>} : memref<2160xi32, #tpu.memory_space<vmem>>, vector<16xi32>,
          %swap3A_407 = arith.constant 112 : index
          %swap3A_408 = tpu.vector_load %arg12[%swap3A_407] {strides = array<i32>} : memref<128xi32, #tpu.memory_space<vmem>>, vector<16xi32>,
          tpu.vector_store %arg12[%swap3A_407], %get3A_406 {strides = array<i32>} : memref<128xi32, #tpu.memory_space<vmem>>, vector<16xi32>,
          %mul3A_409 = arith.constant 128 : i32
          %mul3A_410 = arith.muli %mul3A_344, %mul3A_409 : i32
          %dma_start3A = tpu.memref_slice %arg10[%mul3A_410] : memref<2160xi32, #tpu.memory_space<vmem>> -> memref<128xi32, #tpu.memory_space<vmem>>
          %dma_start3A_411 = arith.constant 0 : i32
          %dma_start3A_412 = arith.constant 0 : i32
          %dma_start3A_413 = tpu.memref_slice %arg2[%dma_start3A_411, %dma_start3A_412] : memref<800000x256xf32, #tpu.memory_space<hbm>> -> memref<800000x256xf32, #tpu.memory_space<hbm>>
          tpu.enqueue_indirect_dma source(%dma_start3A_413 : memref<800000x256xf32, #tpu.memory_space<hbm>>) target(%arg14 : memref<128x256xf32, #tpu.memory_space<vmem>>) offsets(%dma_start3A : memref<128xi32, #tpu.memory_space<vmem>>) semaphore(%arg21 : memref<!tpu.dma_semaphore, #tpu.memory_space<semaphore_mem>>)
          %mul3A_414 = arith.constant 2 : i32
          %mul3A_415 = arith.muli %mul3A_414, %while3A_342 : i32
          %add3A_416 = arith.constant 1 : i32
          %add3A_417 = arith.addi %mul3A_415, %add3A_416 : i32
          %mul3A_418 = arith.constant 128 : i32
          %mul3A_419 = arith.muli %add3A_417, %mul3A_418 : i32
          %add3A_420 = arith.constant 0 : i32
          %add3A_421 = arith.addi %mul3A_419, %add3A_420 : i32
          %get3A_422 = arith.index_cast %add3A_421 : i32 to index
          %get3A_423 = tpu.vector_load %arg11[%get3A_422] {strides = array<i32>} : memref<2160xi32, #tpu.memory_space<vmem>>, vector<16xi32>,
          %swap3A_424 = arith.constant 0 : index
          %swap3A_425 = tpu.vector_load %arg13[%swap3A_424] {strides = array<i32>} : memref<128xi32, #tpu.memory_space<vmem>>, vector<16xi32>,
          tpu.vector_store %arg13[%swap3A_424], %get3A_423 {strides = array<i32>} : memref<128xi32, #tpu.memory_space<vmem>>, vector<16xi32>,
          %mul3A_426 = arith.constant 128 : i32
          %mul3A_427 = arith.muli %add3A_417, %mul3A_426 : i32
          %add3A_428 = arith.constant 16 : i32
          %add3A_429 = arith.addi %mul3A_427, %add3A_428 : i32
          %get3A_430 = arith.index_cast %add3A_429 : i32 to index
          %get3A_431 = tpu.vector_load %arg11[%get3A_430] {strides = array<i32>} : memref<2160xi32, #tpu.memory_space<vmem>>, vector<16xi32>,
          %swap3A_432 = arith.constant 16 : index
          %swap3A_433 = tpu.vector_load %arg13[%swap3A_432] {strides = array<i32>} : memref<128xi32, #tpu.memory_space<vmem>>, vector<16xi32>,
          tpu.vector_store %arg13[%swap3A_432], %get3A_431 {strides = array<i32>} : memref<128xi32, #tpu.memory_space<vmem>>, vector<16xi32>,
          %mul3A_434 = arith.constant 128 : i32
          %mul3A_435 = arith.muli %add3A_417, %mul3A_434 : i32
          %add3A_436 = arith.constant 32 : i32
          %add3A_437 = arith.addi %mul3A_435, %add3A_436 : i32
          %get3A_438 = arith.index_cast %add3A_437 : i32 to index
          %get3A_439 = tpu.vector_load %arg11[%get3A_438] {strides = array<i32>} : memref<2160xi32, #tpu.memory_space<vmem>>, vector<16xi32>,
          %swap3A_440 = arith.constant 32 : index
          %swap3A_441 = tpu.vector_load %arg13[%swap3A_440] {strides = array<i32>} : memref<128xi32, #tpu.memory_space<vmem>>, vector<16xi32>,
          tpu.vector_store %arg13[%swap3A_440], %get3A_439 {strides = array<i32>} : memref<128xi32, #tpu.memory_space<vmem>>, vector<16xi32>,
          %mul3A_442 = arith.constant 128 : i32
          %mul3A_443 = arith.muli %add3A_417, %mul3A_442 : i32
          %add3A_444 = arith.constant 48 : i32
          %add3A_445 = arith.addi %mul3A_443, %add3A_444 : i32
          %get3A_446 = arith.index_cast %add3A_445 : i32 to index
          %get3A_447 = tpu.vector_load %arg11[%get3A_446] {strides = array<i32>} : memref<2160xi32, #tpu.memory_space<vmem>>, vector<16xi32>,
          %swap3A_448 = arith.constant 48 : index
          %swap3A_449 = tpu.vector_load %arg13[%swap3A_448] {strides = array<i32>} : memref<128xi32, #tpu.memory_space<vmem>>, vector<16xi32>,
          tpu.vector_store %arg13[%swap3A_448], %get3A_447 {strides = array<i32>} : memref<128xi32, #tpu.memory_space<vmem>>, vector<16xi32>,
          %mul3A_450 = arith.constant 128 : i32
          %mul3A_451 = arith.muli %add3A_417, %mul3A_450 : i32
          %add3A_452 = arith.constant 64 : i32
          %add3A_453 = arith.addi %mul3A_451, %add3A_452 : i32
          %get3A_454 = arith.index_cast %add3A_453 : i32 to index
          %get3A_455 = tpu.vector_load %arg11[%get3A_454] {strides = array<i32>} : memref<2160xi32, #tpu.memory_space<vmem>>, vector<16xi32>,
          %swap3A_456 = arith.constant 64 : index
          %swap3A_457 = tpu.vector_load %arg13[%swap3A_456] {strides = array<i32>} : memref<128xi32, #tpu.memory_space<vmem>>, vector<16xi32>,
          tpu.vector_store %arg13[%swap3A_456], %get3A_455 {strides = array<i32>} : memref<128xi32, #tpu.memory_space<vmem>>, vector<16xi32>,
          %mul3A_458 = arith.constant 128 : i32
          %mul3A_459 = arith.muli %add3A_417, %mul3A_458 : i32
          %add3A_460 = arith.constant 80 : i32
          %add3A_461 = arith.addi %mul3A_459, %add3A_460 : i32
          %get3A_462 = arith.index_cast %add3A_461 : i32 to index
          %get3A_463 = tpu.vector_load %arg11[%get3A_462] {strides = array<i32>} : memref<2160xi32, #tpu.memory_space<vmem>>, vector<16xi32>,
          %swap3A_464 = arith.constant 80 : index
          %swap3A_465 = tpu.vector_load %arg13[%swap3A_464] {strides = array<i32>} : memref<128xi32, #tpu.memory_space<vmem>>, vector<16xi32>,
          tpu.vector_store %arg13[%swap3A_464], %get3A_463 {strides = array<i32>} : memref<128xi32, #tpu.memory_space<vmem>>, vector<16xi32>,
          %mul3A_466 = arith.constant 128 : i32
          %mul3A_467 = arith.muli %add3A_417, %mul3A_466 : i32
          %add3A_468 = arith.constant 96 : i32
          %add3A_469 = arith.addi %mul3A_467, %add3A_468 : i32
          %get3A_470 = arith.index_cast %add3A_469 : i32 to index
          %get3A_471 = tpu.vector_load %arg11[%get3A_470] {strides = array<i32>} : memref<2160xi32, #tpu.memory_space<vmem>>, vector<16xi32>,
          %swap3A_472 = arith.constant 96 : index
          %swap3A_473 = tpu.vector_load %arg13[%swap3A_472] {strides = array<i32>} : memref<128xi32, #tpu.memory_space<vmem>>, vector<16xi32>,
          tpu.vector_store %arg13[%swap3A_472], %get3A_471 {strides = array<i32>} : memref<128xi32, #tpu.memory_space<vmem>>, vector<16xi32>,
          %mul3A_474 = arith.constant 128 : i32
          %mul3A_475 = arith.muli %add3A_417, %mul3A_474 : i32
          %add3A_476 = arith.constant 112 : i32
          %add3A_477 = arith.addi %mul3A_475, %add3A_476 : i32
          %get3A_478 = arith.index_cast %add3A_477 : i32 to index
          %get3A_479 = tpu.vector_load %arg11[%get3A_478] {strides = array<i32>} : memref<2160xi32, #tpu.memory_space<vmem>>, vector<16xi32>,
          %swap3A_480 = arith.constant 112 : index
          %swap3A_481 = tpu.vector_load %arg13[%swap3A_480] {strides = array<i32>} : memref<128xi32, #tpu.memory_space<vmem>>, vector<16xi32>,
          tpu.vector_store %arg13[%swap3A_480], %get3A_479 {strides = array<i32>} : memref<128xi32, #tpu.memory_space<vmem>>, vector<16xi32>,
          %mul3A_482 = arith.constant 128 : i32
          %mul3A_483 = arith.muli %add3A_417, %mul3A_482 : i32
          %dma_start3A_484 = tpu.memref_slice %arg10[%mul3A_483] : memref<2160xi32, #tpu.memory_space<vmem>> -> memref<128xi32, #tpu.memory_space<vmem>>
          %dma_start3A_485 = arith.constant 0 : i32
          %dma_start3A_486 = arith.constant 0 : i32
          %dma_start3A_487 = tpu.memref_slice %arg2[%dma_start3A_485, %dma_start3A_486] : memref<800000x256xf32, #tpu.memory_space<hbm>> -> memref<800000x256xf32, #tpu.memory_space<hbm>>
          tpu.enqueue_indirect_dma source(%dma_start3A_487 : memref<800000x256xf32, #tpu.memory_space<hbm>>) target(%arg15 : memref<128x256xf32, #tpu.memory_space<vmem>>) offsets(%dma_start3A_484 : memref<128xi32, #tpu.memory_space<vmem>>) semaphore(%arg22 : memref<!tpu.dma_semaphore, #tpu.memory_space<semaphore_mem>>)
          %dma_wait3A = tpu.memref_slice %arg10[%mul3A_410] : memref<2160xi32, #tpu.memory_space<vmem>> -> memref<128xi32, #tpu.memory_space<vmem>>
          %dma_wait3A_488 = arith.constant 0 : i32
          %dma_wait3A_489 = arith.constant 0 : i32
          %dma_wait3A_490 = tpu.memref_slice %arg2[%dma_wait3A_488, %dma_wait3A_489] : memref<800000x256xf32, #tpu.memory_space<hbm>> -> memref<800000x256xf32, #tpu.memory_space<hbm>>
          tpu.wait_indirect_dma semaphore(%arg21 : memref<!tpu.dma_semaphore, #tpu.memory_space<semaphore_mem>>) src(%dma_wait3A_490 : memref<800000x256xf32, #tpu.memory_space<hbm>>) dst(%arg14 : memref<128x256xf32, #tpu.memory_space<vmem>>)
          "tpu.region"() ({
            %run_scoped3A = tpu.sem_alloc : memref<!tpu.dma_semaphore, #tpu.memory_space<semaphore_mem>>
            %dma_start3A_495 = arith.constant 0 : i32
            %dma_start3A_496 = arith.constant 0 : i32
            %dma_start3A_497 = tpu.memref_slice %arg19[%dma_start3A_495, %dma_start3A_496] : memref<2064x256xf32, #tpu.memory_space<vmem_shared>> -> memref<2064x256xf32, #tpu.memory_space<vmem_shared>>
            tpu.enqueue_indirect_dma source(%arg14 : memref<128x256xf32, #tpu.memory_space<vmem>>) target(%dma_start3A_497 : memref<2064x256xf32, #tpu.memory_space<vmem_shared>>) offsets(%arg12 : memref<128xi32, #tpu.memory_space<vmem>>) semaphore(%run_scoped3A : memref<!tpu.dma_semaphore, #tpu.memory_space<semaphore_mem>>) {add = true}
            %dma_wait3A_498 = arith.constant 0 : i32
            %dma_wait3A_499 = arith.constant 0 : i32
            %dma_wait3A_500 = tpu.memref_slice %arg19[%dma_wait3A_498, %dma_wait3A_499] : memref<2064x256xf32, #tpu.memory_space<vmem_shared>> -> memref<2064x256xf32, #tpu.memory_space<vmem_shared>>
            tpu.wait_indirect_dma semaphore(%run_scoped3A : memref<!tpu.dma_semaphore, #tpu.memory_space<semaphore_mem>>) src(%arg14 : memref<128x256xf32, #tpu.memory_space<vmem>>) dst(%dma_wait3A_500 : memref<2064x256xf32, #tpu.memory_space<vmem_shared>>)
            tpu.yield
          }) : () -> ()
          "tpu.region"() ({
            %run_scoped3A = tpu.sem_alloc : memref<!tpu.dma_semaphore, #tpu.memory_space<semaphore_mem>>
            %dma_start3A_495 = arith.constant 0 : i32
            %dma_start3A_496 = arith.constant 0 : i32
            %dma_start3A_497 = tpu.memref_slice %arg20[%dma_start3A_495, %dma_start3A_496] : memref<2064x16xf32, #tpu.memory_space<vmem_shared>> -> memref<2064x16xf32, #tpu.memory_space<vmem_shared>>
            tpu.enqueue_indirect_dma source(%arg18 : memref<128x16xf32, #tpu.memory_space<vmem>>) target(%dma_start3A_497 : memref<2064x16xf32, #tpu.memory_space<vmem_shared>>) offsets(%arg12 : memref<128xi32, #tpu.memory_space<vmem>>) semaphore(%run_scoped3A : memref<!tpu.dma_semaphore, #tpu.memory_space<semaphore_mem>>) {add = true}
            %dma_wait3A_498 = arith.constant 0 : i32
            %dma_wait3A_499 = arith.constant 0 : i32
            %dma_wait3A_500 = tpu.memref_slice %arg20[%dma_wait3A_498, %dma_wait3A_499] : memref<2064x16xf32, #tpu.memory_space<vmem_shared>> -> memref<2064x16xf32, #tpu.memory_space<vmem_shared>>
            tpu.wait_indirect_dma semaphore(%run_scoped3A : memref<!tpu.dma_semaphore, #tpu.memory_space<semaphore_mem>>) src(%arg18 : memref<128x16xf32, #tpu.memory_space<vmem>>) dst(%dma_wait3A_500 : memref<2064x16xf32, #tpu.memory_space<vmem_shared>>)
            tpu.yield
          }) : () -> ()
          %dma_wait3A_491 = tpu.memref_slice %arg10[%mul3A_483] : memref<2160xi32, #tpu.memory_space<vmem>> -> memref<128xi32, #tpu.memory_space<vmem>>
          %dma_wait3A_492 = arith.constant 0 : i32
          %dma_wait3A_493 = arith.constant 0 : i32
          %dma_wait3A_494 = tpu.memref_slice %arg2[%dma_wait3A_492, %dma_wait3A_493] : memref<800000x256xf32, #tpu.memory_space<hbm>> -> memref<800000x256xf32, #tpu.memory_space<hbm>>
          tpu.wait_indirect_dma semaphore(%arg22 : memref<!tpu.dma_semaphore, #tpu.memory_space<semaphore_mem>>) src(%dma_wait3A_494 : memref<800000x256xf32, #tpu.memory_space<hbm>>) dst(%arg15 : memref<128x256xf32, #tpu.memory_space<vmem>>)
          "tpu.region"() ({
            %run_scoped3A = tpu.sem_alloc : memref<!tpu.dma_semaphore, #tpu.memory_space<semaphore_mem>>
            %dma_start3A_495 = arith.constant 0 : i32
            %dma_start3A_496 = arith.constant 0 : i32
            %dma_start3A_497 = tpu.memref_slice %arg19[%dma_start3A_495, %dma_start3A_496] : memref<2064x256xf32, #tpu.memory_space<vmem_shared>> -> memref<2064x256xf32, #tpu.memory_space<vmem_shared>>
            tpu.enqueue_indirect_dma source(%arg15 : memref<128x256xf32, #tpu.memory_space<vmem>>) target(%dma_start3A_497 : memref<2064x256xf32, #tpu.memory_space<vmem_shared>>) offsets(%arg13 : memref<128xi32, #tpu.memory_space<vmem>>) semaphore(%run_scoped3A : memref<!tpu.dma_semaphore, #tpu.memory_space<semaphore_mem>>) {add = true}
            %dma_wait3A_498 = arith.constant 0 : i32
            %dma_wait3A_499 = arith.constant 0 : i32
            %dma_wait3A_500 = tpu.memref_slice %arg19[%dma_wait3A_498, %dma_wait3A_499] : memref<2064x256xf32, #tpu.memory_space<vmem_shared>> -> memref<2064x256xf32, #tpu.memory_space<vmem_shared>>
            tpu.wait_indirect_dma semaphore(%run_scoped3A : memref<!tpu.dma_semaphore, #tpu.memory_space<semaphore_mem>>) src(%arg15 : memref<128x256xf32, #tpu.memory_space<vmem>>) dst(%dma_wait3A_500 : memref<2064x256xf32, #tpu.memory_space<vmem_shared>>)
            tpu.yield
          }) : () -> ()
          "tpu.region"() ({
            %run_scoped3A = tpu.sem_alloc : memref<!tpu.dma_semaphore, #tpu.memory_space<semaphore_mem>>
            %dma_start3A_495 = arith.constant 0 : i32
            %dma_start3A_496 = arith.constant 0 : i32
            %dma_start3A_497 = tpu.memref_slice %arg20[%dma_start3A_495, %dma_start3A_496] : memref<2064x16xf32, #tpu.memory_space<vmem_shared>> -> memref<2064x16xf32, #tpu.memory_space<vmem_shared>>
            tpu.enqueue_indirect_dma source(%arg18 : memref<128x16xf32, #tpu.memory_space<vmem>>) target(%dma_start3A_497 : memref<2064x16xf32, #tpu.memory_space<vmem_shared>>) offsets(%arg13 : memref<128xi32, #tpu.memory_space<vmem>>) semaphore(%run_scoped3A : memref<!tpu.dma_semaphore, #tpu.memory_space<semaphore_mem>>) {add = true}
            %dma_wait3A_498 = arith.constant 0 : i32
            %dma_wait3A_499 = arith.constant 0 : i32
            %dma_wait3A_500 = tpu.memref_slice %arg20[%dma_wait3A_498, %dma_wait3A_499] : memref<2064x16xf32, #tpu.memory_space<vmem_shared>> -> memref<2064x16xf32, #tpu.memory_space<vmem_shared>>
            tpu.wait_indirect_dma semaphore(%run_scoped3A : memref<!tpu.dma_semaphore, #tpu.memory_space<semaphore_mem>>) src(%arg18 : memref<128x16xf32, #tpu.memory_space<vmem>>) dst(%dma_wait3A_500 : memref<2064x16xf32, #tpu.memory_space<vmem_shared>>)
            tpu.yield
          }) : () -> ()
        }
        %jit3A_193 = arith.constant 2 : i32
        %eq3A = arith.constant 0 : i32
        %eq3A_194 = arith.cmpi eq, %jit3A_193, %eq3A : i32
        %jit3A_195 = arith.constant 1 : i32
        %select_n3A_196 = arith.select %eq3A_194, %jit3A_195, %jit3A_193 : i32
        %rem3A_197 = arith.remsi %select_n3A, %select_n3A_196 : i32
        %ne3A_198 = arith.constant 0 : i32
        %ne3A_199 = arith.cmpi ne, %rem3A_197, %ne3A_198 : i32
        %lt3A = arith.constant 0 : i32
        %lt3A_200 = arith.cmpi slt, %rem3A_197, %lt3A : i32
        %lt3A_201 = arith.constant 0 : i32
        %lt3A_202 = arith.cmpi slt, %select_n3A_196, %lt3A_201 : i32
        %ne3A_203 = arith.xori %lt3A_200, %lt3A_202 : i1
        %and3A_204 = arith.andi %ne3A_203, %ne3A_199 : i1
        %add3A_205 = arith.addi %rem3A_197, %select_n3A_196 : i32
        %select_n3A_206 = arith.select %and3A_204, %add3A_205, %rem3A_197 : i32
        %eq3A_207 = arith.constant 1 : i32
        %eq3A_208 = arith.cmpi eq, %select_n3A_206, %eq3A_207 : i32
        %convert_element_type3A_209 = arith.extui %eq3A_208 : i1 to i32
        %cond3A_210 = arith.constant 0 : i32
        %cond3A_211 = arith.cmpi ne, %convert_element_type3A_209, %cond3A_210 : i32
        scf.if %cond3A_211 {
          %sub3A_342 = arith.constant 1 : i32
          %sub3A_343 = arith.subi %select_n3A, %sub3A_342 : i32
          %mul3A_344 = arith.constant 128 : i32
          %mul3A_345 = arith.muli %sub3A_343, %mul3A_344 : i32
          %add3A_346 = arith.constant 0 : i32
          %add3A_347 = arith.addi %mul3A_345, %add3A_346 : i32
          %get3A_348 = arith.index_cast %add3A_347 : i32 to index
          %get3A_349 = tpu.vector_load %arg11[%get3A_348] {strides = array<i32>} : memref<2160xi32, #tpu.memory_space<vmem>>, vector<16xi32>,
          %swap3A_350 = arith.constant 0 : index
          %swap3A_351 = tpu.vector_load %arg12[%swap3A_350] {strides = array<i32>} : memref<128xi32, #tpu.memory_space<vmem>>, vector<16xi32>,
          tpu.vector_store %arg12[%swap3A_350], %get3A_349 {strides = array<i32>} : memref<128xi32, #tpu.memory_space<vmem>>, vector<16xi32>,
          %mul3A_352 = arith.constant 128 : i32
          %mul3A_353 = arith.muli %sub3A_343, %mul3A_352 : i32
          %add3A_354 = arith.constant 16 : i32
          %add3A_355 = arith.addi %mul3A_353, %add3A_354 : i32
          %get3A_356 = arith.index_cast %add3A_355 : i32 to index
          %get3A_357 = tpu.vector_load %arg11[%get3A_356] {strides = array<i32>} : memref<2160xi32, #tpu.memory_space<vmem>>, vector<16xi32>,
          %swap3A_358 = arith.constant 16 : index
          %swap3A_359 = tpu.vector_load %arg12[%swap3A_358] {strides = array<i32>} : memref<128xi32, #tpu.memory_space<vmem>>, vector<16xi32>,
          tpu.vector_store %arg12[%swap3A_358], %get3A_357 {strides = array<i32>} : memref<128xi32, #tpu.memory_space<vmem>>, vector<16xi32>,
          %mul3A_360 = arith.constant 128 : i32
          %mul3A_361 = arith.muli %sub3A_343, %mul3A_360 : i32
          %add3A_362 = arith.constant 32 : i32
          %add3A_363 = arith.addi %mul3A_361, %add3A_362 : i32
          %get3A_364 = arith.index_cast %add3A_363 : i32 to index
          %get3A_365 = tpu.vector_load %arg11[%get3A_364] {strides = array<i32>} : memref<2160xi32, #tpu.memory_space<vmem>>, vector<16xi32>,
          %swap3A_366 = arith.constant 32 : index
          %swap3A_367 = tpu.vector_load %arg12[%swap3A_366] {strides = array<i32>} : memref<128xi32, #tpu.memory_space<vmem>>, vector<16xi32>,
          tpu.vector_store %arg12[%swap3A_366], %get3A_365 {strides = array<i32>} : memref<128xi32, #tpu.memory_space<vmem>>, vector<16xi32>,
          %mul3A_368 = arith.constant 128 : i32
          %mul3A_369 = arith.muli %sub3A_343, %mul3A_368 : i32
          %add3A_370 = arith.constant 48 : i32
          %add3A_371 = arith.addi %mul3A_369, %add3A_370 : i32
          %get3A_372 = arith.index_cast %add3A_371 : i32 to index
          %get3A_373 = tpu.vector_load %arg11[%get3A_372] {strides = array<i32>} : memref<2160xi32, #tpu.memory_space<vmem>>, vector<16xi32>,
          %swap3A_374 = arith.constant 48 : index
          %swap3A_375 = tpu.vector_load %arg12[%swap3A_374] {strides = array<i32>} : memref<128xi32, #tpu.memory_space<vmem>>, vector<16xi32>,
          tpu.vector_store %arg12[%swap3A_374], %get3A_373 {strides = array<i32>} : memref<128xi32, #tpu.memory_space<vmem>>, vector<16xi32>,
          %mul3A_376 = arith.constant 128 : i32
          %mul3A_377 = arith.muli %sub3A_343, %mul3A_376 : i32
          %add3A_378 = arith.constant 64 : i32
          %add3A_379 = arith.addi %mul3A_377, %add3A_378 : i32
          %get3A_380 = arith.index_cast %add3A_379 : i32 to index
          %get3A_381 = tpu.vector_load %arg11[%get3A_380] {strides = array<i32>} : memref<2160xi32, #tpu.memory_space<vmem>>, vector<16xi32>,
          %swap3A_382 = arith.constant 64 : index
          %swap3A_383 = tpu.vector_load %arg12[%swap3A_382] {strides = array<i32>} : memref<128xi32, #tpu.memory_space<vmem>>, vector<16xi32>,
          tpu.vector_store %arg12[%swap3A_382], %get3A_381 {strides = array<i32>} : memref<128xi32, #tpu.memory_space<vmem>>, vector<16xi32>,
          %mul3A_384 = arith.constant 128 : i32
          %mul3A_385 = arith.muli %sub3A_343, %mul3A_384 : i32
          %add3A_386 = arith.constant 80 : i32
          %add3A_387 = arith.addi %mul3A_385, %add3A_386 : i32
          %get3A_388 = arith.index_cast %add3A_387 : i32 to index
          %get3A_389 = tpu.vector_load %arg11[%get3A_388] {strides = array<i32>} : memref<2160xi32, #tpu.memory_space<vmem>>, vector<16xi32>,
          %swap3A_390 = arith.constant 80 : index
          %swap3A_391 = tpu.vector_load %arg12[%swap3A_390] {strides = array<i32>} : memref<128xi32, #tpu.memory_space<vmem>>, vector<16xi32>,
          tpu.vector_store %arg12[%swap3A_390], %get3A_389 {strides = array<i32>} : memref<128xi32, #tpu.memory_space<vmem>>, vector<16xi32>,
          %mul3A_392 = arith.constant 128 : i32
          %mul3A_393 = arith.muli %sub3A_343, %mul3A_392 : i32
          %add3A_394 = arith.constant 96 : i32
          %add3A_395 = arith.addi %mul3A_393, %add3A_394 : i32
          %get3A_396 = arith.index_cast %add3A_395 : i32 to index
          %get3A_397 = tpu.vector_load %arg11[%get3A_396] {strides = array<i32>} : memref<2160xi32, #tpu.memory_space<vmem>>, vector<16xi32>,
          %swap3A_398 = arith.constant 96 : index
          %swap3A_399 = tpu.vector_load %arg12[%swap3A_398] {strides = array<i32>} : memref<128xi32, #tpu.memory_space<vmem>>, vector<16xi32>,
          tpu.vector_store %arg12[%swap3A_398], %get3A_397 {strides = array<i32>} : memref<128xi32, #tpu.memory_space<vmem>>, vector<16xi32>,
          %mul3A_400 = arith.constant 128 : i32
          %mul3A_401 = arith.muli %sub3A_343, %mul3A_400 : i32
          %add3A_402 = arith.constant 112 : i32
          %add3A_403 = arith.addi %mul3A_401, %add3A_402 : i32
          %get3A_404 = arith.index_cast %add3A_403 : i32 to index
          %get3A_405 = tpu.vector_load %arg11[%get3A_404] {strides = array<i32>} : memref<2160xi32, #tpu.memory_space<vmem>>, vector<16xi32>,
          %swap3A_406 = arith.constant 112 : index
          %swap3A_407 = tpu.vector_load %arg12[%swap3A_406] {strides = array<i32>} : memref<128xi32, #tpu.memory_space<vmem>>, vector<16xi32>,
          tpu.vector_store %arg12[%swap3A_406], %get3A_405 {strides = array<i32>} : memref<128xi32, #tpu.memory_space<vmem>>, vector<16xi32>,
          %mul3A_408 = arith.constant 128 : i32
          %mul3A_409 = arith.muli %sub3A_343, %mul3A_408 : i32
          %dma_start3A = tpu.memref_slice %arg10[%mul3A_409] : memref<2160xi32, #tpu.memory_space<vmem>> -> memref<128xi32, #tpu.memory_space<vmem>>
          %dma_start3A_410 = arith.constant 0 : i32
          %dma_start3A_411 = arith.constant 0 : i32
          %dma_start3A_412 = tpu.memref_slice %arg2[%dma_start3A_410, %dma_start3A_411] : memref<800000x256xf32, #tpu.memory_space<hbm>> -> memref<800000x256xf32, #tpu.memory_space<hbm>>
          tpu.enqueue_indirect_dma source(%dma_start3A_412 : memref<800000x256xf32, #tpu.memory_space<hbm>>) target(%arg14 : memref<128x256xf32, #tpu.memory_space<vmem>>) offsets(%dma_start3A : memref<128xi32, #tpu.memory_space<vmem>>) semaphore(%arg21 : memref<!tpu.dma_semaphore, #tpu.memory_space<semaphore_mem>>)
          %dma_wait3A = tpu.memref_slice %arg10[%mul3A_409] : memref<2160xi32, #tpu.memory_space<vmem>> -> memref<128xi32, #tpu.memory_space<vmem>>
          %dma_wait3A_413 = arith.constant 0 : i32
          %dma_wait3A_414 = arith.constant 0 : i32
          %dma_wait3A_415 = tpu.memref_slice %arg2[%dma_wait3A_413, %dma_wait3A_414] : memref<800000x256xf32, #tpu.memory_space<hbm>> -> memref<800000x256xf32, #tpu.memory_space<hbm>>
          tpu.wait_indirect_dma semaphore(%arg21 : memref<!tpu.dma_semaphore, #tpu.memory_space<semaphore_mem>>) src(%dma_wait3A_415 : memref<800000x256xf32, #tpu.memory_space<hbm>>) dst(%arg14 : memref<128x256xf32, #tpu.memory_space<vmem>>)
          "tpu.region"() ({
            %run_scoped3A = tpu.sem_alloc : memref<!tpu.dma_semaphore, #tpu.memory_space<semaphore_mem>>
            %dma_start3A_416 = arith.constant 0 : i32
            %dma_start3A_417 = arith.constant 0 : i32
            %dma_start3A_418 = tpu.memref_slice %arg19[%dma_start3A_416, %dma_start3A_417] : memref<2064x256xf32, #tpu.memory_space<vmem_shared>> -> memref<2064x256xf32, #tpu.memory_space<vmem_shared>>
            tpu.enqueue_indirect_dma source(%arg14 : memref<128x256xf32, #tpu.memory_space<vmem>>) target(%dma_start3A_418 : memref<2064x256xf32, #tpu.memory_space<vmem_shared>>) offsets(%arg12 : memref<128xi32, #tpu.memory_space<vmem>>) semaphore(%run_scoped3A : memref<!tpu.dma_semaphore, #tpu.memory_space<semaphore_mem>>) {add = true}
            %dma_wait3A_419 = arith.constant 0 : i32
            %dma_wait3A_420 = arith.constant 0 : i32
            %dma_wait3A_421 = tpu.memref_slice %arg19[%dma_wait3A_419, %dma_wait3A_420] : memref<2064x256xf32, #tpu.memory_space<vmem_shared>> -> memref<2064x256xf32, #tpu.memory_space<vmem_shared>>
            tpu.wait_indirect_dma semaphore(%run_scoped3A : memref<!tpu.dma_semaphore, #tpu.memory_space<semaphore_mem>>) src(%arg14 : memref<128x256xf32, #tpu.memory_space<vmem>>) dst(%dma_wait3A_421 : memref<2064x256xf32, #tpu.memory_space<vmem_shared>>)
            tpu.yield
          }) : () -> ()
          "tpu.region"() ({
            %run_scoped3A = tpu.sem_alloc : memref<!tpu.dma_semaphore, #tpu.memory_space<semaphore_mem>>
            %dma_start3A_416 = arith.constant 0 : i32
            %dma_start3A_417 = arith.constant 0 : i32
            %dma_start3A_418 = tpu.memref_slice %arg20[%dma_start3A_416, %dma_start3A_417] : memref<2064x16xf32, #tpu.memory_space<vmem_shared>> -> memref<2064x16xf32, #tpu.memory_space<vmem_shared>>
            tpu.enqueue_indirect_dma source(%arg18 : memref<128x16xf32, #tpu.memory_space<vmem>>) target(%dma_start3A_418 : memref<2064x16xf32, #tpu.memory_space<vmem_shared>>) offsets(%arg12 : memref<128xi32, #tpu.memory_space<vmem>>) semaphore(%run_scoped3A : memref<!tpu.dma_semaphore, #tpu.memory_space<semaphore_mem>>) {add = true}
            %dma_wait3A_419 = arith.constant 0 : i32
            %dma_wait3A_420 = arith.constant 0 : i32
            %dma_wait3A_421 = tpu.memref_slice %arg20[%dma_wait3A_419, %dma_wait3A_420] : memref<2064x16xf32, #tpu.memory_space<vmem_shared>> -> memref<2064x16xf32, #tpu.memory_space<vmem_shared>>
            tpu.wait_indirect_dma semaphore(%run_scoped3A : memref<!tpu.dma_semaphore, #tpu.memory_space<semaphore_mem>>) src(%arg18 : memref<128x16xf32, #tpu.memory_space<vmem>>) dst(%dma_wait3A_421 : memref<2064x16xf32, #tpu.memory_space<vmem_shared>>)
            tpu.yield
          }) : () -> ()
        } else {
        }
        %mul3A_212 = arith.constant 128 : i32
        %mul3A_213 = arith.muli %select_n3A, %mul3A_212 : i32
        %sub3A_214 = arith.subi %scan3A_142, %mul3A_213 : i32
        %mul3A_215 = arith.constant 128 : i32
        %mul3A_216 = arith.muli %select_n3A, %mul3A_215 : i32
        %add3A_217 = arith.constant 0 : i32
        %add3A_218 = arith.addi %mul3A_216, %add3A_217 : i32
        %get3A = arith.index_cast %add3A_218 : i32 to index
        %get3A_219 = tpu.vector_load %arg10[%get3A] {strides = array<i32>} : memref<2160xi32, #tpu.memory_space<vmem>>, vector<16xi32>,
        %mul3A_220 = arith.constant 128 : i32
        %mul3A_221 = arith.muli %select_n3A, %mul3A_220 : i32
        %add3A_222 = arith.constant 0 : i32
        %add3A_223 = arith.addi %mul3A_221, %add3A_222 : i32
        %get3A_224 = arith.index_cast %add3A_223 : i32 to index
        %get3A_225 = tpu.vector_load %arg11[%get3A_224] {strides = array<i32>} : memref<2160xi32, #tpu.memory_space<vmem>>, vector<16xi32>,
        %swap3A_226 = arith.constant 0 : index
        %swap3A_227 = tpu.vector_load %arg10[%swap3A_226] {strides = array<i32>} : memref<2160xi32, #tpu.memory_space<vmem>>, vector<16xi32>,
        tpu.vector_store %arg10[%swap3A_226], %get3A_219 {strides = array<i32>} : memref<2160xi32, #tpu.memory_space<vmem>>, vector<16xi32>,
        %swap3A_228 = arith.constant 0 : index
        %swap3A_229 = tpu.vector_load %arg11[%swap3A_228] {strides = array<i32>} : memref<2160xi32, #tpu.memory_space<vmem>>, vector<16xi32>,
        tpu.vector_store %arg11[%swap3A_228], %get3A_225 {strides = array<i32>} : memref<2160xi32, #tpu.memory_space<vmem>>, vector<16xi32>,
        %mul3A_230 = arith.constant 128 : i32
        %mul3A_231 = arith.muli %select_n3A, %mul3A_230 : i32
        %add3A_232 = arith.constant 16 : i32
        %add3A_233 = arith.addi %mul3A_231, %add3A_232 : i32
        %get3A_234 = arith.index_cast %add3A_233 : i32 to index
        %get3A_235 = tpu.vector_load %arg10[%get3A_234] {strides = array<i32>} : memref<2160xi32, #tpu.memory_space<vmem>>, vector<16xi32>,
        %mul3A_236 = arith.constant 128 : i32
        %mul3A_237 = arith.muli %select_n3A, %mul3A_236 : i32
        %add3A_238 = arith.constant 16 : i32
        %add3A_239 = arith.addi %mul3A_237, %add3A_238 : i32
        %get3A_240 = arith.index_cast %add3A_239 : i32 to index
        %get3A_241 = tpu.vector_load %arg11[%get3A_240] {strides = array<i32>} : memref<2160xi32, #tpu.memory_space<vmem>>, vector<16xi32>,
        %swap3A_242 = arith.constant 16 : index
        %swap3A_243 = tpu.vector_load %arg10[%swap3A_242] {strides = array<i32>} : memref<2160xi32, #tpu.memory_space<vmem>>, vector<16xi32>,
        tpu.vector_store %arg10[%swap3A_242], %get3A_235 {strides = array<i32>} : memref<2160xi32, #tpu.memory_space<vmem>>, vector<16xi32>,
        %swap3A_244 = arith.constant 16 : index
        %swap3A_245 = tpu.vector_load %arg11[%swap3A_244] {strides = array<i32>} : memref<2160xi32, #tpu.memory_space<vmem>>, vector<16xi32>,
        tpu.vector_store %arg11[%swap3A_244], %get3A_241 {strides = array<i32>} : memref<2160xi32, #tpu.memory_space<vmem>>, vector<16xi32>,
        %mul3A_246 = arith.constant 128 : i32
        %mul3A_247 = arith.muli %select_n3A, %mul3A_246 : i32
        %add3A_248 = arith.constant 32 : i32
        %add3A_249 = arith.addi %mul3A_247, %add3A_248 : i32
        %get3A_250 = arith.index_cast %add3A_249 : i32 to index
        %get3A_251 = tpu.vector_load %arg10[%get3A_250] {strides = array<i32>} : memref<2160xi32, #tpu.memory_space<vmem>>, vector<16xi32>,
        %mul3A_252 = arith.constant 128 : i32
        %mul3A_253 = arith.muli %select_n3A, %mul3A_252 : i32
        %add3A_254 = arith.constant 32 : i32
        %add3A_255 = arith.addi %mul3A_253, %add3A_254 : i32
        %get3A_256 = arith.index_cast %add3A_255 : i32 to index
        %get3A_257 = tpu.vector_load %arg11[%get3A_256] {strides = array<i32>} : memref<2160xi32, #tpu.memory_space<vmem>>, vector<16xi32>,
        %swap3A_258 = arith.constant 32 : index
        %swap3A_259 = tpu.vector_load %arg10[%swap3A_258] {strides = array<i32>} : memref<2160xi32, #tpu.memory_space<vmem>>, vector<16xi32>,
        tpu.vector_store %arg10[%swap3A_258], %get3A_251 {strides = array<i32>} : memref<2160xi32, #tpu.memory_space<vmem>>, vector<16xi32>,
        %swap3A_260 = arith.constant 32 : index
        %swap3A_261 = tpu.vector_load %arg11[%swap3A_260] {strides = array<i32>} : memref<2160xi32, #tpu.memory_space<vmem>>, vector<16xi32>,
        tpu.vector_store %arg11[%swap3A_260], %get3A_257 {strides = array<i32>} : memref<2160xi32, #tpu.memory_space<vmem>>, vector<16xi32>,
        %mul3A_262 = arith.constant 128 : i32
        %mul3A_263 = arith.muli %select_n3A, %mul3A_262 : i32
        %add3A_264 = arith.constant 48 : i32
        %add3A_265 = arith.addi %mul3A_263, %add3A_264 : i32
        %get3A_266 = arith.index_cast %add3A_265 : i32 to index
        %get3A_267 = tpu.vector_load %arg10[%get3A_266] {strides = array<i32>} : memref<2160xi32, #tpu.memory_space<vmem>>, vector<16xi32>,
        %mul3A_268 = arith.constant 128 : i32
        %mul3A_269 = arith.muli %select_n3A, %mul3A_268 : i32
        %add3A_270 = arith.constant 48 : i32
        %add3A_271 = arith.addi %mul3A_269, %add3A_270 : i32
        %get3A_272 = arith.index_cast %add3A_271 : i32 to index
        %get3A_273 = tpu.vector_load %arg11[%get3A_272] {strides = array<i32>} : memref<2160xi32, #tpu.memory_space<vmem>>, vector<16xi32>,
        %swap3A_274 = arith.constant 48 : index
        %swap3A_275 = tpu.vector_load %arg10[%swap3A_274] {strides = array<i32>} : memref<2160xi32, #tpu.memory_space<vmem>>, vector<16xi32>,
        tpu.vector_store %arg10[%swap3A_274], %get3A_267 {strides = array<i32>} : memref<2160xi32, #tpu.memory_space<vmem>>, vector<16xi32>,
        %swap3A_276 = arith.constant 48 : index
        %swap3A_277 = tpu.vector_load %arg11[%swap3A_276] {strides = array<i32>} : memref<2160xi32, #tpu.memory_space<vmem>>, vector<16xi32>,
        tpu.vector_store %arg11[%swap3A_276], %get3A_273 {strides = array<i32>} : memref<2160xi32, #tpu.memory_space<vmem>>, vector<16xi32>,
        %mul3A_278 = arith.constant 128 : i32
        %mul3A_279 = arith.muli %select_n3A, %mul3A_278 : i32
        %add3A_280 = arith.constant 64 : i32
        %add3A_281 = arith.addi %mul3A_279, %add3A_280 : i32
        %get3A_282 = arith.index_cast %add3A_281 : i32 to index
        %get3A_283 = tpu.vector_load %arg10[%get3A_282] {strides = array<i32>} : memref<2160xi32, #tpu.memory_space<vmem>>, vector<16xi32>,
        %mul3A_284 = arith.constant 128 : i32
        %mul3A_285 = arith.muli %select_n3A, %mul3A_284 : i32
        %add3A_286 = arith.constant 64 : i32
        %add3A_287 = arith.addi %mul3A_285, %add3A_286 : i32
        %get3A_288 = arith.index_cast %add3A_287 : i32 to index
        %get3A_289 = tpu.vector_load %arg11[%get3A_288] {strides = array<i32>} : memref<2160xi32, #tpu.memory_space<vmem>>, vector<16xi32>,
        %swap3A_290 = arith.constant 64 : index
        %swap3A_291 = tpu.vector_load %arg10[%swap3A_290] {strides = array<i32>} : memref<2160xi32, #tpu.memory_space<vmem>>, vector<16xi32>,
        tpu.vector_store %arg10[%swap3A_290], %get3A_283 {strides = array<i32>} : memref<2160xi32, #tpu.memory_space<vmem>>, vector<16xi32>,
        %swap3A_292 = arith.constant 64 : index
        %swap3A_293 = tpu.vector_load %arg11[%swap3A_292] {strides = array<i32>} : memref<2160xi32, #tpu.memory_space<vmem>>, vector<16xi32>,
        tpu.vector_store %arg11[%swap3A_292], %get3A_289 {strides = array<i32>} : memref<2160xi32, #tpu.memory_space<vmem>>, vector<16xi32>,
        %mul3A_294 = arith.constant 128 : i32
        %mul3A_295 = arith.muli %select_n3A, %mul3A_294 : i32
        %add3A_296 = arith.constant 80 : i32
        %add3A_297 = arith.addi %mul3A_295, %add3A_296 : i32
        %get3A_298 = arith.index_cast %add3A_297 : i32 to index
        %get3A_299 = tpu.vector_load %arg10[%get3A_298] {strides = array<i32>} : memref<2160xi32, #tpu.memory_space<vmem>>, vector<16xi32>,
        %mul3A_300 = arith.constant 128 : i32
        %mul3A_301 = arith.muli %select_n3A, %mul3A_300 : i32
        %add3A_302 = arith.constant 80 : i32
        %add3A_303 = arith.addi %mul3A_301, %add3A_302 : i32
        %get3A_304 = arith.index_cast %add3A_303 : i32 to index
        %get3A_305 = tpu.vector_load %arg11[%get3A_304] {strides = array<i32>} : memref<2160xi32, #tpu.memory_space<vmem>>, vector<16xi32>,
        %swap3A_306 = arith.constant 80 : index
        %swap3A_307 = tpu.vector_load %arg10[%swap3A_306] {strides = array<i32>} : memref<2160xi32, #tpu.memory_space<vmem>>, vector<16xi32>,
        tpu.vector_store %arg10[%swap3A_306], %get3A_299 {strides = array<i32>} : memref<2160xi32, #tpu.memory_space<vmem>>, vector<16xi32>,
        %swap3A_308 = arith.constant 80 : index
        %swap3A_309 = tpu.vector_load %arg11[%swap3A_308] {strides = array<i32>} : memref<2160xi32, #tpu.memory_space<vmem>>, vector<16xi32>,
        tpu.vector_store %arg11[%swap3A_308], %get3A_305 {strides = array<i32>} : memref<2160xi32, #tpu.memory_space<vmem>>, vector<16xi32>,
        %mul3A_310 = arith.constant 128 : i32
        %mul3A_311 = arith.muli %select_n3A, %mul3A_310 : i32
        %add3A_312 = arith.constant 96 : i32
        %add3A_313 = arith.addi %mul3A_311, %add3A_312 : i32
        %get3A_314 = arith.index_cast %add3A_313 : i32 to index
        %get3A_315 = tpu.vector_load %arg10[%get3A_314] {strides = array<i32>} : memref<2160xi32, #tpu.memory_space<vmem>>, vector<16xi32>,
        %mul3A_316 = arith.constant 128 : i32
        %mul3A_317 = arith.muli %select_n3A, %mul3A_316 : i32
        %add3A_318 = arith.constant 96 : i32
        %add3A_319 = arith.addi %mul3A_317, %add3A_318 : i32
        %get3A_320 = arith.index_cast %add3A_319 : i32 to index
        %get3A_321 = tpu.vector_load %arg11[%get3A_320] {strides = array<i32>} : memref<2160xi32, #tpu.memory_space<vmem>>, vector<16xi32>,
        %swap3A_322 = arith.constant 96 : index
        %swap3A_323 = tpu.vector_load %arg10[%swap3A_322] {strides = array<i32>} : memref<2160xi32, #tpu.memory_space<vmem>>, vector<16xi32>,
        tpu.vector_store %arg10[%swap3A_322], %get3A_315 {strides = array<i32>} : memref<2160xi32, #tpu.memory_space<vmem>>, vector<16xi32>,
        %swap3A_324 = arith.constant 96 : index
        %swap3A_325 = tpu.vector_load %arg11[%swap3A_324] {strides = array<i32>} : memref<2160xi32, #tpu.memory_space<vmem>>, vector<16xi32>,
        tpu.vector_store %arg11[%swap3A_324], %get3A_321 {strides = array<i32>} : memref<2160xi32, #tpu.memory_space<vmem>>, vector<16xi32>,
        %mul3A_326 = arith.constant 128 : i32
        %mul3A_327 = arith.muli %select_n3A, %mul3A_326 : i32
        %add3A_328 = arith.constant 112 : i32
        %add3A_329 = arith.addi %mul3A_327, %add3A_328 : i32
        %get3A_330 = arith.index_cast %add3A_329 : i32 to index
        %get3A_331 = tpu.vector_load %arg10[%get3A_330] {strides = array<i32>} : memref<2160xi32, #tpu.memory_space<vmem>>, vector<16xi32>,
        %mul3A_332 = arith.constant 128 : i32
        %mul3A_333 = arith.muli %select_n3A, %mul3A_332 : i32
        %add3A_334 = arith.constant 112 : i32
        %add3A_335 = arith.addi %mul3A_333, %add3A_334 : i32
        %get3A_336 = arith.index_cast %add3A_335 : i32 to index
        %get3A_337 = tpu.vector_load %arg11[%get3A_336] {strides = array<i32>} : memref<2160xi32, #tpu.memory_space<vmem>>, vector<16xi32>,
        %swap3A_338 = arith.constant 112 : index
        %swap3A_339 = tpu.vector_load %arg10[%swap3A_338] {strides = array<i32>} : memref<2160xi32, #tpu.memory_space<vmem>>, vector<16xi32>,
        tpu.vector_store %arg10[%swap3A_338], %get3A_331 {strides = array<i32>} : memref<2160xi32, #tpu.memory_space<vmem>>, vector<16xi32>,
        %swap3A_340 = arith.constant 112 : index
        %swap3A_341 = tpu.vector_load %arg11[%swap3A_340] {strides = array<i32>} : memref<2160xi32, #tpu.memory_space<vmem>>, vector<16xi32>,
        tpu.vector_store %arg11[%swap3A_340], %get3A_337 {strides = array<i32>} : memref<2160xi32, #tpu.memory_space<vmem>>, vector<16xi32>,
        scf.yield %sub3A_214 : i32
      }
      %scan3A_25 = arith.constant 25 : i32
      %broadcast_in_dim3A = arith.constant 0 : i32
      %broadcast_in_dim3A_26 = vector.broadcast %broadcast_in_dim3A : i32 to vector<16xi32>
      %add3A_27 = arith.constant 0 : i32
      %add3A_28 = arith.addi %scan3A_24, %add3A_27 : i32
      %swap3A = arith.index_cast %add3A_28 : i32 to index
      %swap3A_29 = tpu.vector_load %arg10[%swap3A] {strides = array<i32>} : memref<2160xi32, #tpu.memory_space<vmem>>, vector<16xi32>,
      tpu.vector_store %arg10[%swap3A], %broadcast_in_dim3A_26 {strides = array<i32>} : memref<2160xi32, #tpu.memory_space<vmem>>, vector<16xi32>,
      %broadcast_in_dim3A_30 = arith.constant 2048 : i32
      %broadcast_in_dim3A_31 = vector.broadcast %broadcast_in_dim3A_30 : i32 to vector<16xi32>
      %add3A_32 = arith.constant 0 : i32
      %add3A_33 = arith.addi %scan3A_24, %add3A_32 : i32
      %swap3A_34 = arith.index_cast %add3A_33 : i32 to index
      %swap3A_35 = tpu.vector_load %arg11[%swap3A_34] {strides = array<i32>} : memref<2160xi32, #tpu.memory_space<vmem>>, vector<16xi32>,
      tpu.vector_store %arg11[%swap3A_34], %broadcast_in_dim3A_31 {strides = array<i32>} : memref<2160xi32, #tpu.memory_space<vmem>>, vector<16xi32>,
      %broadcast_in_dim3A_36 = arith.constant 0 : i32
      %broadcast_in_dim3A_37 = vector.broadcast %broadcast_in_dim3A_36 : i32 to vector<16xi32>
      %add3A_38 = arith.constant 16 : i32
      %add3A_39 = arith.addi %scan3A_24, %add3A_38 : i32
      %swap3A_40 = arith.index_cast %add3A_39 : i32 to index
      %swap3A_41 = tpu.vector_load %arg10[%swap3A_40] {strides = array<i32>} : memref<2160xi32, #tpu.memory_space<vmem>>, vector<16xi32>,
      tpu.vector_store %arg10[%swap3A_40], %broadcast_in_dim3A_37 {strides = array<i32>} : memref<2160xi32, #tpu.memory_space<vmem>>, vector<16xi32>,
      %broadcast_in_dim3A_42 = arith.constant 2048 : i32
      %broadcast_in_dim3A_43 = vector.broadcast %broadcast_in_dim3A_42 : i32 to vector<16xi32>
      %add3A_44 = arith.constant 16 : i32
      %add3A_45 = arith.addi %scan3A_24, %add3A_44 : i32
      %swap3A_46 = arith.index_cast %add3A_45 : i32 to index
      %swap3A_47 = tpu.vector_load %arg11[%swap3A_46] {strides = array<i32>} : memref<2160xi32, #tpu.memory_space<vmem>>, vector<16xi32>,
      tpu.vector_store %arg11[%swap3A_46], %broadcast_in_dim3A_43 {strides = array<i32>} : memref<2160xi32, #tpu.memory_space<vmem>>, vector<16xi32>,
      %broadcast_in_dim3A_48 = arith.constant 0 : i32
      %broadcast_in_dim3A_49 = vector.broadcast %broadcast_in_dim3A_48 : i32 to vector<16xi32>
      %add3A_50 = arith.constant 32 : i32
      %add3A_51 = arith.addi %scan3A_24, %add3A_50 : i32
      %swap3A_52 = arith.index_cast %add3A_51 : i32 to index
      %swap3A_53 = tpu.vector_load %arg10[%swap3A_52] {strides = array<i32>} : memref<2160xi32, #tpu.memory_space<vmem>>, vector<16xi32>,
      tpu.vector_store %arg10[%swap3A_52], %broadcast_in_dim3A_49 {strides = array<i32>} : memref<2160xi32, #tpu.memory_space<vmem>>, vector<16xi32>,
      %broadcast_in_dim3A_54 = arith.constant 2048 : i32
      %broadcast_in_dim3A_55 = vector.broadcast %broadcast_in_dim3A_54 : i32 to vector<16xi32>
      %add3A_56 = arith.constant 32 : i32
      %add3A_57 = arith.addi %scan3A_24, %add3A_56 : i32
      %swap3A_58 = arith.index_cast %add3A_57 : i32 to index
      %swap3A_59 = tpu.vector_load %arg11[%swap3A_58] {strides = array<i32>} : memref<2160xi32, #tpu.memory_space<vmem>>, vector<16xi32>,
      tpu.vector_store %arg11[%swap3A_58], %broadcast_in_dim3A_55 {strides = array<i32>} : memref<2160xi32, #tpu.memory_space<vmem>>, vector<16xi32>,
      %broadcast_in_dim3A_60 = arith.constant 0 : i32
      %broadcast_in_dim3A_61 = vector.broadcast %broadcast_in_dim3A_60 : i32 to vector<16xi32>
      %add3A_62 = arith.constant 48 : i32
      %add3A_63 = arith.addi %scan3A_24, %add3A_62 : i32
      %swap3A_64 = arith.index_cast %add3A_63 : i32 to index
      %swap3A_65 = tpu.vector_load %arg10[%swap3A_64] {strides = array<i32>} : memref<2160xi32, #tpu.memory_space<vmem>>, vector<16xi32>,
      tpu.vector_store %arg10[%swap3A_64], %broadcast_in_dim3A_61 {strides = array<i32>} : memref<2160xi32, #tpu.memory_space<vmem>>, vector<16xi32>,
      %broadcast_in_dim3A_66 = arith.constant 2048 : i32
      %broadcast_in_dim3A_67 = vector.broadcast %broadcast_in_dim3A_66 : i32 to vector<16xi32>
      %add3A_68 = arith.constant 48 : i32
      %add3A_69 = arith.addi %scan3A_24, %add3A_68 : i32
      %swap3A_70 = arith.index_cast %add3A_69 : i32 to index
      %swap3A_71 = tpu.vector_load %arg11[%swap3A_70] {strides = array<i32>} : memref<2160xi32, #tpu.memory_space<vmem>>, vector<16xi32>,
      tpu.vector_store %arg11[%swap3A_70], %broadcast_in_dim3A_67 {strides = array<i32>} : memref<2160xi32, #tpu.memory_space<vmem>>, vector<16xi32>,
      %broadcast_in_dim3A_72 = arith.constant 0 : i32
      %broadcast_in_dim3A_73 = vector.broadcast %broadcast_in_dim3A_72 : i32 to vector<16xi32>
      %add3A_74 = arith.constant 64 : i32
      %add3A_75 = arith.addi %scan3A_24, %add3A_74 : i32
      %swap3A_76 = arith.index_cast %add3A_75 : i32 to index
      %swap3A_77 = tpu.vector_load %arg10[%swap3A_76] {strides = array<i32>} : memref<2160xi32, #tpu.memory_space<vmem>>, vector<16xi32>,
      tpu.vector_store %arg10[%swap3A_76], %broadcast_in_dim3A_73 {strides = array<i32>} : memref<2160xi32, #tpu.memory_space<vmem>>, vector<16xi32>,
      %broadcast_in_dim3A_78 = arith.constant 2048 : i32
      %broadcast_in_dim3A_79 = vector.broadcast %broadcast_in_dim3A_78 : i32 to vector<16xi32>
      %add3A_80 = arith.constant 64 : i32
      %add3A_81 = arith.addi %scan3A_24, %add3A_80 : i32
      %swap3A_82 = arith.index_cast %add3A_81 : i32 to index
      %swap3A_83 = tpu.vector_load %arg11[%swap3A_82] {strides = array<i32>} : memref<2160xi32, #tpu.memory_space<vmem>>, vector<16xi32>,
      tpu.vector_store %arg11[%swap3A_82], %broadcast_in_dim3A_79 {strides = array<i32>} : memref<2160xi32, #tpu.memory_space<vmem>>, vector<16xi32>,
      %broadcast_in_dim3A_84 = arith.constant 0 : i32
      %broadcast_in_dim3A_85 = vector.broadcast %broadcast_in_dim3A_84 : i32 to vector<16xi32>
      %add3A_86 = arith.constant 80 : i32
      %add3A_87 = arith.addi %scan3A_24, %add3A_86 : i32
      %swap3A_88 = arith.index_cast %add3A_87 : i32 to index
      %swap3A_89 = tpu.vector_load %arg10[%swap3A_88] {strides = array<i32>} : memref<2160xi32, #tpu.memory_space<vmem>>, vector<16xi32>,
      tpu.vector_store %arg10[%swap3A_88], %broadcast_in_dim3A_85 {strides = array<i32>} : memref<2160xi32, #tpu.memory_space<vmem>>, vector<16xi32>,
      %broadcast_in_dim3A_90 = arith.constant 2048 : i32
      %broadcast_in_dim3A_91 = vector.broadcast %broadcast_in_dim3A_90 : i32 to vector<16xi32>
      %add3A_92 = arith.constant 80 : i32
      %add3A_93 = arith.addi %scan3A_24, %add3A_92 : i32
      %swap3A_94 = arith.index_cast %add3A_93 : i32 to index
      %swap3A_95 = tpu.vector_load %arg11[%swap3A_94] {strides = array<i32>} : memref<2160xi32, #tpu.memory_space<vmem>>, vector<16xi32>,
      tpu.vector_store %arg11[%swap3A_94], %broadcast_in_dim3A_91 {strides = array<i32>} : memref<2160xi32, #tpu.memory_space<vmem>>, vector<16xi32>,
      %broadcast_in_dim3A_96 = arith.constant 0 : i32
      %broadcast_in_dim3A_97 = vector.broadcast %broadcast_in_dim3A_96 : i32 to vector<16xi32>
      %add3A_98 = arith.constant 96 : i32
      %add3A_99 = arith.addi %scan3A_24, %add3A_98 : i32
      %swap3A_100 = arith.index_cast %add3A_99 : i32 to index
      %swap3A_101 = tpu.vector_load %arg10[%swap3A_100] {strides = array<i32>} : memref<2160xi32, #tpu.memory_space<vmem>>, vector<16xi32>,
      tpu.vector_store %arg10[%swap3A_100], %broadcast_in_dim3A_97 {strides = array<i32>} : memref<2160xi32, #tpu.memory_space<vmem>>, vector<16xi32>,
      %broadcast_in_dim3A_102 = arith.constant 2048 : i32
      %broadcast_in_dim3A_103 = vector.broadcast %broadcast_in_dim3A_102 : i32 to vector<16xi32>
      %add3A_104 = arith.constant 96 : i32
      %add3A_105 = arith.addi %scan3A_24, %add3A_104 : i32
      %swap3A_106 = arith.index_cast %add3A_105 : i32 to index
      %swap3A_107 = tpu.vector_load %arg11[%swap3A_106] {strides = array<i32>} : memref<2160xi32, #tpu.memory_space<vmem>>, vector<16xi32>,
      tpu.vector_store %arg11[%swap3A_106], %broadcast_in_dim3A_103 {strides = array<i32>} : memref<2160xi32, #tpu.memory_space<vmem>>, vector<16xi32>,
      %broadcast_in_dim3A_108 = arith.constant 0 : i32
      %broadcast_in_dim3A_109 = vector.broadcast %broadcast_in_dim3A_108 : i32 to vector<16xi32>
      %add3A_110 = arith.constant 112 : i32
      %add3A_111 = arith.addi %scan3A_24, %add3A_110 : i32
      %swap3A_112 = arith.index_cast %add3A_111 : i32 to index
      %swap3A_113 = tpu.vector_load %arg10[%swap3A_112] {strides = array<i32>} : memref<2160xi32, #tpu.memory_space<vmem>>, vector<16xi32>,
      tpu.vector_store %arg10[%swap3A_112], %broadcast_in_dim3A_109 {strides = array<i32>} : memref<2160xi32, #tpu.memory_space<vmem>>, vector<16xi32>,
      %broadcast_in_dim3A_114 = arith.constant 2048 : i32
      %broadcast_in_dim3A_115 = vector.broadcast %broadcast_in_dim3A_114 : i32 to vector<16xi32>
      %add3A_116 = arith.constant 112 : i32
      %add3A_117 = arith.addi %scan3A_24, %add3A_116 : i32
      %swap3A_118 = arith.index_cast %add3A_117 : i32 to index
      %swap3A_119 = tpu.vector_load %arg11[%swap3A_118] {strides = array<i32>} : memref<2160xi32, #tpu.memory_space<vmem>>, vector<16xi32>,
      tpu.vector_store %arg11[%swap3A_118], %broadcast_in_dim3A_115 {strides = array<i32>} : memref<2160xi32, #tpu.memory_space<vmem>>, vector<16xi32>,
      %gt3A = arith.constant 0 : i32
      %gt3A_120 = arith.cmpi sgt, %scan3A_24, %gt3A : i32
      %convert_element_type3A = arith.extui %gt3A_120 : i1 to i32
      %cond3A = arith.constant 0 : i32
      %cond3A_121 = arith.cmpi ne, %convert_element_type3A, %cond3A : i32
      scf.if %cond3A_121 {
        %get3A = arith.constant 0 : index
        %get3A_133 = tpu.vector_load %arg11[%get3A] {strides = array<i32>} : memref<2160xi32, #tpu.memory_space<vmem>>, vector<16xi32>,
        %swap3A_134 = arith.constant 0 : index
        %swap3A_135 = tpu.vector_load %arg12[%swap3A_134] {strides = array<i32>} : memref<128xi32, #tpu.memory_space<vmem>>, vector<16xi32>,
        tpu.vector_store %arg12[%swap3A_134], %get3A_133 {strides = array<i32>} : memref<128xi32, #tpu.memory_space<vmem>>, vector<16xi32>,
        %get3A_136 = arith.constant 16 : index
        %get3A_137 = tpu.vector_load %arg11[%get3A_136] {strides = array<i32>} : memref<2160xi32, #tpu.memory_space<vmem>>, vector<16xi32>,
        %swap3A_138 = arith.constant 16 : index
        %swap3A_139 = tpu.vector_load %arg12[%swap3A_138] {strides = array<i32>} : memref<128xi32, #tpu.memory_space<vmem>>, vector<16xi32>,
        tpu.vector_store %arg12[%swap3A_138], %get3A_137 {strides = array<i32>} : memref<128xi32, #tpu.memory_space<vmem>>, vector<16xi32>,
        %get3A_140 = arith.constant 32 : index
        %get3A_141 = tpu.vector_load %arg11[%get3A_140] {strides = array<i32>} : memref<2160xi32, #tpu.memory_space<vmem>>, vector<16xi32>,
        %swap3A_142 = arith.constant 32 : index
        %swap3A_143 = tpu.vector_load %arg12[%swap3A_142] {strides = array<i32>} : memref<128xi32, #tpu.memory_space<vmem>>, vector<16xi32>,
        tpu.vector_store %arg12[%swap3A_142], %get3A_141 {strides = array<i32>} : memref<128xi32, #tpu.memory_space<vmem>>, vector<16xi32>,
        %get3A_144 = arith.constant 48 : index
        %get3A_145 = tpu.vector_load %arg11[%get3A_144] {strides = array<i32>} : memref<2160xi32, #tpu.memory_space<vmem>>, vector<16xi32>,
        %swap3A_146 = arith.constant 48 : index
        %swap3A_147 = tpu.vector_load %arg12[%swap3A_146] {strides = array<i32>} : memref<128xi32, #tpu.memory_space<vmem>>, vector<16xi32>,
        tpu.vector_store %arg12[%swap3A_146], %get3A_145 {strides = array<i32>} : memref<128xi32, #tpu.memory_space<vmem>>, vector<16xi32>,
        %get3A_148 = arith.constant 64 : index
        %get3A_149 = tpu.vector_load %arg11[%get3A_148] {strides = array<i32>} : memref<2160xi32, #tpu.memory_space<vmem>>, vector<16xi32>,
        %swap3A_150 = arith.constant 64 : index
        %swap3A_151 = tpu.vector_load %arg12[%swap3A_150] {strides = array<i32>} : memref<128xi32, #tpu.memory_space<vmem>>, vector<16xi32>,
        tpu.vector_store %arg12[%swap3A_150], %get3A_149 {strides = array<i32>} : memref<128xi32, #tpu.memory_space<vmem>>, vector<16xi32>,
        %get3A_152 = arith.constant 80 : index
        %get3A_153 = tpu.vector_load %arg11[%get3A_152] {strides = array<i32>} : memref<2160xi32, #tpu.memory_space<vmem>>, vector<16xi32>,
        %swap3A_154 = arith.constant 80 : index
        %swap3A_155 = tpu.vector_load %arg12[%swap3A_154] {strides = array<i32>} : memref<128xi32, #tpu.memory_space<vmem>>, vector<16xi32>,
        tpu.vector_store %arg12[%swap3A_154], %get3A_153 {strides = array<i32>} : memref<128xi32, #tpu.memory_space<vmem>>, vector<16xi32>,
        %get3A_156 = arith.constant 96 : index
        %get3A_157 = tpu.vector_load %arg11[%get3A_156] {strides = array<i32>} : memref<2160xi32, #tpu.memory_space<vmem>>, vector<16xi32>,
        %swap3A_158 = arith.constant 96 : index
        %swap3A_159 = tpu.vector_load %arg12[%swap3A_158] {strides = array<i32>} : memref<128xi32, #tpu.memory_space<vmem>>, vector<16xi32>,
        tpu.vector_store %arg12[%swap3A_158], %get3A_157 {strides = array<i32>} : memref<128xi32, #tpu.memory_space<vmem>>, vector<16xi32>,
        %get3A_160 = arith.constant 112 : index
        %get3A_161 = tpu.vector_load %arg11[%get3A_160] {strides = array<i32>} : memref<2160xi32, #tpu.memory_space<vmem>>, vector<16xi32>,
        %swap3A_162 = arith.constant 112 : index
        %swap3A_163 = tpu.vector_load %arg12[%swap3A_162] {strides = array<i32>} : memref<128xi32, #tpu.memory_space<vmem>>, vector<16xi32>,
        tpu.vector_store %arg12[%swap3A_162], %get3A_161 {strides = array<i32>} : memref<128xi32, #tpu.memory_space<vmem>>, vector<16xi32>,
        %dma_start3A = arith.constant 0 : i32
        %dma_start3A_164 = tpu.memref_slice %arg10[%dma_start3A] : memref<2160xi32, #tpu.memory_space<vmem>> -> memref<128xi32, #tpu.memory_space<vmem>>
        %dma_start3A_165 = arith.constant 0 : i32
        %dma_start3A_166 = arith.constant 0 : i32
        %dma_start3A_167 = tpu.memref_slice %arg2[%dma_start3A_165, %dma_start3A_166] : memref<800000x256xf32, #tpu.memory_space<hbm>> -> memref<800000x256xf32, #tpu.memory_space<hbm>>
        tpu.enqueue_indirect_dma source(%dma_start3A_167 : memref<800000x256xf32, #tpu.memory_space<hbm>>) target(%arg14 : memref<128x256xf32, #tpu.memory_space<vmem>>) offsets(%dma_start3A_164 : memref<128xi32, #tpu.memory_space<vmem>>) semaphore(%arg21 : memref<!tpu.dma_semaphore, #tpu.memory_space<semaphore_mem>>)
        %dma_wait3A = arith.constant 0 : i32
        %dma_wait3A_168 = tpu.memref_slice %arg10[%dma_wait3A] : memref<2160xi32, #tpu.memory_space<vmem>> -> memref<128xi32, #tpu.memory_space<vmem>>
        %dma_wait3A_169 = arith.constant 0 : i32
        %dma_wait3A_170 = arith.constant 0 : i32
        %dma_wait3A_171 = tpu.memref_slice %arg2[%dma_wait3A_169, %dma_wait3A_170] : memref<800000x256xf32, #tpu.memory_space<hbm>> -> memref<800000x256xf32, #tpu.memory_space<hbm>>
        tpu.wait_indirect_dma semaphore(%arg21 : memref<!tpu.dma_semaphore, #tpu.memory_space<semaphore_mem>>) src(%dma_wait3A_171 : memref<800000x256xf32, #tpu.memory_space<hbm>>) dst(%arg14 : memref<128x256xf32, #tpu.memory_space<vmem>>)
        "tpu.region"() ({
          %run_scoped3A = tpu.sem_alloc : memref<!tpu.dma_semaphore, #tpu.memory_space<semaphore_mem>>
          %dma_start3A_172 = arith.constant 0 : i32
          %dma_start3A_173 = arith.constant 0 : i32
          %dma_start3A_174 = tpu.memref_slice %arg19[%dma_start3A_172, %dma_start3A_173] : memref<2064x256xf32, #tpu.memory_space<vmem_shared>> -> memref<2064x256xf32, #tpu.memory_space<vmem_shared>>
          tpu.enqueue_indirect_dma source(%arg14 : memref<128x256xf32, #tpu.memory_space<vmem>>) target(%dma_start3A_174 : memref<2064x256xf32, #tpu.memory_space<vmem_shared>>) offsets(%arg12 : memref<128xi32, #tpu.memory_space<vmem>>) semaphore(%run_scoped3A : memref<!tpu.dma_semaphore, #tpu.memory_space<semaphore_mem>>) {add = true}
          %dma_wait3A_175 = arith.constant 0 : i32
          %dma_wait3A_176 = arith.constant 0 : i32
          %dma_wait3A_177 = tpu.memref_slice %arg19[%dma_wait3A_175, %dma_wait3A_176] : memref<2064x256xf32, #tpu.memory_space<vmem_shared>> -> memref<2064x256xf32, #tpu.memory_space<vmem_shared>>
          tpu.wait_indirect_dma semaphore(%run_scoped3A : memref<!tpu.dma_semaphore, #tpu.memory_space<semaphore_mem>>) src(%arg14 : memref<128x256xf32, #tpu.memory_space<vmem>>) dst(%dma_wait3A_177 : memref<2064x256xf32, #tpu.memory_space<vmem_shared>>)
          tpu.yield
        }) : () -> ()
        "tpu.region"() ({
          %run_scoped3A = tpu.sem_alloc : memref<!tpu.dma_semaphore, #tpu.memory_space<semaphore_mem>>
          %dma_start3A_172 = arith.constant 0 : i32
          %dma_start3A_173 = arith.constant 0 : i32
          %dma_start3A_174 = tpu.memref_slice %arg20[%dma_start3A_172, %dma_start3A_173] : memref<2064x16xf32, #tpu.memory_space<vmem_shared>> -> memref<2064x16xf32, #tpu.memory_space<vmem_shared>>
          tpu.enqueue_indirect_dma source(%arg18 : memref<128x16xf32, #tpu.memory_space<vmem>>) target(%dma_start3A_174 : memref<2064x16xf32, #tpu.memory_space<vmem_shared>>) offsets(%arg12 : memref<128xi32, #tpu.memory_space<vmem>>) semaphore(%run_scoped3A : memref<!tpu.dma_semaphore, #tpu.memory_space<semaphore_mem>>) {add = true}
          %dma_wait3A_175 = arith.constant 0 : i32
          %dma_wait3A_176 = arith.constant 0 : i32
          %dma_wait3A_177 = tpu.memref_slice %arg20[%dma_wait3A_175, %dma_wait3A_176] : memref<2064x16xf32, #tpu.memory_space<vmem_shared>> -> memref<2064x16xf32, #tpu.memory_space<vmem_shared>>
          tpu.wait_indirect_dma semaphore(%run_scoped3A : memref<!tpu.dma_semaphore, #tpu.memory_space<semaphore_mem>>) src(%arg18 : memref<128x16xf32, #tpu.memory_space<vmem>>) dst(%dma_wait3A_177 : memref<2064x16xf32, #tpu.memory_space<vmem_shared>>)
          tpu.yield
        }) : () -> ()
      } else {
      }
      %barrier3A_122 = arith.constant 0 : index
      tpu.barrier barrier_id(%barrier3A_122)
      %mul3A_123 = arith.constant 2048 : i32
      %mul3A_124 = arith.muli %add3A, %mul3A_123 : i32
      %mul3A_125 = arith.constant 128 : i32
      %mul3A_126 = arith.muli %arg1, %mul3A_125 : i32
      %add3A_127 = arith.addi %mul3A_124, %mul3A_126 : i32
      %mul3A_128 = arith.constant 128 : i32
      %mul3A_129 = arith.muli %arg1, %mul3A_128 : i32
      "tpu.region"() ({
        %run_scoped3A = tpu.sem_alloc : memref<!tpu.dma_semaphore, #tpu.memory_space<semaphore_mem>>
        %dma_start3A = arith.constant 0 : i32
        %dma_start3A_133 = tpu.memref_slice %arg7[%add3A_127, %dma_start3A] : memref<53248x256xf32, #tpu.memory_space<hbm>> -> memref<128x256xf32, #tpu.memory_space<hbm>>
        %dma_start3A_134 = arith.constant 0 : i32
        %dma_start3A_135 = tpu.memref_slice %arg19[%mul3A_129, %dma_start3A_134] : memref<2064x256xf32, #tpu.memory_space<vmem_shared>> -> memref<128x256xf32, #tpu.memory_space<vmem_shared>>
        tpu.enqueue_dma source(%dma_start3A_135 : memref<128x256xf32, #tpu.memory_space<vmem_shared>>) target(%dma_start3A_133 : memref<128x256xf32, #tpu.memory_space<hbm>>) target_semaphore(%run_scoped3A : memref<!tpu.dma_semaphore, #tpu.memory_space<semaphore_mem>>)
        %dma_wait3A = arith.constant 0 : i32
        %dma_wait3A_136 = tpu.memref_slice %arg7[%add3A_127, %dma_wait3A] : memref<53248x256xf32, #tpu.memory_space<hbm>> -> memref<128x256xf32, #tpu.memory_space<hbm>>
        %dma_wait3A_137 = arith.constant 0 : i32
        %dma_wait3A_138 = tpu.memref_slice %arg19[%mul3A_129, %dma_wait3A_137] : memref<2064x256xf32, #tpu.memory_space<vmem_shared>> -> memref<128x256xf32, #tpu.memory_space<vmem_shared>>
        tpu.wait_dma2 semaphore(%run_scoped3A : memref<!tpu.dma_semaphore, #tpu.memory_space<semaphore_mem>>) src(%dma_wait3A_138 : memref<128x256xf32, #tpu.memory_space<vmem_shared>>) dst(%dma_wait3A_136 : memref<128x256xf32, #tpu.memory_space<hbm>>)
        tpu.yield
      }) : () -> ()
      %mul3A_130 = arith.constant 128 : i32
      %mul3A_131 = arith.muli %arg1, %mul3A_130 : i32
      "tpu.region"() ({
        %run_scoped3A = tpu.sem_alloc : memref<!tpu.dma_semaphore, #tpu.memory_space<semaphore_mem>>
        %dma_start3A = arith.constant 0 : i32
        %dma_start3A_133 = tpu.memref_slice %arg8[%add3A_127, %dma_start3A] : memref<53248x16xf32, #tpu.memory_space<hbm>> -> memref<128x16xf32, #tpu.memory_space<hbm>>
        %dma_start3A_134 = arith.constant 0 : i32
        %dma_start3A_135 = tpu.memref_slice %arg20[%mul3A_131, %dma_start3A_134] : memref<2064x16xf32, #tpu.memory_space<vmem_shared>> -> memref<128x16xf32, #tpu.memory_space<vmem_shared>>
        tpu.enqueue_dma source(%dma_start3A_135 : memref<128x16xf32, #tpu.memory_space<vmem_shared>>) target(%dma_start3A_133 : memref<128x16xf32, #tpu.memory_space<hbm>>) target_semaphore(%run_scoped3A : memref<!tpu.dma_semaphore, #tpu.memory_space<semaphore_mem>>)
        %dma_wait3A = arith.constant 0 : i32
        %dma_wait3A_136 = tpu.memref_slice %arg8[%add3A_127, %dma_wait3A] : memref<53248x16xf32, #tpu.memory_space<hbm>> -> memref<128x16xf32, #tpu.memory_space<hbm>>
        %dma_wait3A_137 = arith.constant 0 : i32
        %dma_wait3A_138 = tpu.memref_slice %arg20[%mul3A_131, %dma_wait3A_137] : memref<2064x16xf32, #tpu.memory_space<vmem_shared>> -> memref<128x16xf32, #tpu.memory_space<vmem_shared>>
        tpu.wait_dma2 semaphore(%run_scoped3A : memref<!tpu.dma_semaphore, #tpu.memory_space<semaphore_mem>>) src(%dma_wait3A_138 : memref<128x16xf32, #tpu.memory_space<vmem_shared>>) dst(%dma_wait3A_136 : memref<128x16xf32, #tpu.memory_space<hbm>>)
        tpu.yield
      }) : () -> ()
      %barrier3A_132 = arith.constant 0 : index
      tpu.barrier barrier_id(%barrier3A_132)
    }
    %scan3A_5 = arith.constant 13 : i32
    return
  }
}

module attributes {stable_mosaic.version = 14 : i64} {
  func.func @_k1(%arg0: i32, %arg1: memref<2000x128xf32, #tpu.memory_space<vmem>>, %arg2: memref<8x128xf32, #tpu.memory_space<vmem>>) attributes {dimension_semantics = [#tpu.dimension_semantics<arbitrary>], iteration_bounds = array<i64: 25>, scalar_prefetch = 0 : i64, scratch_operands = 0 : i64, tpu.core_type = #tpu.core_type<tc>, window_params = [{transform_indices = @transform_0, window_bounds = array<i64: 2000, 128>}, {pipeline_mode = #tpu.pipeline_mode<synchronous>, transform_indices = @transform_1, window_bounds = array<i64: 8, 128>}]} {
    %get3A = arith.constant 0 : index
    %get3A_0 = arith.constant 0 : index
    %get3A_1 = vector.load %arg1[%get3A, %get3A_0] : memref<2000x128xf32, #tpu.memory_space<vmem>>, vector<2000x128xf32>
    %eq3A = arith.constant 0 : i32
    %eq3A_2 = arith.cmpi eq, %arg0, %eq3A : i32
    %convert_element_type3A = arith.extui %eq3A_2 : i1 to i32
    %cond3A = arith.constant 0 : i32
    %cond3A_3 = arith.cmpi ne, %convert_element_type3A, %cond3A : i32
    scf.if %cond3A_3 {
      %broadcast_in_dim3A_20 = arith.constant 0.000000e+00 : f32
      %broadcast_in_dim3A_21 = vector.broadcast %broadcast_in_dim3A_20 : f32 to vector<8x128xf32>
      %swap3A_22 = arith.constant 0 : index
      %swap3A_23 = arith.constant 0 : index
      %swap3A_24 = vector.load %arg2[%swap3A_22, %swap3A_23] : memref<8x128xf32, #tpu.memory_space<vmem>>, vector<8x128xf32>
      tpu.vector_store %arg2[%swap3A_22, %swap3A_23], %broadcast_in_dim3A_21 {strides = array<i32>} : memref<8x128xf32, #tpu.memory_space<vmem>>, vector<8x128xf32>,
    } else {
    }
    %get3A_4 = arith.constant 0 : index
    %get3A_5 = arith.constant 0 : index
    %get3A_6 = vector.load %arg2[%get3A_4, %get3A_5] : memref<8x128xf32, #tpu.memory_space<vmem>>, vector<1x128xf32>
    %reduce_sum3A = arith.constant dense<0.000000e+00> : vector<128xf32>
    %reduce_sum3A_7 = vector.multi_reduction <add>, %get3A_1, %reduce_sum3A [0] : vector<2000x128xf32> to vector<128xf32>
    %broadcast_in_dim3A = vector.shape_cast %reduce_sum3A_7 : vector<128xf32> to vector<1x128xf32>
    %add3A = arith.addf %get3A_6, %broadcast_in_dim3A : vector<1x128xf32>
    %swap3A = arith.constant 0 : index
    %swap3A_8 = arith.constant 0 : index
    %swap3A_9 = vector.load %arg2[%swap3A, %swap3A_8] : memref<8x128xf32, #tpu.memory_space<vmem>>, vector<1x128xf32>
    tpu.vector_store %arg2[%swap3A, %swap3A_8], %add3A {strides = array<i32>} : memref<8x128xf32, #tpu.memory_space<vmem>>, vector<1x128xf32>,
    %get3A_10 = arith.constant 1 : index
    %get3A_11 = arith.constant 0 : index
    %get3A_12 = vector.load %arg2[%get3A_10, %get3A_11] : memref<8x128xf32, #tpu.memory_space<vmem>>, vector<1x128xf32>
    %mul3A = arith.mulf %get3A_1, %get3A_1 : vector<2000x128xf32>
    %reduce_sum3A_13 = arith.constant dense<0.000000e+00> : vector<128xf32>
    %reduce_sum3A_14 = vector.multi_reduction <add>, %mul3A, %reduce_sum3A_13 [0] : vector<2000x128xf32> to vector<128xf32>
    %broadcast_in_dim3A_15 = vector.shape_cast %reduce_sum3A_14 : vector<128xf32> to vector<1x128xf32>
    %add3A_16 = arith.addf %get3A_12, %broadcast_in_dim3A_15 : vector<1x128xf32>
    %swap3A_17 = arith.constant 1 : index
    %swap3A_18 = arith.constant 0 : index
    %swap3A_19 = vector.load %arg2[%swap3A_17, %swap3A_18] : memref<8x128xf32, #tpu.memory_space<vmem>>, vector<1x128xf32>
    tpu.vector_store %arg2[%swap3A_17, %swap3A_18], %add3A_16 {strides = array<i32>} : memref<8x128xf32, #tpu.memory_space<vmem>>, vector<1x128xf32>,
    return
  }
  func.func @transform_0(%arg0: i32) -> (i32, i32) {
    %c0_i32 = arith.constant 0 : i32
    %c0_i32_0 = arith.constant 0 : i32
    return %arg0, %c0_i32 : i32, i32
  }
  func.func @transform_1(%arg0: i32) -> (i32, i32) {
    %c0_i32 = arith.constant 0 : i32
    %c0_i32_0 = arith.constant 0 : i32
    %c0_i32_1 = arith.constant 0 : i32
    return %c0_i32, %c0_i32_0 : i32, i32
  }
}

module attributes {stable_mosaic.version = 14 : i64} {
  func.func @_k3(%arg0: i32, %arg1: memref<3200x128xf32, #tpu.memory_space<vmem>>, %arg2: memref<3200x128xf32, #tpu.memory_space<vmem>>, %arg3: memref<128x256xf32, #tpu.memory_space<vmem>>, %arg4: memref<128x256xf32, #tpu.memory_space<vmem>>, %arg5: memref<8x256xf32, #tpu.memory_space<vmem>>, %arg6: memref<8x256xf32, #tpu.memory_space<vmem>>) attributes {dimension_semantics = [#tpu.dimension_semantics<arbitrary>], iteration_bounds = array<i64: 250>, scalar_prefetch = 0 : i64, scratch_operands = 0 : i64, tpu.core_type = #tpu.core_type<tc>, window_params = [{transform_indices = @transform_0, window_bounds = array<i64: 3200, 128>}, {transform_indices = @transform_1, window_bounds = array<i64: 3200, 128>}, {pipeline_mode = #tpu.pipeline_mode<synchronous>, transform_indices = @transform_2, window_bounds = array<i64: 128, 256>}, {pipeline_mode = #tpu.pipeline_mode<synchronous>, transform_indices = @transform_3, window_bounds = array<i64: 128, 256>}, {pipeline_mode = #tpu.pipeline_mode<synchronous>, transform_indices = @transform_4, window_bounds = array<i64: 8, 256>}, {pipeline_mode = #tpu.pipeline_mode<synchronous>, transform_indices = @transform_5, window_bounds = array<i64: 8, 256>}]} {
    %get3A = arith.constant 0 : index
    %get3A_0 = arith.constant 0 : index
    %get3A_1 = vector.load %arg1[%get3A, %get3A_0] : memref<3200x128xf32, #tpu.memory_space<vmem>>, vector<3200x128xf32>
    %get3A_2 = arith.constant 0 : index
    %get3A_3 = arith.constant 0 : index
    %get3A_4 = vector.load %arg3[%get3A_2, %get3A_3] : memref<128x256xf32, #tpu.memory_space<vmem>>, vector<128x256xf32>
    %dot_general3A = arith.constant dense<0.000000e+00> : vector<3200x256xf32>
    %dot_general3A_5 = tpu.matmul %get3A_1, %get3A_4, %dot_general3A {dimension_numbers = #tpu.dot_dimension_numbers<[1], [0], [0], [1], [0, 0, 1, 1], [], []>, transpose_lhs_hint = false} : vector<3200x128xf32>, vector<128x256xf32>, vector<3200x256xf32> -> vector<3200x256xf32>
    %get3A_6 = arith.constant 0 : index
    %get3A_7 = arith.constant 0 : index
    %get3A_8 = vector.load %arg2[%get3A_6, %get3A_7] : memref<3200x128xf32, #tpu.memory_space<vmem>>, vector<3200x128xf32>
    %get3A_9 = arith.constant 0 : index
    %get3A_10 = arith.constant 0 : index
    %get3A_11 = vector.load %arg4[%get3A_9, %get3A_10] : memref<128x256xf32, #tpu.memory_space<vmem>>, vector<128x256xf32>
    %dot_general3A_12 = arith.constant dense<0.000000e+00> : vector<3200x256xf32>
    %dot_general3A_13 = tpu.matmul %get3A_8, %get3A_11, %dot_general3A_12 {dimension_numbers = #tpu.dot_dimension_numbers<[1], [0], [0], [1], [0, 0, 1, 1], [], []>, transpose_lhs_hint = false} : vector<3200x128xf32>, vector<128x256xf32>, vector<3200x256xf32> -> vector<3200x256xf32>
    %add3A = arith.addf %dot_general3A_5, %dot_general3A_13 : vector<3200x256xf32>
    %get3A_14 = arith.constant 0 : index
    %get3A_15 = arith.constant 0 : index
    %get3A_16 = vector.load %arg5[%get3A_14, %get3A_15] : memref<8x256xf32, #tpu.memory_space<vmem>>, vector<1x256xf32>
    %add3A_17 = vector.broadcast %get3A_16 : vector<1x256xf32> to vector<3200x256xf32>
    %add3A_18 = arith.addf %add3A, %add3A_17 : vector<3200x256xf32>
    %eq3A = arith.constant 0 : i32
    %eq3A_19 = arith.cmpi eq, %arg0, %eq3A : i32
    %convert_element_type3A = arith.extui %eq3A_19 : i1 to i32
    %cond3A = arith.constant 0 : i32
    %cond3A_20 = arith.cmpi ne, %convert_element_type3A, %cond3A : i32
    scf.if %cond3A_20 {
      %broadcast_in_dim3A_38 = arith.constant 0.000000e+00 : f32
      %broadcast_in_dim3A_39 = vector.broadcast %broadcast_in_dim3A_38 : f32 to vector<8x256xf32>
      %swap3A_40 = arith.constant 0 : index
      %swap3A_41 = arith.constant 0 : index
      %swap3A_42 = vector.load %arg6[%swap3A_40, %swap3A_41] : memref<8x256xf32, #tpu.memory_space<vmem>>, vector<8x256xf32>
      tpu.vector_store %arg6[%swap3A_40, %swap3A_41], %broadcast_in_dim3A_39 {strides = array<i32>} : memref<8x256xf32, #tpu.memory_space<vmem>>, vector<8x256xf32>,
    } else {
    }
    %get3A_21 = arith.constant 0 : index
    %get3A_22 = arith.constant 0 : index
    %get3A_23 = vector.load %arg6[%get3A_21, %get3A_22] : memref<8x256xf32, #tpu.memory_space<vmem>>, vector<1x256xf32>
    %reduce_sum3A = arith.constant dense<0.000000e+00> : vector<256xf32>
    %reduce_sum3A_24 = vector.multi_reduction <add>, %add3A_18, %reduce_sum3A [0] : vector<3200x256xf32> to vector<256xf32>
    %broadcast_in_dim3A = vector.shape_cast %reduce_sum3A_24 : vector<256xf32> to vector<1x256xf32>
    %add3A_25 = arith.addf %get3A_23, %broadcast_in_dim3A : vector<1x256xf32>
    %swap3A = arith.constant 0 : index
    %swap3A_26 = arith.constant 0 : index
    %swap3A_27 = vector.load %arg6[%swap3A, %swap3A_26] : memref<8x256xf32, #tpu.memory_space<vmem>>, vector<1x256xf32>
    tpu.vector_store %arg6[%swap3A, %swap3A_26], %add3A_25 {strides = array<i32>} : memref<8x256xf32, #tpu.memory_space<vmem>>, vector<1x256xf32>,
    %get3A_28 = arith.constant 1 : index
    %get3A_29 = arith.constant 0 : index
    %get3A_30 = vector.load %arg6[%get3A_28, %get3A_29] : memref<8x256xf32, #tpu.memory_space<vmem>>, vector<1x256xf32>
    %mul3A = arith.mulf %add3A_18, %add3A_18 : vector<3200x256xf32>
    %reduce_sum3A_31 = arith.constant dense<0.000000e+00> : vector<256xf32>
    %reduce_sum3A_32 = vector.multi_reduction <add>, %mul3A, %reduce_sum3A_31 [0] : vector<3200x256xf32> to vector<256xf32>
    %broadcast_in_dim3A_33 = vector.shape_cast %reduce_sum3A_32 : vector<256xf32> to vector<1x256xf32>
    %add3A_34 = arith.addf %get3A_30, %broadcast_in_dim3A_33 : vector<1x256xf32>
    %swap3A_35 = arith.constant 1 : index
    %swap3A_36 = arith.constant 0 : index
    %swap3A_37 = vector.load %arg6[%swap3A_35, %swap3A_36] : memref<8x256xf32, #tpu.memory_space<vmem>>, vector<1x256xf32>
    tpu.vector_store %arg6[%swap3A_35, %swap3A_36], %add3A_34 {strides = array<i32>} : memref<8x256xf32, #tpu.memory_space<vmem>>, vector<1x256xf32>,
    return
  }
  func.func @transform_0(%arg0: i32) -> (i32, i32) {
    %c0_i32 = arith.constant 0 : i32
    %c0_i32_0 = arith.constant 0 : i32
    return %arg0, %c0_i32 : i32, i32
  }
  func.func @transform_1(%arg0: i32) -> (i32, i32) {
    %c0_i32 = arith.constant 0 : i32
    %c0_i32_0 = arith.constant 0 : i32
    return %arg0, %c0_i32 : i32, i32
  }
  func.func @transform_2(%arg0: i32) -> (i32, i32) {
    %c0_i32 = arith.constant 0 : i32
    %c0_i32_0 = arith.constant 0 : i32
    %c0_i32_1 = arith.constant 0 : i32
    return %c0_i32, %c0_i32_0 : i32, i32
  }
  func.func @transform_3(%arg0: i32) -> (i32, i32) {
    %c0_i32 = arith.constant 0 : i32
    %c0_i32_0 = arith.constant 0 : i32
    %c0_i32_1 = arith.constant 0 : i32
    return %c0_i32, %c0_i32_0 : i32, i32
  }
  func.func @transform_4(%arg0: i32) -> (i32, i32) {
    %c0_i32 = arith.constant 0 : i32
    %c0_i32_0 = arith.constant 0 : i32
    %c0_i32_1 = arith.constant 0 : i32
    return %c0_i32, %c0_i32_0 : i32, i32
  }
  func.func @transform_5(%arg0: i32) -> (i32, i32) {
    %c0_i32 = arith.constant 0 : i32
    %c0_i32_0 = arith.constant 0 : i32
    %c0_i32_1 = arith.constant 0 : i32
    return %c0_i32, %c0_i32_0 : i32, i32
  }
}

module attributes {stable_mosaic.version = 14 : i64} {
  func.func @_k4(%arg0: i32, %arg1: memref<3200x128xf32, #tpu.memory_space<vmem>>, %arg2: memref<3200x128xf32, #tpu.memory_space<vmem>>, %arg3: memref<128x256xf32, #tpu.memory_space<vmem>>, %arg4: memref<128x256xf32, #tpu.memory_space<vmem>>, %arg5: memref<256x256xf32, #tpu.memory_space<vmem>>, %arg6: memref<8x256xf32, #tpu.memory_space<vmem>>, %arg7: memref<3200x256xf32, #tpu.memory_space<vmem>>, %arg8: memref<8x256xf32, #tpu.memory_space<vmem>>) attributes {dimension_semantics = [#tpu.dimension_semantics<arbitrary>], iteration_bounds = array<i64: 250>, scalar_prefetch = 0 : i64, scratch_operands = 0 : i64, tpu.core_type = #tpu.core_type<tc>, window_params = [{transform_indices = @transform_0, window_bounds = array<i64: 3200, 128>}, {transform_indices = @transform_1, window_bounds = array<i64: 3200, 128>}, {pipeline_mode = #tpu.pipeline_mode<synchronous>, transform_indices = @transform_2, window_bounds = array<i64: 128, 256>}, {pipeline_mode = #tpu.pipeline_mode<synchronous>, transform_indices = @transform_3, window_bounds = array<i64: 128, 256>}, {pipeline_mode = #tpu.pipeline_mode<synchronous>, transform_indices = @transform_4, window_bounds = array<i64: 256, 256>}, {pipeline_mode = #tpu.pipeline_mode<synchronous>, transform_indices = @transform_5, window_bounds = array<i64: 8, 256>}, {transform_indices = @transform_6, window_bounds = array<i64: 3200, 256>}, {pipeline_mode = #tpu.pipeline_mode<synchronous>, transform_indices = @transform_7, window_bounds = array<i64: 8, 256>}]} {
    %get3A = arith.constant 0 : index
    %get3A_0 = arith.constant 0 : index
    %get3A_1 = vector.load %arg1[%get3A, %get3A_0] : memref<3200x128xf32, #tpu.memory_space<vmem>>, vector<3200x128xf32>
    %get3A_2 = arith.constant 0 : index
    %get3A_3 = arith.constant 0 : index
    %get3A_4 = vector.load %arg3[%get3A_2, %get3A_3] : memref<128x256xf32, #tpu.memory_space<vmem>>, vector<128x256xf32>
    %dot_general3A = arith.constant dense<0.000000e+00> : vector<3200x256xf32>
    %dot_general3A_5 = tpu.matmul %get3A_1, %get3A_4, %dot_general3A {dimension_numbers = #tpu.dot_dimension_numbers<[1], [0], [0], [1], [0, 0, 1, 1], [], []>, transpose_lhs_hint = false} : vector<3200x128xf32>, vector<128x256xf32>, vector<3200x256xf32> -> vector<3200x256xf32>
    %get3A_6 = arith.constant 0 : index
    %get3A_7 = arith.constant 0 : index
    %get3A_8 = vector.load %arg2[%get3A_6, %get3A_7] : memref<3200x128xf32, #tpu.memory_space<vmem>>, vector<3200x128xf32>
    %get3A_9 = arith.constant 0 : index
    %get3A_10 = arith.constant 0 : index
    %get3A_11 = vector.load %arg4[%get3A_9, %get3A_10] : memref<128x256xf32, #tpu.memory_space<vmem>>, vector<128x256xf32>
    %dot_general3A_12 = arith.constant dense<0.000000e+00> : vector<3200x256xf32>
    %dot_general3A_13 = tpu.matmul %get3A_8, %get3A_11, %dot_general3A_12 {dimension_numbers = #tpu.dot_dimension_numbers<[1], [0], [0], [1], [0, 0, 1, 1], [], []>, transpose_lhs_hint = false} : vector<3200x128xf32>, vector<128x256xf32>, vector<3200x256xf32> -> vector<3200x256xf32>
    %add3A = arith.addf %dot_general3A_5, %dot_general3A_13 : vector<3200x256xf32>
    %get3A_14 = arith.constant 0 : index
    %get3A_15 = arith.constant 0 : index
    %get3A_16 = vector.load %arg6[%get3A_14, %get3A_15] : memref<8x256xf32, #tpu.memory_space<vmem>>, vector<1x256xf32>
    %add3A_17 = vector.broadcast %get3A_16 : vector<1x256xf32> to vector<3200x256xf32>
    %add3A_18 = arith.addf %add3A, %add3A_17 : vector<3200x256xf32>
    %get3A_19 = arith.constant 1 : index
    %get3A_20 = arith.constant 0 : index
    %get3A_21 = vector.load %arg6[%get3A_19, %get3A_20] : memref<8x256xf32, #tpu.memory_space<vmem>>, vector<1x256xf32>
    %mul3A = vector.broadcast %get3A_21 : vector<1x256xf32> to vector<3200x256xf32>
    %mul3A_22 = arith.mulf %add3A_18, %mul3A : vector<3200x256xf32>
    %get3A_23 = arith.constant 2 : index
    %get3A_24 = arith.constant 0 : index
    %get3A_25 = vector.load %arg6[%get3A_23, %get3A_24] : memref<8x256xf32, #tpu.memory_space<vmem>>, vector<1x256xf32>
    %add3A_26 = vector.broadcast %get3A_25 : vector<1x256xf32> to vector<3200x256xf32>
    %add3A_27 = arith.addf %mul3A_22, %add3A_26 : vector<3200x256xf32>
    %max3A = arith.constant 0.000000e+00 : f32
    %max3A_28 = vector.broadcast %max3A : f32 to vector<3200x256xf32>
    %max3A_29 = arith.maximumf %add3A_27, %max3A_28 : vector<3200x256xf32>
    %get3A_30 = arith.constant 0 : index
    %get3A_31 = arith.constant 0 : index
    %get3A_32 = vector.load %arg5[%get3A_30, %get3A_31] : memref<256x256xf32, #tpu.memory_space<vmem>>, vector<256x256xf32>
    %dot_general3A_33 = arith.constant dense<0.000000e+00> : vector<3200x256xf32>
    %dot_general3A_34 = tpu.matmul %max3A_29, %get3A_32, %dot_general3A_33 {dimension_numbers = #tpu.dot_dimension_numbers<[1], [0], [0], [1], [0, 0, 1, 1], [], []>, transpose_lhs_hint = false} : vector<3200x256xf32>, vector<256x256xf32>, vector<3200x256xf32> -> vector<3200x256xf32>
    %get3A_35 = arith.constant 3 : index
    %get3A_36 = arith.constant 0 : index
    %get3A_37 = vector.load %arg6[%get3A_35, %get3A_36] : memref<8x256xf32, #tpu.memory_space<vmem>>, vector<1x256xf32>
    %add3A_38 = vector.broadcast %get3A_37 : vector<1x256xf32> to vector<3200x256xf32>
    %add3A_39 = arith.addf %dot_general3A_34, %add3A_38 : vector<3200x256xf32>
    %swap3A = arith.constant 0 : index
    %swap3A_40 = arith.constant 0 : index
    %swap3A_41 = vector.load %arg7[%swap3A, %swap3A_40] : memref<3200x256xf32, #tpu.memory_space<vmem>>, vector<3200x256xf32>
    tpu.vector_store %arg7[%swap3A, %swap3A_40], %add3A_39 {strides = array<i32>} : memref<3200x256xf32, #tpu.memory_space<vmem>>, vector<3200x256xf32>,
    %eq3A = arith.constant 0 : i32
    %eq3A_42 = arith.cmpi eq, %arg0, %eq3A : i32
    %convert_element_type3A = arith.extui %eq3A_42 : i1 to i32
    %cond3A = arith.constant 0 : i32
    %cond3A_43 = arith.cmpi ne, %convert_element_type3A, %cond3A : i32
    scf.if %cond3A_43 {
      %broadcast_in_dim3A_63 = arith.constant 0.000000e+00 : f32
      %broadcast_in_dim3A_64 = vector.broadcast %broadcast_in_dim3A_63 : f32 to vector<8x256xf32>
      %swap3A_65 = arith.constant 0 : index
      %swap3A_66 = arith.constant 0 : index
      %swap3A_67 = vector.load %arg8[%swap3A_65, %swap3A_66] : memref<8x256xf32, #tpu.memory_space<vmem>>, vector<8x256xf32>
      tpu.vector_store %arg8[%swap3A_65, %swap3A_66], %broadcast_in_dim3A_64 {strides = array<i32>} : memref<8x256xf32, #tpu.memory_space<vmem>>, vector<8x256xf32>,
    } else {
    }
    %get3A_44 = arith.constant 0 : index
    %get3A_45 = arith.constant 0 : index
    %get3A_46 = vector.load %arg8[%get3A_44, %get3A_45] : memref<8x256xf32, #tpu.memory_space<vmem>>, vector<1x256xf32>
    %reduce_sum3A = arith.constant dense<0.000000e+00> : vector<256xf32>
    %reduce_sum3A_47 = vector.multi_reduction <add>, %add3A_39, %reduce_sum3A [0] : vector<3200x256xf32> to vector<256xf32>
    %broadcast_in_dim3A = vector.shape_cast %reduce_sum3A_47 : vector<256xf32> to vector<1x256xf32>
    %add3A_48 = arith.addf %get3A_46, %broadcast_in_dim3A : vector<1x256xf32>
    %swap3A_49 = arith.constant 0 : index
    %swap3A_50 = arith.constant 0 : index
    %swap3A_51 = vector.load %arg8[%swap3A_49, %swap3A_50] : memref<8x256xf32, #tpu.memory_space<vmem>>, vector<1x256xf32>
    tpu.vector_store %arg8[%swap3A_49, %swap3A_50], %add3A_48 {strides = array<i32>} : memref<8x256xf32, #tpu.memory_space<vmem>>, vector<1x256xf32>,
    %get3A_52 = arith.constant 1 : index
    %get3A_53 = arith.constant 0 : index
    %get3A_54 = vector.load %arg8[%get3A_52, %get3A_53] : memref<8x256xf32, #tpu.memory_space<vmem>>, vector<1x256xf32>
    %mul3A_55 = arith.mulf %add3A_39, %add3A_39 : vector<3200x256xf32>
    %reduce_sum3A_56 = arith.constant dense<0.000000e+00> : vector<256xf32>
    %reduce_sum3A_57 = vector.multi_reduction <add>, %mul3A_55, %reduce_sum3A_56 [0] : vector<3200x256xf32> to vector<256xf32>
    %broadcast_in_dim3A_58 = vector.shape_cast %reduce_sum3A_57 : vector<256xf32> to vector<1x256xf32>
    %add3A_59 = arith.addf %get3A_54, %broadcast_in_dim3A_58 : vector<1x256xf32>
    %swap3A_60 = arith.constant 1 : index
    %swap3A_61 = arith.constant 0 : index
    %swap3A_62 = vector.load %arg8[%swap3A_60, %swap3A_61] : memref<8x256xf32, #tpu.memory_space<vmem>>, vector<1x256xf32>
    tpu.vector_store %arg8[%swap3A_60, %swap3A_61], %add3A_59 {strides = array<i32>} : memref<8x256xf32, #tpu.memory_space<vmem>>, vector<1x256xf32>,
    return
  }
  func.func @transform_0(%arg0: i32) -> (i32, i32) {
    %c0_i32 = arith.constant 0 : i32
    %c0_i32_0 = arith.constant 0 : i32
    return %arg0, %c0_i32 : i32, i32
  }
  func.func @transform_1(%arg0: i32) -> (i32, i32) {
    %c0_i32 = arith.constant 0 : i32
    %c0_i32_0 = arith.constant 0 : i32
    return %arg0, %c0_i32 : i32, i32
  }
  func.func @transform_2(%arg0: i32) -> (i32, i32) {
    %c0_i32 = arith.constant 0 : i32
    %c0_i32_0 = arith.constant 0 : i32
    %c0_i32_1 = arith.constant 0 : i32
    return %c0_i32, %c0_i32_0 : i32, i32
  }
  func.func @transform_3(%arg0: i32) -> (i32, i32) {
    %c0_i32 = arith.constant 0 : i32
    %c0_i32_0 = arith.constant 0 : i32
    %c0_i32_1 = arith.constant 0 : i32
    return %c0_i32, %c0_i32_0 : i32, i32
  }
  func.func @transform_4(%arg0: i32) -> (i32, i32) {
    %c0_i32 = arith.constant 0 : i32
    %c0_i32_0 = arith.constant 0 : i32
    %c0_i32_1 = arith.constant 0 : i32
    return %c0_i32, %c0_i32_0 : i32, i32
  }
  func.func @transform_5(%arg0: i32) -> (i32, i32) {
    %c0_i32 = arith.constant 0 : i32
    %c0_i32_0 = arith.constant 0 : i32
    %c0_i32_1 = arith.constant 0 : i32
    return %c0_i32, %c0_i32_0 : i32, i32
  }
  func.func @transform_6(%arg0: i32) -> (i32, i32) {
    %c0_i32 = arith.constant 0 : i32
    %c0_i32_0 = arith.constant 0 : i32
    return %arg0, %c0_i32 : i32, i32
  }
  func.func @transform_7(%arg0: i32) -> (i32, i32) {
    %c0_i32 = arith.constant 0 : i32
    %c0_i32_0 = arith.constant 0 : i32
    %c0_i32_1 = arith.constant 0 : i32
    return %c0_i32, %c0_i32_0 : i32, i32
  }
}

module attributes {stable_mosaic.version = 14 : i64} {
  func.func @_k5(%arg0: i32, %arg1: memref<3200x256xf32, #tpu.memory_space<vmem>>, %arg2: memref<3200x128xf32, #tpu.memory_space<vmem>>, %arg3: memref<128x256xf32, #tpu.memory_space<vmem>>, %arg4: memref<256x256xf32, #tpu.memory_space<vmem>>, %arg5: memref<8x256xf32, #tpu.memory_space<vmem>>, %arg6: memref<3200x256xf32, #tpu.memory_space<vmem>>, %arg7: memref<8x256xf32, #tpu.memory_space<vmem>>) attributes {dimension_semantics = [#tpu.dimension_semantics<arbitrary>], iteration_bounds = array<i64: 250>, scalar_prefetch = 0 : i64, scratch_operands = 0 : i64, tpu.core_type = #tpu.core_type<tc>, window_params = [{transform_indices = @transform_0, window_bounds = array<i64: 3200, 256>}, {transform_indices = @transform_1, window_bounds = array<i64: 3200, 128>}, {pipeline_mode = #tpu.pipeline_mode<synchronous>, transform_indices = @transform_2, window_bounds = array<i64: 128, 256>}, {pipeline_mode = #tpu.pipeline_mode<synchronous>, transform_indices = @transform_3, window_bounds = array<i64: 256, 256>}, {pipeline_mode = #tpu.pipeline_mode<synchronous>, transform_indices = @transform_4, window_bounds = array<i64: 8, 256>}, {transform_indices = @transform_5, window_bounds = array<i64: 3200, 256>}, {pipeline_mode = #tpu.pipeline_mode<synchronous>, transform_indices = @transform_6, window_bounds = array<i64: 8, 256>}]} {
    %get3A = arith.constant 0 : index
    %get3A_0 = arith.constant 0 : index
    %get3A_1 = vector.load %arg1[%get3A, %get3A_0] : memref<3200x256xf32, #tpu.memory_space<vmem>>, vector<3200x256xf32>
    %get3A_2 = arith.constant 0 : index
    %get3A_3 = arith.constant 0 : index
    %get3A_4 = vector.load %arg5[%get3A_2, %get3A_3] : memref<8x256xf32, #tpu.memory_space<vmem>>, vector<1x256xf32>
    %mul3A = vector.broadcast %get3A_4 : vector<1x256xf32> to vector<3200x256xf32>
    %mul3A_5 = arith.mulf %get3A_1, %mul3A : vector<3200x256xf32>
    %get3A_6 = arith.constant 1 : index
    %get3A_7 = arith.constant 0 : index
    %get3A_8 = vector.load %arg5[%get3A_6, %get3A_7] : memref<8x256xf32, #tpu.memory_space<vmem>>, vector<1x256xf32>
    %add3A = vector.broadcast %get3A_8 : vector<1x256xf32> to vector<3200x256xf32>
    %add3A_9 = arith.addf %mul3A_5, %add3A : vector<3200x256xf32>
    %get3A_10 = arith.constant 0 : index
    %get3A_11 = arith.constant 0 : index
    %get3A_12 = vector.load %arg2[%get3A_10, %get3A_11] : memref<3200x128xf32, #tpu.memory_space<vmem>>, vector<3200x128xf32>
    %get3A_13 = arith.constant 0 : index
    %get3A_14 = arith.constant 0 : index
    %get3A_15 = vector.load %arg3[%get3A_13, %get3A_14] : memref<128x256xf32, #tpu.memory_space<vmem>>, vector<128x256xf32>
    %dot_general3A = arith.constant dense<0.000000e+00> : vector<3200x256xf32>
    %dot_general3A_16 = tpu.matmul %get3A_12, %get3A_15, %dot_general3A {dimension_numbers = #tpu.dot_dimension_numbers<[1], [0], [0], [1], [0, 0, 1, 1], [], []>, transpose_lhs_hint = false} : vector<3200x128xf32>, vector<128x256xf32>, vector<3200x256xf32> -> vector<3200x256xf32>
    %get3A_17 = arith.constant 0 : index
    %get3A_18 = arith.constant 0 : index
    %get3A_19 = vector.load %arg4[%get3A_17, %get3A_18] : memref<256x256xf32, #tpu.memory_space<vmem>>, vector<256x256xf32>
    %dot_general3A_20 = arith.constant dense<0.000000e+00> : vector<3200x256xf32>
    %dot_general3A_21 = tpu.matmul %add3A_9, %get3A_19, %dot_general3A_20 {dimension_numbers = #tpu.dot_dimension_numbers<[1], [0], [0], [1], [0, 0, 1, 1], [], []>, transpose_lhs_hint = false} : vector<3200x256xf32>, vector<256x256xf32>, vector<3200x256xf32> -> vector<3200x256xf32>
    %add3A_22 = arith.addf %dot_general3A_16, %dot_general3A_21 : vector<3200x256xf32>
    %get3A_23 = arith.constant 2 : index
    %get3A_24 = arith.constant 0 : index
    %get3A_25 = vector.load %arg5[%get3A_23, %get3A_24] : memref<8x256xf32, #tpu.memory_space<vmem>>, vector<1x256xf32>
    %add3A_26 = vector.broadcast %get3A_25 : vector<1x256xf32> to vector<3200x256xf32>
    %add3A_27 = arith.addf %add3A_22, %add3A_26 : vector<3200x256xf32>
    %swap3A = arith.constant 0 : index
    %swap3A_28 = arith.constant 0 : index
    %swap3A_29 = vector.load %arg6[%swap3A, %swap3A_28] : memref<3200x256xf32, #tpu.memory_space<vmem>>, vector<3200x256xf32>
    tpu.vector_store %arg6[%swap3A, %swap3A_28], %add3A_27 {strides = array<i32>} : memref<3200x256xf32, #tpu.memory_space<vmem>>, vector<3200x256xf32>,
    %eq3A = arith.constant 0 : i32
    %eq3A_30 = arith.cmpi eq, %arg0, %eq3A : i32
    %convert_element_type3A = arith.extui %eq3A_30 : i1 to i32
    %cond3A = arith.constant 0 : i32
    %cond3A_31 = arith.cmpi ne, %convert_element_type3A, %cond3A : i32
    scf.if %cond3A_31 {
      %broadcast_in_dim3A_51 = arith.constant 0.000000e+00 : f32
      %broadcast_in_dim3A_52 = vector.broadcast %broadcast_in_dim3A_51 : f32 to vector<8x256xf32>
      %swap3A_53 = arith.constant 0 : index
      %swap3A_54 = arith.constant 0 : index
      %swap3A_55 = vector.load %arg7[%swap3A_53, %swap3A_54] : memref<8x256xf32, #tpu.memory_space<vmem>>, vector<8x256xf32>
      tpu.vector_store %arg7[%swap3A_53, %swap3A_54], %broadcast_in_dim3A_52 {strides = array<i32>} : memref<8x256xf32, #tpu.memory_space<vmem>>, vector<8x256xf32>,
    } else {
    }
    %get3A_32 = arith.constant 0 : index
    %get3A_33 = arith.constant 0 : index
    %get3A_34 = vector.load %arg7[%get3A_32, %get3A_33] : memref<8x256xf32, #tpu.memory_space<vmem>>, vector<1x256xf32>
    %reduce_sum3A = arith.constant dense<0.000000e+00> : vector<256xf32>
    %reduce_sum3A_35 = vector.multi_reduction <add>, %add3A_27, %reduce_sum3A [0] : vector<3200x256xf32> to vector<256xf32>
    %broadcast_in_dim3A = vector.shape_cast %reduce_sum3A_35 : vector<256xf32> to vector<1x256xf32>
    %add3A_36 = arith.addf %get3A_34, %broadcast_in_dim3A : vector<1x256xf32>
    %swap3A_37 = arith.constant 0 : index
    %swap3A_38 = arith.constant 0 : index
    %swap3A_39 = vector.load %arg7[%swap3A_37, %swap3A_38] : memref<8x256xf32, #tpu.memory_space<vmem>>, vector<1x256xf32>
    tpu.vector_store %arg7[%swap3A_37, %swap3A_38], %add3A_36 {strides = array<i32>} : memref<8x256xf32, #tpu.memory_space<vmem>>, vector<1x256xf32>,
    %get3A_40 = arith.constant 1 : index
    %get3A_41 = arith.constant 0 : index
    %get3A_42 = vector.load %arg7[%get3A_40, %get3A_41] : memref<8x256xf32, #tpu.memory_space<vmem>>, vector<1x256xf32>
    %mul3A_43 = arith.mulf %add3A_27, %add3A_27 : vector<3200x256xf32>
    %reduce_sum3A_44 = arith.constant dense<0.000000e+00> : vector<256xf32>
    %reduce_sum3A_45 = vector.multi_reduction <add>, %mul3A_43, %reduce_sum3A_44 [0] : vector<3200x256xf32> to vector<256xf32>
    %broadcast_in_dim3A_46 = vector.shape_cast %reduce_sum3A_45 : vector<256xf32> to vector<1x256xf32>
    %add3A_47 = arith.addf %get3A_42, %broadcast_in_dim3A_46 : vector<1x256xf32>
    %swap3A_48 = arith.constant 1 : index
    %swap3A_49 = arith.constant 0 : index
    %swap3A_50 = vector.load %arg7[%swap3A_48, %swap3A_49] : memref<8x256xf32, #tpu.memory_space<vmem>>, vector<1x256xf32>
    tpu.vector_store %arg7[%swap3A_48, %swap3A_49], %add3A_47 {strides = array<i32>} : memref<8x256xf32, #tpu.memory_space<vmem>>, vector<1x256xf32>,
    return
  }
  func.func @transform_0(%arg0: i32) -> (i32, i32) {
    %c0_i32 = arith.constant 0 : i32
    %c0_i32_0 = arith.constant 0 : i32
    return %arg0, %c0_i32 : i32, i32
  }
  func.func @transform_1(%arg0: i32) -> (i32, i32) {
    %c0_i32 = arith.constant 0 : i32
    %c0_i32_0 = arith.constant 0 : i32
    return %arg0, %c0_i32 : i32, i32
  }
  func.func @transform_2(%arg0: i32) -> (i32, i32) {
    %c0_i32 = arith.constant 0 : i32
    %c0_i32_0 = arith.constant 0 : i32
    %c0_i32_1 = arith.constant 0 : i32
    return %c0_i32, %c0_i32_0 : i32, i32
  }
  func.func @transform_3(%arg0: i32) -> (i32, i32) {
    %c0_i32 = arith.constant 0 : i32
    %c0_i32_0 = arith.constant 0 : i32
    %c0_i32_1 = arith.constant 0 : i32
    return %c0_i32, %c0_i32_0 : i32, i32
  }
  func.func @transform_4(%arg0: i32) -> (i32, i32) {
    %c0_i32 = arith.constant 0 : i32
    %c0_i32_0 = arith.constant 0 : i32
    %c0_i32_1 = arith.constant 0 : i32
    return %c0_i32, %c0_i32_0 : i32, i32
  }
  func.func @transform_5(%arg0: i32) -> (i32, i32) {
    %c0_i32 = arith.constant 0 : i32
    %c0_i32_0 = arith.constant 0 : i32
    return %arg0, %c0_i32 : i32, i32
  }
  func.func @transform_6(%arg0: i32) -> (i32, i32) {
    %c0_i32 = arith.constant 0 : i32
    %c0_i32_0 = arith.constant 0 : i32
    %c0_i32_1 = arith.constant 0 : i32
    return %c0_i32, %c0_i32_0 : i32, i32
  }
}

module attributes {stable_mosaic.version = 14 : i64} {
  func.func @_k6(%arg0: i32, %arg1: memref<3200x256xf32, #tpu.memory_space<vmem>>, %arg2: memref<256x256xf32, #tpu.memory_space<vmem>>, %arg3: memref<8x256xf32, #tpu.memory_space<vmem>>, %arg4: memref<3200x256xf32, #tpu.memory_space<vmem>>, %arg5: memref<8x256xf32, #tpu.memory_space<vmem>>) attributes {dimension_semantics = [#tpu.dimension_semantics<arbitrary>], iteration_bounds = array<i64: 250>, scalar_prefetch = 0 : i64, scratch_operands = 0 : i64, tpu.core_type = #tpu.core_type<tc>, window_params = [{transform_indices = @transform_0, window_bounds = array<i64: 3200, 256>}, {pipeline_mode = #tpu.pipeline_mode<synchronous>, transform_indices = @transform_1, window_bounds = array<i64: 256, 256>}, {pipeline_mode = #tpu.pipeline_mode<synchronous>, transform_indices = @transform_2, window_bounds = array<i64: 8, 256>}, {transform_indices = @transform_3, window_bounds = array<i64: 3200, 256>}, {pipeline_mode = #tpu.pipeline_mode<synchronous>, transform_indices = @transform_4, window_bounds = array<i64: 8, 256>}]} {
    %get3A = arith.constant 0 : index
    %get3A_0 = arith.constant 0 : index
    %get3A_1 = vector.load %arg1[%get3A, %get3A_0] : memref<3200x256xf32, #tpu.memory_space<vmem>>, vector<3200x256xf32>
    %get3A_2 = arith.constant 0 : index
    %get3A_3 = arith.constant 0 : index
    %get3A_4 = vector.load %arg3[%get3A_2, %get3A_3] : memref<8x256xf32, #tpu.memory_space<vmem>>, vector<1x256xf32>
    %mul3A = vector.broadcast %get3A_4 : vector<1x256xf32> to vector<3200x256xf32>
    %mul3A_5 = arith.mulf %get3A_1, %mul3A : vector<3200x256xf32>
    %get3A_6 = arith.constant 1 : index
    %get3A_7 = arith.constant 0 : index
    %get3A_8 = vector.load %arg3[%get3A_6, %get3A_7] : memref<8x256xf32, #tpu.memory_space<vmem>>, vector<1x256xf32>
    %add3A = vector.broadcast %get3A_8 : vector<1x256xf32> to vector<3200x256xf32>
    %add3A_9 = arith.addf %mul3A_5, %add3A : vector<3200x256xf32>
    %max3A = arith.constant 0.000000e+00 : f32
    %max3A_10 = vector.broadcast %max3A : f32 to vector<3200x256xf32>
    %max3A_11 = arith.maximumf %add3A_9, %max3A_10 : vector<3200x256xf32>
    %get3A_12 = arith.constant 0 : index
    %get3A_13 = arith.constant 0 : index
    %get3A_14 = vector.load %arg2[%get3A_12, %get3A_13] : memref<256x256xf32, #tpu.memory_space<vmem>>, vector<256x256xf32>
    %dot_general3A = arith.constant dense<0.000000e+00> : vector<3200x256xf32>
    %dot_general3A_15 = tpu.matmul %max3A_11, %get3A_14, %dot_general3A {dimension_numbers = #tpu.dot_dimension_numbers<[1], [0], [0], [1], [0, 0, 1, 1], [], []>, transpose_lhs_hint = false} : vector<3200x256xf32>, vector<256x256xf32>, vector<3200x256xf32> -> vector<3200x256xf32>
    %get3A_16 = arith.constant 2 : index
    %get3A_17 = arith.constant 0 : index
    %get3A_18 = vector.load %arg3[%get3A_16, %get3A_17] : memref<8x256xf32, #tpu.memory_space<vmem>>, vector<1x256xf32>
    %add3A_19 = vector.broadcast %get3A_18 : vector<1x256xf32> to vector<3200x256xf32>
    %add3A_20 = arith.addf %dot_general3A_15, %add3A_19 : vector<3200x256xf32>
    %swap3A = arith.constant 0 : index
    %swap3A_21 = arith.constant 0 : index
    %swap3A_22 = vector.load %arg4[%swap3A, %swap3A_21] : memref<3200x256xf32, #tpu.memory_space<vmem>>, vector<3200x256xf32>
    tpu.vector_store %arg4[%swap3A, %swap3A_21], %add3A_20 {strides = array<i32>} : memref<3200x256xf32, #tpu.memory_space<vmem>>, vector<3200x256xf32>,
    %eq3A = arith.constant 0 : i32
    %eq3A_23 = arith.cmpi eq, %arg0, %eq3A : i32
    %convert_element_type3A = arith.extui %eq3A_23 : i1 to i32
    %cond3A = arith.constant 0 : i32
    %cond3A_24 = arith.cmpi ne, %convert_element_type3A, %cond3A : i32
    scf.if %cond3A_24 {
      %broadcast_in_dim3A_44 = arith.constant 0.000000e+00 : f32
      %broadcast_in_dim3A_45 = vector.broadcast %broadcast_in_dim3A_44 : f32 to vector<8x256xf32>
      %swap3A_46 = arith.constant 0 : index
      %swap3A_47 = arith.constant 0 : index
      %swap3A_48 = vector.load %arg5[%swap3A_46, %swap3A_47] : memref<8x256xf32, #tpu.memory_space<vmem>>, vector<8x256xf32>
      tpu.vector_store %arg5[%swap3A_46, %swap3A_47], %broadcast_in_dim3A_45 {strides = array<i32>} : memref<8x256xf32, #tpu.memory_space<vmem>>, vector<8x256xf32>,
    } else {
    }
    %get3A_25 = arith.constant 0 : index
    %get3A_26 = arith.constant 0 : index
    %get3A_27 = vector.load %arg5[%get3A_25, %get3A_26] : memref<8x256xf32, #tpu.memory_space<vmem>>, vector<1x256xf32>
    %reduce_sum3A = arith.constant dense<0.000000e+00> : vector<256xf32>
    %reduce_sum3A_28 = vector.multi_reduction <add>, %add3A_20, %reduce_sum3A [0] : vector<3200x256xf32> to vector<256xf32>
    %broadcast_in_dim3A = vector.shape_cast %reduce_sum3A_28 : vector<256xf32> to vector<1x256xf32>
    %add3A_29 = arith.addf %get3A_27, %broadcast_in_dim3A : vector<1x256xf32>
    %swap3A_30 = arith.constant 0 : index
    %swap3A_31 = arith.constant 0 : index
    %swap3A_32 = vector.load %arg5[%swap3A_30, %swap3A_31] : memref<8x256xf32, #tpu.memory_space<vmem>>, vector<1x256xf32>
    tpu.vector_store %arg5[%swap3A_30, %swap3A_31], %add3A_29 {strides = array<i32>} : memref<8x256xf32, #tpu.memory_space<vmem>>, vector<1x256xf32>,
    %get3A_33 = arith.constant 1 : index
    %get3A_34 = arith.constant 0 : index
    %get3A_35 = vector.load %arg5[%get3A_33, %get3A_34] : memref<8x256xf32, #tpu.memory_space<vmem>>, vector<1x256xf32>
    %mul3A_36 = arith.mulf %add3A_20, %add3A_20 : vector<3200x256xf32>
    %reduce_sum3A_37 = arith.constant dense<0.000000e+00> : vector<256xf32>
    %reduce_sum3A_38 = vector.multi_reduction <add>, %mul3A_36, %reduce_sum3A_37 [0] : vector<3200x256xf32> to vector<256xf32>
    %broadcast_in_dim3A_39 = vector.shape_cast %reduce_sum3A_38 : vector<256xf32> to vector<1x256xf32>
    %add3A_40 = arith.addf %get3A_35, %broadcast_in_dim3A_39 : vector<1x256xf32>
    %swap3A_41 = arith.constant 1 : index
    %swap3A_42 = arith.constant 0 : index
    %swap3A_43 = vector.load %arg5[%swap3A_41, %swap3A_42] : memref<8x256xf32, #tpu.memory_space<vmem>>, vector<1x256xf32>
    tpu.vector_store %arg5[%swap3A_41, %swap3A_42], %add3A_40 {strides = array<i32>} : memref<8x256xf32, #tpu.memory_space<vmem>>, vector<1x256xf32>,
    return
  }
  func.func @transform_0(%arg0: i32) -> (i32, i32) {
    %c0_i32 = arith.constant 0 : i32
    %c0_i32_0 = arith.constant 0 : i32
    return %arg0, %c0_i32 : i32, i32
  }
  func.func @transform_1(%arg0: i32) -> (i32, i32) {
    %c0_i32 = arith.constant 0 : i32
    %c0_i32_0 = arith.constant 0 : i32
    %c0_i32_1 = arith.constant 0 : i32
    return %c0_i32, %c0_i32_0 : i32, i32
  }
  func.func @transform_2(%arg0: i32) -> (i32, i32) {
    %c0_i32 = arith.constant 0 : i32
    %c0_i32_0 = arith.constant 0 : i32
    %c0_i32_1 = arith.constant 0 : i32
    return %c0_i32, %c0_i32_0 : i32, i32
  }
  func.func @transform_3(%arg0: i32) -> (i32, i32) {
    %c0_i32 = arith.constant 0 : i32
    %c0_i32_0 = arith.constant 0 : i32
    return %arg0, %c0_i32 : i32, i32
  }
  func.func @transform_4(%arg0: i32) -> (i32, i32) {
    %c0_i32 = arith.constant 0 : i32
    %c0_i32_0 = arith.constant 0 : i32
    %c0_i32_1 = arith.constant 0 : i32
    return %c0_i32, %c0_i32_0 : i32, i32
  }
}

module attributes {stable_mosaic.version = 14 : i64} {
  func.func @_k8(%arg0: i32, %arg1: memref<2000x128xf32, #tpu.memory_space<vmem>>, %arg2: memref<2000x256xf32, #tpu.memory_space<vmem>>, %arg3: memref<2000x16xf32, #tpu.memory_space<vmem>>, %arg4: memref<128x256xf32, #tpu.memory_space<vmem>>, %arg5: memref<256x256xf32, #tpu.memory_space<vmem>>, %arg6: memref<8x256xf32, #tpu.memory_space<vmem>>, %arg7: memref<2000x256xf32, #tpu.memory_space<vmem>>, %arg8: memref<8x256xf32, #tpu.memory_space<vmem>>) attributes {dimension_semantics = [#tpu.dimension_semantics<arbitrary>], iteration_bounds = array<i64: 25>, scalar_prefetch = 0 : i64, scratch_operands = 0 : i64, tpu.core_type = #tpu.core_type<tc>, window_params = [{transform_indices = @transform_0, window_bounds = array<i64: 2000, 128>}, {transform_indices = @transform_1, window_bounds = array<i64: 2000, 256>}, {transform_indices = @transform_2, window_bounds = array<i64: 2000, 16>}, {pipeline_mode = #tpu.pipeline_mode<synchronous>, transform_indices = @transform_3, window_bounds = array<i64: 128, 256>}, {pipeline_mode = #tpu.pipeline_mode<synchronous>, transform_indices = @transform_4, window_bounds = array<i64: 256, 256>}, {pipeline_mode = #tpu.pipeline_mode<synchronous>, transform_indices = @transform_5, window_bounds = array<i64: 8, 256>}, {transform_indices = @transform_6, window_bounds = array<i64: 2000, 256>}, {pipeline_mode = #tpu.pipeline_mode<synchronous>, transform_indices = @transform_7, window_bounds = array<i64: 8, 256>}]} {
    %get3A = arith.constant 0 : index
    %get3A_0 = arith.constant 0 : index
    %get3A_1 = vector.load %arg3[%get3A, %get3A_0] : memref<2000x16xf32, #tpu.memory_space<vmem>>, vector<2000x16xf32>
    %slice3A = vector.extract_strided_slice %get3A_1 {offsets = [0, 0], sizes = [2000, 1], strides = [1, 1]} : vector<2000x16xf32> to vector<2000x1xf32>
    %get3A_2 = arith.constant 0 : index
    %get3A_3 = arith.constant 0 : index
    %get3A_4 = vector.load %arg2[%get3A_2, %get3A_3] : memref<2000x256xf32, #tpu.memory_space<vmem>>, vector<2000x256xf32>
    %max3A = arith.constant 1.000000e+00 : f32
    %max3A_5 = vector.broadcast %max3A : f32 to vector<2000x1xf32>
    %max3A_6 = arith.maximumf %slice3A, %max3A_5 : vector<2000x1xf32>
    %div3A = vector.broadcast %max3A_6 : vector<2000x1xf32> to vector<2000x256xf32>
    %div3A_7 = arith.divf %get3A_4, %div3A : vector<2000x256xf32>
    %gt3A = arith.constant 0.000000e+00 : f32
    %gt3A_8 = vector.broadcast %gt3A : f32 to vector<2000x1xf32>
    %gt3A_9 = arith.cmpf ogt, %slice3A, %gt3A_8 : vector<2000x1xf32>
    %get3A_10 = arith.constant 0 : index
    %get3A_11 = arith.constant 0 : index
    %get3A_12 = vector.load %arg6[%get3A_10, %get3A_11] : memref<8x256xf32, #tpu.memory_space<vmem>>, vector<1x256xf32>
    %mul3A = vector.broadcast %get3A_12 : vector<1x256xf32> to vector<2000x256xf32>
    %mul3A_13 = arith.mulf %div3A_7, %mul3A : vector<2000x256xf32>
    %get3A_14 = arith.constant 1 : index
    %get3A_15 = arith.constant 0 : index
    %get3A_16 = vector.load %arg6[%get3A_14, %get3A_15] : memref<8x256xf32, #tpu.memory_space<vmem>>, vector<1x256xf32>
    %add3A = vector.broadcast %get3A_16 : vector<1x256xf32> to vector<2000x256xf32>
    %add3A_17 = arith.addf %mul3A_13, %add3A : vector<2000x256xf32>
    %jit3A = arith.constant 0.000000e+00 : f32
    %broadcast_in_dim3A = vector.shape_cast %gt3A_9 : vector<2000x1xi1> to vector<2000x1xi1>
    %broadcast_in_dim3A_18 = vector.broadcast %broadcast_in_dim3A : vector<2000x1xi1> to vector<2000x256xi1>
    %broadcast_in_dim3A_19 = vector.broadcast %jit3A : f32 to vector<2000x256xf32>
    %select_n3A = arith.select %broadcast_in_dim3A_18, %add3A_17, %broadcast_in_dim3A_19 : vector<2000x256xi1>, vector<2000x256xf32>
    %get3A_20 = arith.constant 0 : index
    %get3A_21 = arith.constant 0 : index
    %get3A_22 = vector.load %arg1[%get3A_20, %get3A_21] : memref<2000x128xf32, #tpu.memory_space<vmem>>, vector<2000x128xf32>
    %get3A_23 = arith.constant 0 : index
    %get3A_24 = arith.constant 0 : index
    %get3A_25 = vector.load %arg4[%get3A_23, %get3A_24] : memref<128x256xf32, #tpu.memory_space<vmem>>, vector<128x256xf32>
    %dot_general3A = arith.constant dense<0.000000e+00> : vector<2000x256xf32>
    %dot_general3A_26 = tpu.matmul %get3A_22, %get3A_25, %dot_general3A {dimension_numbers = #tpu.dot_dimension_numbers<[1], [0], [0], [1], [0, 0, 1, 1], [], []>, transpose_lhs_hint = false} : vector<2000x128xf32>, vector<128x256xf32>, vector<2000x256xf32> -> vector<2000x256xf32>
    %get3A_27 = arith.constant 0 : index
    %get3A_28 = arith.constant 0 : index
    %get3A_29 = vector.load %arg5[%get3A_27, %get3A_28] : memref<256x256xf32, #tpu.memory_space<vmem>>, vector<256x256xf32>
    %dot_general3A_30 = arith.constant dense<0.000000e+00> : vector<2000x256xf32>
    %dot_general3A_31 = tpu.matmul %select_n3A, %get3A_29, %dot_general3A_30 {dimension_numbers = #tpu.dot_dimension_numbers<[1], [0], [0], [1], [0, 0, 1, 1], [], []>, transpose_lhs_hint = false} : vector<2000x256xf32>, vector<256x256xf32>, vector<2000x256xf32> -> vector<2000x256xf32>
    %add3A_32 = arith.addf %dot_general3A_26, %dot_general3A_31 : vector<2000x256xf32>
    %get3A_33 = arith.constant 2 : index
    %get3A_34 = arith.constant 0 : index
    %get3A_35 = vector.load %arg6[%get3A_33, %get3A_34] : memref<8x256xf32, #tpu.memory_space<vmem>>, vector<1x256xf32>
    %add3A_36 = vector.broadcast %get3A_35 : vector<1x256xf32> to vector<2000x256xf32>
    %add3A_37 = arith.addf %add3A_32, %add3A_36 : vector<2000x256xf32>
    %swap3A = arith.constant 0 : index
    %swap3A_38 = arith.constant 0 : index
    %swap3A_39 = vector.load %arg7[%swap3A, %swap3A_38] : memref<2000x256xf32, #tpu.memory_space<vmem>>, vector<2000x256xf32>
    tpu.vector_store %arg7[%swap3A, %swap3A_38], %add3A_37 {strides = array<i32>} : memref<2000x256xf32, #tpu.memory_space<vmem>>, vector<2000x256xf32>,
    %eq3A = arith.constant 0 : i32
    %eq3A_40 = arith.cmpi eq, %arg0, %eq3A : i32
    %convert_element_type3A = arith.extui %eq3A_40 : i1 to i32
    %cond3A = arith.constant 0 : i32
    %cond3A_41 = arith.cmpi ne, %convert_element_type3A, %cond3A : i32
    scf.if %cond3A_41 {
      %broadcast_in_dim3A_62 = arith.constant 0.000000e+00 : f32
      %broadcast_in_dim3A_63 = vector.broadcast %broadcast_in_dim3A_62 : f32 to vector<8x256xf32>
      %swap3A_64 = arith.constant 0 : index
      %swap3A_65 = arith.constant 0 : index
      %swap3A_66 = vector.load %arg8[%swap3A_64, %swap3A_65] : memref<8x256xf32, #tpu.memory_space<vmem>>, vector<8x256xf32>
      tpu.vector_store %arg8[%swap3A_64, %swap3A_65], %broadcast_in_dim3A_63 {strides = array<i32>} : memref<8x256xf32, #tpu.memory_space<vmem>>, vector<8x256xf32>,
    } else {
    }
    %get3A_42 = arith.constant 0 : index
    %get3A_43 = arith.constant 0 : index
    %get3A_44 = vector.load %arg8[%get3A_42, %get3A_43] : memref<8x256xf32, #tpu.memory_space<vmem>>, vector<1x256xf32>
    %reduce_sum3A = arith.constant dense<0.000000e+00> : vector<256xf32>
    %reduce_sum3A_45 = vector.multi_reduction <add>, %add3A_37, %reduce_sum3A [0] : vector<2000x256xf32> to vector<256xf32>
    %broadcast_in_dim3A_46 = vector.shape_cast %reduce_sum3A_45 : vector<256xf32> to vector<1x256xf32>
    %add3A_47 = arith.addf %get3A_44, %broadcast_in_dim3A_46 : vector<1x256xf32>
    %swap3A_48 = arith.constant 0 : index
    %swap3A_49 = arith.constant 0 : index
    %swap3A_50 = vector.load %arg8[%swap3A_48, %swap3A_49] : memref<8x256xf32, #tpu.memory_space<vmem>>, vector<1x256xf32>
    tpu.vector_store %arg8[%swap3A_48, %swap3A_49], %add3A_47 {strides = array<i32>} : memref<8x256xf32, #tpu.memory_space<vmem>>, vector<1x256xf32>,
    %get3A_51 = arith.constant 1 : index
    %get3A_52 = arith.constant 0 : index
    %get3A_53 = vector.load %arg8[%get3A_51, %get3A_52] : memref<8x256xf32, #tpu.memory_space<vmem>>, vector<1x256xf32>
    %mul3A_54 = arith.mulf %add3A_37, %add3A_37 : vector<2000x256xf32>
    %reduce_sum3A_55 = arith.constant dense<0.000000e+00> : vector<256xf32>
    %reduce_sum3A_56 = vector.multi_reduction <add>, %mul3A_54, %reduce_sum3A_55 [0] : vector<2000x256xf32> to vector<256xf32>
    %broadcast_in_dim3A_57 = vector.shape_cast %reduce_sum3A_56 : vector<256xf32> to vector<1x256xf32>
    %add3A_58 = arith.addf %get3A_53, %broadcast_in_dim3A_57 : vector<1x256xf32>
    %swap3A_59 = arith.constant 1 : index
    %swap3A_60 = arith.constant 0 : index
    %swap3A_61 = vector.load %arg8[%swap3A_59, %swap3A_60] : memref<8x256xf32, #tpu.memory_space<vmem>>, vector<1x256xf32>
    tpu.vector_store %arg8[%swap3A_59, %swap3A_60], %add3A_58 {strides = array<i32>} : memref<8x256xf32, #tpu.memory_space<vmem>>, vector<1x256xf32>,
    return
  }
  func.func @transform_0(%arg0: i32) -> (i32, i32) {
    %c0_i32 = arith.constant 0 : i32
    %c0_i32_0 = arith.constant 0 : i32
    return %arg0, %c0_i32 : i32, i32
  }
  func.func @transform_1(%arg0: i32) -> (i32, i32) {
    %c0_i32 = arith.constant 0 : i32
    %c0_i32_0 = arith.constant 0 : i32
    return %arg0, %c0_i32 : i32, i32
  }
  func.func @transform_2(%arg0: i32) -> (i32, i32) {
    %c0_i32 = arith.constant 0 : i32
    %c0_i32_0 = arith.constant 0 : i32
    return %arg0, %c0_i32 : i32, i32
  }
  func.func @transform_3(%arg0: i32) -> (i32, i32) {
    %c0_i32 = arith.constant 0 : i32
    %c0_i32_0 = arith.constant 0 : i32
    %c0_i32_1 = arith.constant 0 : i32
    return %c0_i32, %c0_i32_0 : i32, i32
  }
  func.func @transform_4(%arg0: i32) -> (i32, i32) {
    %c0_i32 = arith.constant 0 : i32
    %c0_i32_0 = arith.constant 0 : i32
    %c0_i32_1 = arith.constant 0 : i32
    return %c0_i32, %c0_i32_0 : i32, i32
  }
  func.func @transform_5(%arg0: i32) -> (i32, i32) {
    %c0_i32 = arith.constant 0 : i32
    %c0_i32_0 = arith.constant 0 : i32
    %c0_i32_1 = arith.constant 0 : i32
    return %c0_i32, %c0_i32_0 : i32, i32
  }
  func.func @transform_6(%arg0: i32) -> (i32, i32) {
    %c0_i32 = arith.constant 0 : i32
    %c0_i32_0 = arith.constant 0 : i32
    return %arg0, %c0_i32 : i32, i32
  }
  func.func @transform_7(%arg0: i32) -> (i32, i32) {
    %c0_i32 = arith.constant 0 : i32
    %c0_i32_0 = arith.constant 0 : i32
    %c0_i32_1 = arith.constant 0 : i32
    return %c0_i32, %c0_i32_0 : i32, i32
  }
}

module attributes {stable_mosaic.version = 14 : i64} {
  func.func @_k6(%arg0: i32, %arg1: memref<2000x256xf32, #tpu.memory_space<vmem>>, %arg2: memref<256x256xf32, #tpu.memory_space<vmem>>, %arg3: memref<8x256xf32, #tpu.memory_space<vmem>>, %arg4: memref<2000x256xf32, #tpu.memory_space<vmem>>, %arg5: memref<8x256xf32, #tpu.memory_space<vmem>>) attributes {dimension_semantics = [#tpu.dimension_semantics<arbitrary>], iteration_bounds = array<i64: 25>, scalar_prefetch = 0 : i64, scratch_operands = 0 : i64, tpu.core_type = #tpu.core_type<tc>, window_params = [{transform_indices = @transform_0, window_bounds = array<i64: 2000, 256>}, {pipeline_mode = #tpu.pipeline_mode<synchronous>, transform_indices = @transform_1, window_bounds = array<i64: 256, 256>}, {pipeline_mode = #tpu.pipeline_mode<synchronous>, transform_indices = @transform_2, window_bounds = array<i64: 8, 256>}, {transform_indices = @transform_3, window_bounds = array<i64: 2000, 256>}, {pipeline_mode = #tpu.pipeline_mode<synchronous>, transform_indices = @transform_4, window_bounds = array<i64: 8, 256>}]} {
    %get3A = arith.constant 0 : index
    %get3A_0 = arith.constant 0 : index
    %get3A_1 = vector.load %arg1[%get3A, %get3A_0] : memref<2000x256xf32, #tpu.memory_space<vmem>>, vector<2000x256xf32>
    %get3A_2 = arith.constant 0 : index
    %get3A_3 = arith.constant 0 : index
    %get3A_4 = vector.load %arg3[%get3A_2, %get3A_3] : memref<8x256xf32, #tpu.memory_space<vmem>>, vector<1x256xf32>
    %mul3A = vector.broadcast %get3A_4 : vector<1x256xf32> to vector<2000x256xf32>
    %mul3A_5 = arith.mulf %get3A_1, %mul3A : vector<2000x256xf32>
    %get3A_6 = arith.constant 1 : index
    %get3A_7 = arith.constant 0 : index
    %get3A_8 = vector.load %arg3[%get3A_6, %get3A_7] : memref<8x256xf32, #tpu.memory_space<vmem>>, vector<1x256xf32>
    %add3A = vector.broadcast %get3A_8 : vector<1x256xf32> to vector<2000x256xf32>
    %add3A_9 = arith.addf %mul3A_5, %add3A : vector<2000x256xf32>
    %max3A = arith.constant 0.000000e+00 : f32
    %max3A_10 = vector.broadcast %max3A : f32 to vector<2000x256xf32>
    %max3A_11 = arith.maximumf %add3A_9, %max3A_10 : vector<2000x256xf32>
    %get3A_12 = arith.constant 0 : index
    %get3A_13 = arith.constant 0 : index
    %get3A_14 = vector.load %arg2[%get3A_12, %get3A_13] : memref<256x256xf32, #tpu.memory_space<vmem>>, vector<256x256xf32>
    %dot_general3A = arith.constant dense<0.000000e+00> : vector<2000x256xf32>
    %dot_general3A_15 = tpu.matmul %max3A_11, %get3A_14, %dot_general3A {dimension_numbers = #tpu.dot_dimension_numbers<[1], [0], [0], [1], [0, 0, 1, 1], [], []>, transpose_lhs_hint = false} : vector<2000x256xf32>, vector<256x256xf32>, vector<2000x256xf32> -> vector<2000x256xf32>
    %get3A_16 = arith.constant 2 : index
    %get3A_17 = arith.constant 0 : index
    %get3A_18 = vector.load %arg3[%get3A_16, %get3A_17] : memref<8x256xf32, #tpu.memory_space<vmem>>, vector<1x256xf32>
    %add3A_19 = vector.broadcast %get3A_18 : vector<1x256xf32> to vector<2000x256xf32>
    %add3A_20 = arith.addf %dot_general3A_15, %add3A_19 : vector<2000x256xf32>
    %swap3A = arith.constant 0 : index
    %swap3A_21 = arith.constant 0 : index
    %swap3A_22 = vector.load %arg4[%swap3A, %swap3A_21] : memref<2000x256xf32, #tpu.memory_space<vmem>>, vector<2000x256xf32>
    tpu.vector_store %arg4[%swap3A, %swap3A_21], %add3A_20 {strides = array<i32>} : memref<2000x256xf32, #tpu.memory_space<vmem>>, vector<2000x256xf32>,
    %eq3A = arith.constant 0 : i32
    %eq3A_23 = arith.cmpi eq, %arg0, %eq3A : i32
    %convert_element_type3A = arith.extui %eq3A_23 : i1 to i32
    %cond3A = arith.constant 0 : i32
    %cond3A_24 = arith.cmpi ne, %convert_element_type3A, %cond3A : i32
    scf.if %cond3A_24 {
      %broadcast_in_dim3A_44 = arith.constant 0.000000e+00 : f32
      %broadcast_in_dim3A_45 = vector.broadcast %broadcast_in_dim3A_44 : f32 to vector<8x256xf32>
      %swap3A_46 = arith.constant 0 : index
      %swap3A_47 = arith.constant 0 : index
      %swap3A_48 = vector.load %arg5[%swap3A_46, %swap3A_47] : memref<8x256xf32, #tpu.memory_space<vmem>>, vector<8x256xf32>
      tpu.vector_store %arg5[%swap3A_46, %swap3A_47], %broadcast_in_dim3A_45 {strides = array<i32>} : memref<8x256xf32, #tpu.memory_space<vmem>>, vector<8x256xf32>,
    } else {
    }
    %get3A_25 = arith.constant 0 : index
    %get3A_26 = arith.constant 0 : index
    %get3A_27 = vector.load %arg5[%get3A_25, %get3A_26] : memref<8x256xf32, #tpu.memory_space<vmem>>, vector<1x256xf32>
    %reduce_sum3A = arith.constant dense<0.000000e+00> : vector<256xf32>
    %reduce_sum3A_28 = vector.multi_reduction <add>, %add3A_20, %reduce_sum3A [0] : vector<2000x256xf32> to vector<256xf32>
    %broadcast_in_dim3A = vector.shape_cast %reduce_sum3A_28 : vector<256xf32> to vector<1x256xf32>
    %add3A_29 = arith.addf %get3A_27, %broadcast_in_dim3A : vector<1x256xf32>
    %swap3A_30 = arith.constant 0 : index
    %swap3A_31 = arith.constant 0 : index
    %swap3A_32 = vector.load %arg5[%swap3A_30, %swap3A_31] : memref<8x256xf32, #tpu.memory_space<vmem>>, vector<1x256xf32>
    tpu.vector_store %arg5[%swap3A_30, %swap3A_31], %add3A_29 {strides = array<i32>} : memref<8x256xf32, #tpu.memory_space<vmem>>, vector<1x256xf32>,
    %get3A_33 = arith.constant 1 : index
    %get3A_34 = arith.constant 0 : index
    %get3A_35 = vector.load %arg5[%get3A_33, %get3A_34] : memref<8x256xf32, #tpu.memory_space<vmem>>, vector<1x256xf32>
    %mul3A_36 = arith.mulf %add3A_20, %add3A_20 : vector<2000x256xf32>
    %reduce_sum3A_37 = arith.constant dense<0.000000e+00> : vector<256xf32>
    %reduce_sum3A_38 = vector.multi_reduction <add>, %mul3A_36, %reduce_sum3A_37 [0] : vector<2000x256xf32> to vector<256xf32>
    %broadcast_in_dim3A_39 = vector.shape_cast %reduce_sum3A_38 : vector<256xf32> to vector<1x256xf32>
    %add3A_40 = arith.addf %get3A_35, %broadcast_in_dim3A_39 : vector<1x256xf32>
    %swap3A_41 = arith.constant 1 : index
    %swap3A_42 = arith.constant 0 : index
    %swap3A_43 = vector.load %arg5[%swap3A_41, %swap3A_42] : memref<8x256xf32, #tpu.memory_space<vmem>>, vector<1x256xf32>
    tpu.vector_store %arg5[%swap3A_41, %swap3A_42], %add3A_40 {strides = array<i32>} : memref<8x256xf32, #tpu.memory_space<vmem>>, vector<1x256xf32>,
    return
  }
  func.func @transform_0(%arg0: i32) -> (i32, i32) {
    %c0_i32 = arith.constant 0 : i32
    %c0_i32_0 = arith.constant 0 : i32
    return %arg0, %c0_i32 : i32, i32
  }
  func.func @transform_1(%arg0: i32) -> (i32, i32) {
    %c0_i32 = arith.constant 0 : i32
    %c0_i32_0 = arith.constant 0 : i32
    %c0_i32_1 = arith.constant 0 : i32
    return %c0_i32, %c0_i32_0 : i32, i32
  }
  func.func @transform_2(%arg0: i32) -> (i32, i32) {
    %c0_i32 = arith.constant 0 : i32
    %c0_i32_0 = arith.constant 0 : i32
    %c0_i32_1 = arith.constant 0 : i32
    return %c0_i32, %c0_i32_0 : i32, i32
  }
  func.func @transform_3(%arg0: i32) -> (i32, i32) {
    %c0_i32 = arith.constant 0 : i32
    %c0_i32_0 = arith.constant 0 : i32
    return %arg0, %c0_i32 : i32, i32
  }
  func.func @transform_4(%arg0: i32) -> (i32, i32) {
    %c0_i32 = arith.constant 0 : i32
    %c0_i32_0 = arith.constant 0 : i32
    %c0_i32_1 = arith.constant 0 : i32
    return %c0_i32, %c0_i32_0 : i32, i32
  }
}

module attributes {stable_mosaic.version = 14 : i64} {
  func.func @_k10(%arg0: i32, %arg1: memref<2000x256xf32, #tpu.memory_space<vmem>>, %arg2: memref<1x1x2000xi32, #tpu.memory_space<vmem>>, %arg3: memref<8x256xf32, #tpu.memory_space<vmem>>, %arg4: memref<512x256xf32, #tpu.memory_space<vmem>>, %arg5: memref<512x8xf32, #tpu.memory_space<vmem>>) attributes {dimension_semantics = [#tpu.dimension_semantics<arbitrary>], iteration_bounds = array<i64: 25>, scalar_prefetch = 0 : i64, scratch_operands = 0 : i64, tpu.core_type = #tpu.core_type<tc>, window_params = [{transform_indices = @transform_0, window_bounds = array<i64: 2000, 256>}, {transform_indices = @transform_1, window_bounds = array<i64: 1, 1, 2000>}, {pipeline_mode = #tpu.pipeline_mode<synchronous>, transform_indices = @transform_2, window_bounds = array<i64: 8, 256>}, {pipeline_mode = #tpu.pipeline_mode<synchronous>, transform_indices = @transform_3, window_bounds = array<i64: 512, 256>}, {pipeline_mode = #tpu.pipeline_mode<synchronous>, transform_indices = @transform_4, window_bounds = array<i64: 512, 8>}]} {
    %get3A = arith.constant 0 : index
    %get3A_0 = arith.constant 0 : index
    %get3A_1 = vector.load %arg1[%get3A, %get3A_0] : memref<2000x256xf32, #tpu.memory_space<vmem>>, vector<2000x256xf32>
    %get3A_2 = arith.constant 0 : index
    %get3A_3 = arith.constant 0 : index
    %get3A_4 = vector.load %arg3[%get3A_2, %get3A_3] : memref<8x256xf32, #tpu.memory_space<vmem>>, vector<1x256xf32>
    %mul3A = vector.broadcast %get3A_4 : vector<1x256xf32> to vector<2000x256xf32>
    %mul3A_5 = arith.mulf %get3A_1, %mul3A : vector<2000x256xf32>
    %get3A_6 = arith.constant 1 : index
    %get3A_7 = arith.constant 0 : index
    %get3A_8 = vector.load %arg3[%get3A_6, %get3A_7] : memref<8x256xf32, #tpu.memory_space<vmem>>, vector<1x256xf32>
    %add3A = vector.broadcast %get3A_8 : vector<1x256xf32> to vector<2000x256xf32>
    %add3A_9 = arith.addf %mul3A_5, %add3A : vector<2000x256xf32>
    %get3A_10 = arith.constant 0 : index
    %get3A_11 = arith.constant 0 : index
    %get3A_12 = arith.constant 0 : index
    %get3A_13 = vector.load %arg2[%get3A_10, %get3A_11, %get3A_12] : memref<1x1x2000xi32, #tpu.memory_space<vmem>>, vector<1x1x2000xi32>
    %get3A_14 = vector.shape_cast %get3A_13 : vector<1x1x2000xi32> to vector<1x2000xi32>
    %reshape3A = vector.shape_cast %get3A_14 : vector<1x2000xi32> to vector<2000x1xi32>
    %iota3A = tpu.iota {dimensions = array<i32: 1>} : vector<2000x512xi32>
    %eq3A = vector.broadcast %reshape3A : vector<2000x1xi32> to vector<2000x512xi32>
    %eq3A_15 = arith.cmpi eq, %eq3A, %iota3A : vector<2000x512xi32>
    %convert_element_type3A = arith.extui %eq3A_15 : vector<2000x512xi1> to vector<2000x512xi32>
    %convert_element_type3A_16 = arith.sitofp %convert_element_type3A : vector<2000x512xi32> to vector<2000x512xf32>
    %eq3A_17 = arith.constant 0 : i32
    %eq3A_18 = arith.cmpi eq, %arg0, %eq3A_17 : i32
    %convert_element_type3A_19 = arith.extui %eq3A_18 : i1 to i32
    %cond3A = arith.constant 0 : i32
    %cond3A_20 = arith.cmpi ne, %convert_element_type3A_19, %cond3A : i32
    scf.if %cond3A_20 {
      %broadcast_in_dim3A_38 = arith.constant 0.000000e+00 : f32
      %broadcast_in_dim3A_39 = vector.broadcast %broadcast_in_dim3A_38 : f32 to vector<512x256xf32>
      %swap3A_40 = arith.constant 0 : index
      %swap3A_41 = arith.constant 0 : index
      %swap3A_42 = vector.load %arg4[%swap3A_40, %swap3A_41] : memref<512x256xf32, #tpu.memory_space<vmem>>, vector<512x256xf32>
      tpu.vector_store %arg4[%swap3A_40, %swap3A_41], %broadcast_in_dim3A_39 {strides = array<i32>} : memref<512x256xf32, #tpu.memory_space<vmem>>, vector<512x256xf32>,
      %broadcast_in_dim3A_43 = arith.constant 0.000000e+00 : f32
      %broadcast_in_dim3A_44 = vector.broadcast %broadcast_in_dim3A_43 : f32 to vector<512x8xf32>
      %swap3A_45 = arith.constant 0 : index
      %swap3A_46 = arith.constant 0 : index
      %swap3A_47 = vector.load %arg5[%swap3A_45, %swap3A_46] : memref<512x8xf32, #tpu.memory_space<vmem>>, vector<512x8xf32>
      tpu.vector_store %arg5[%swap3A_45, %swap3A_46], %broadcast_in_dim3A_44 {strides = array<i32>} : memref<512x8xf32, #tpu.memory_space<vmem>>, vector<512x8xf32>,
    } else {
    }
    %get3A_21 = arith.constant 0 : index
    %get3A_22 = arith.constant 0 : index
    %get3A_23 = vector.load %arg4[%get3A_21, %get3A_22] : memref<512x256xf32, #tpu.memory_space<vmem>>, vector<512x256xf32>
    %dot_general3A = arith.constant dense<0.000000e+00> : vector<512x256xf32>
    %dot_general3A_24 = tpu.matmul %convert_element_type3A_16, %add3A_9, %dot_general3A {dimension_numbers = #tpu.dot_dimension_numbers<[0], [0], [1], [1], [0, 1, 1, 1], [], []>, transpose_lhs_hint = false} : vector<2000x512xf32>, vector<2000x256xf32>, vector<512x256xf32> -> vector<512x256xf32>
    %add3A_25 = arith.addf %get3A_23, %dot_general3A_24 : vector<512x256xf32>
    %swap3A = arith.constant 0 : index
    %swap3A_26 = arith.constant 0 : index
    %swap3A_27 = vector.load %arg4[%swap3A, %swap3A_26] : memref<512x256xf32, #tpu.memory_space<vmem>>, vector<512x256xf32>
    tpu.vector_store %arg4[%swap3A, %swap3A_26], %add3A_25 {strides = array<i32>} : memref<512x256xf32, #tpu.memory_space<vmem>>, vector<512x256xf32>,
    %get3A_28 = arith.constant 0 : index
    %get3A_29 = arith.constant 0 : index
    %get3A_30 = vector.load %arg5[%get3A_28, %get3A_29] : memref<512x8xf32, #tpu.memory_space<vmem>>, vector<512x8xf32>
    %broadcast_in_dim3A = arith.constant 1.000000e+00 : f32
    %broadcast_in_dim3A_31 = vector.broadcast %broadcast_in_dim3A : f32 to vector<2000x8xf32>
    %dot_general3A_32 = arith.constant dense<0.000000e+00> : vector<512x8xf32>
    %dot_general3A_33 = tpu.matmul %convert_element_type3A_16, %broadcast_in_dim3A_31, %dot_general3A_32 {dimension_numbers = #tpu.dot_dimension_numbers<[0], [0], [1], [1], [0, 1, 1, 1], [], []>, transpose_lhs_hint = false} : vector<2000x512xf32>, vector<2000x8xf32>, vector<512x8xf32> -> vector<512x8xf32>
    %add3A_34 = arith.addf %get3A_30, %dot_general3A_33 : vector<512x8xf32>
    %swap3A_35 = arith.constant 0 : index
    %swap3A_36 = arith.constant 0 : index
    %swap3A_37 = vector.load %arg5[%swap3A_35, %swap3A_36] : memref<512x8xf32, #tpu.memory_space<vmem>>, vector<512x8xf32>
    tpu.vector_store %arg5[%swap3A_35, %swap3A_36], %add3A_34 {strides = array<i32>} : memref<512x8xf32, #tpu.memory_space<vmem>>, vector<512x8xf32>,
    return
  }
  func.func @transform_0(%arg0: i32) -> (i32, i32) {
    %c0_i32 = arith.constant 0 : i32
    %c0_i32_0 = arith.constant 0 : i32
    return %arg0, %c0_i32 : i32, i32
  }
  func.func @transform_1(%arg0: i32) -> (i32, i32, i32) {
    %c0_i32 = arith.constant 0 : i32
    %c0_i32_0 = arith.constant 0 : i32
    %c0_i32_1 = arith.constant 0 : i32
    return %arg0, %c0_i32, %c0_i32_0 : i32, i32, i32
  }
  func.func @transform_2(%arg0: i32) -> (i32, i32) {
    %c0_i32 = arith.constant 0 : i32
    %c0_i32_0 = arith.constant 0 : i32
    %c0_i32_1 = arith.constant 0 : i32
    return %c0_i32, %c0_i32_0 : i32, i32
  }
  func.func @transform_3(%arg0: i32) -> (i32, i32) {
    %c0_i32 = arith.constant 0 : i32
    %c0_i32_0 = arith.constant 0 : i32
    %c0_i32_1 = arith.constant 0 : i32
    return %c0_i32, %c0_i32_0 : i32, i32
  }
  func.func @transform_4(%arg0: i32) -> (i32, i32) {
    %c0_i32 = arith.constant 0 : i32
    %c0_i32_0 = arith.constant 0 : i32
    %c0_i32_1 = arith.constant 0 : i32
    return %c0_i32, %c0_i32_0 : i32, i32
  }
}

module attributes {stable_mosaic.version = 14 : i64} {
  func.func @_k11(%arg0: i32, %arg1: memref<512x256xf32, #tpu.memory_space<vmem>>, %arg2: memref<512x8xf32, #tpu.memory_space<vmem>>, %arg3: memref<256x256xf32, #tpu.memory_space<vmem>>, %arg4: memref<8x256xf32, #tpu.memory_space<vmem>>, %arg5: memref<256x128xf32, #tpu.memory_space<vmem>>, %arg6: memref<8x128xf32, #tpu.memory_space<vmem>>, %arg7: memref<512x128xf32, #tpu.memory_space<vmem>>) attributes {dimension_semantics = [#tpu.dimension_semantics<arbitrary>], iteration_bounds = array<i64: 1>, scalar_prefetch = 0 : i64, scratch_operands = 0 : i64, tpu.core_type = #tpu.core_type<tc>, window_params = [{pipeline_mode = #tpu.pipeline_mode<synchronous>, transform_indices = @transform_0, window_bounds = array<i64: 512, 256>}, {pipeline_mode = #tpu.pipeline_mode<synchronous>, transform_indices = @transform_1, window_bounds = array<i64: 512, 8>}, {pipeline_mode = #tpu.pipeline_mode<synchronous>, transform_indices = @transform_2, window_bounds = array<i64: 256, 256>}, {pipeline_mode = #tpu.pipeline_mode<synchronous>, transform_indices = @transform_3, window_bounds = array<i64: 8, 256>}, {pipeline_mode = #tpu.pipeline_mode<synchronous>, transform_indices = @transform_4, window_bounds = array<i64: 256, 128>}, {pipeline_mode = #tpu.pipeline_mode<synchronous>, transform_indices = @transform_5, window_bounds = array<i64: 8, 128>}, {pipeline_mode = #tpu.pipeline_mode<synchronous>, transform_indices = @transform_6, window_bounds = array<i64: 512, 128>}]} {
    %get3A = arith.constant 0 : index
    %get3A_0 = arith.constant 0 : index
    %get3A_1 = vector.load %arg2[%get3A, %get3A_0] : memref<512x8xf32, #tpu.memory_space<vmem>>, vector<512x8xf32>
    %slice3A = vector.extract_strided_slice %get3A_1 {offsets = [0, 0], sizes = [512, 1], strides = [1, 1]} : vector<512x8xf32> to vector<512x1xf32>
    %get3A_2 = arith.constant 0 : index
    %get3A_3 = arith.constant 0 : index
    %get3A_4 = vector.load %arg1[%get3A_2, %get3A_3] : memref<512x256xf32, #tpu.memory_space<vmem>>, vector<512x256xf32>
    %max3A = arith.constant 1.000000e+00 : f32
    %max3A_5 = vector.broadcast %max3A : f32 to vector<512x1xf32>
    %max3A_6 = arith.maximumf %slice3A, %max3A_5 : vector<512x1xf32>
    %div3A = vector.broadcast %max3A_6 : vector<512x1xf32> to vector<512x256xf32>
    %div3A_7 = arith.divf %get3A_4, %div3A : vector<512x256xf32>
    %get3A_8 = arith.constant 0 : index
    %get3A_9 = arith.constant 0 : index
    %get3A_10 = vector.load %arg3[%get3A_8, %get3A_9] : memref<256x256xf32, #tpu.memory_space<vmem>>, vector<256x256xf32>
    %dot_general3A = arith.constant dense<0.000000e+00> : vector<512x256xf32>
    %dot_general3A_11 = tpu.matmul %div3A_7, %get3A_10, %dot_general3A {dimension_numbers = #tpu.dot_dimension_numbers<[1], [0], [0], [1], [0, 0, 1, 1], [], []>, transpose_lhs_hint = false} : vector<512x256xf32>, vector<256x256xf32>, vector<512x256xf32> -> vector<512x256xf32>
    %get3A_12 = arith.constant 0 : index
    %get3A_13 = arith.constant 0 : index
    %get3A_14 = vector.load %arg4[%get3A_12, %get3A_13] : memref<8x256xf32, #tpu.memory_space<vmem>>, vector<1x256xf32>
    %add3A = vector.broadcast %get3A_14 : vector<1x256xf32> to vector<512x256xf32>
    %add3A_15 = arith.addf %dot_general3A_11, %add3A : vector<512x256xf32>
    %reduce_sum3A = arith.constant dense<0.000000e+00> : vector<256xf32>
    %reduce_sum3A_16 = vector.multi_reduction <add>, %add3A_15, %reduce_sum3A [0] : vector<512x256xf32> to vector<256xf32>
    %broadcast_in_dim3A = vector.shape_cast %reduce_sum3A_16 : vector<256xf32> to vector<1x256xf32>
    %div3A_17 = arith.constant 5.120000e+02 : f32
    %div3A_18 = vector.broadcast %div3A_17 : f32 to vector<1x256xf32>
    %div3A_19 = arith.divf %broadcast_in_dim3A, %div3A_18 : vector<1x256xf32>
    %mul3A = arith.mulf %add3A_15, %add3A_15 : vector<512x256xf32>
    %reduce_sum3A_20 = arith.constant dense<0.000000e+00> : vector<256xf32>
    %reduce_sum3A_21 = vector.multi_reduction <add>, %mul3A, %reduce_sum3A_20 [0] : vector<512x256xf32> to vector<256xf32>
    %broadcast_in_dim3A_22 = vector.shape_cast %reduce_sum3A_21 : vector<256xf32> to vector<1x256xf32>
    %div3A_23 = arith.constant 5.120000e+02 : f32
    %div3A_24 = vector.broadcast %div3A_23 : f32 to vector<1x256xf32>
    %div3A_25 = arith.divf %broadcast_in_dim3A_22, %div3A_24 : vector<1x256xf32>
    %mul3A_26 = arith.mulf %div3A_19, %div3A_19 : vector<1x256xf32>
    %sub3A = arith.subf %div3A_25, %mul3A_26 : vector<1x256xf32>
    %sub3A_27 = vector.broadcast %div3A_19 : vector<1x256xf32> to vector<512x256xf32>
    %sub3A_28 = arith.subf %add3A_15, %sub3A_27 : vector<512x256xf32>
    %add3A_29 = arith.constant 9.99999974E-6 : f32
    %add3A_30 = vector.broadcast %add3A_29 : f32 to vector<1x256xf32>
    %add3A_31 = arith.addf %sub3A, %add3A_30 : vector<1x256xf32>
    %sqrt3A = math.sqrt %add3A_31 : vector<1x256xf32>
    %div3A_32 = vector.broadcast %sqrt3A : vector<1x256xf32> to vector<512x256xf32>
    %div3A_33 = arith.divf %sub3A_28, %div3A_32 : vector<512x256xf32>
    %get3A_34 = arith.constant 1 : index
    %get3A_35 = arith.constant 0 : index
    %get3A_36 = vector.load %arg4[%get3A_34, %get3A_35] : memref<8x256xf32, #tpu.memory_space<vmem>>, vector<1x256xf32>
    %mul3A_37 = vector.broadcast %get3A_36 : vector<1x256xf32> to vector<512x256xf32>
    %mul3A_38 = arith.mulf %div3A_33, %mul3A_37 : vector<512x256xf32>
    %get3A_39 = arith.constant 2 : index
    %get3A_40 = arith.constant 0 : index
    %get3A_41 = vector.load %arg4[%get3A_39, %get3A_40] : memref<8x256xf32, #tpu.memory_space<vmem>>, vector<1x256xf32>
    %add3A_42 = vector.broadcast %get3A_41 : vector<1x256xf32> to vector<512x256xf32>
    %add3A_43 = arith.addf %mul3A_38, %add3A_42 : vector<512x256xf32>
    %max3A_44 = arith.constant 0.000000e+00 : f32
    %max3A_45 = vector.broadcast %max3A_44 : f32 to vector<512x256xf32>
    %max3A_46 = arith.maximumf %add3A_43, %max3A_45 : vector<512x256xf32>
    %get3A_47 = arith.constant 0 : index
    %get3A_48 = arith.constant 0 : index
    %get3A_49 = vector.load %arg5[%get3A_47, %get3A_48] : memref<256x128xf32, #tpu.memory_space<vmem>>, vector<256x128xf32>
    %dot_general3A_50 = arith.constant dense<0.000000e+00> : vector<512x128xf32>
    %dot_general3A_51 = tpu.matmul %max3A_46, %get3A_49, %dot_general3A_50 {dimension_numbers = #tpu.dot_dimension_numbers<[1], [0], [0], [1], [0, 0, 1, 1], [], []>, transpose_lhs_hint = false} : vector<512x256xf32>, vector<256x128xf32>, vector<512x128xf32> -> vector<512x128xf32>
    %get3A_52 = arith.constant 0 : index
    %get3A_53 = arith.constant 0 : index
    %get3A_54 = vector.load %arg6[%get3A_52, %get3A_53] : memref<8x128xf32, #tpu.memory_space<vmem>>, vector<1x128xf32>
    %add3A_55 = vector.broadcast %get3A_54 : vector<1x128xf32> to vector<512x128xf32>
    %add3A_56 = arith.addf %dot_general3A_51, %add3A_55 : vector<512x128xf32>
    %swap3A = arith.constant 0 : index
    %swap3A_57 = arith.constant 0 : index
    %swap3A_58 = vector.load %arg7[%swap3A, %swap3A_57] : memref<512x128xf32, #tpu.memory_space<vmem>>, vector<512x128xf32>
    tpu.vector_store %arg7[%swap3A, %swap3A_57], %add3A_56 {strides = array<i32>} : memref<512x128xf32, #tpu.memory_space<vmem>>, vector<512x128xf32>,
    return
  }
  func.func @transform_0(%arg0: i32) -> (i32, i32) {
    %c0_i32 = arith.constant 0 : i32
    %c0_i32_0 = arith.constant 0 : i32
    %c0_i32_1 = arith.constant 0 : i32
    return %c0_i32, %c0_i32_0 : i32, i32
  }
  func.func @transform_1(%arg0: i32) -> (i32, i32) {
    %c0_i32 = arith.constant 0 : i32
    %c0_i32_0 = arith.constant 0 : i32
    %c0_i32_1 = arith.constant 0 : i32
    return %c0_i32, %c0_i32_0 : i32, i32
  }
  func.func @transform_2(%arg0: i32) -> (i32, i32) {
    %c0_i32 = arith.constant 0 : i32
    %c0_i32_0 = arith.constant 0 : i32
    %c0_i32_1 = arith.constant 0 : i32
    return %c0_i32, %c0_i32_0 : i32, i32
  }
  func.func @transform_3(%arg0: i32) -> (i32, i32) {
    %c0_i32 = arith.constant 0 : i32
    %c0_i32_0 = arith.constant 0 : i32
    %c0_i32_1 = arith.constant 0 : i32
    return %c0_i32, %c0_i32_0 : i32, i32
  }
  func.func @transform_4(%arg0: i32) -> (i32, i32) {
    %c0_i32 = arith.constant 0 : i32
    %c0_i32_0 = arith.constant 0 : i32
    %c0_i32_1 = arith.constant 0 : i32
    return %c0_i32, %c0_i32_0 : i32, i32
  }
  func.func @transform_5(%arg0: i32) -> (i32, i32) {
    %c0_i32 = arith.constant 0 : i32
    %c0_i32_0 = arith.constant 0 : i32
    %c0_i32_1 = arith.constant 0 : i32
    return %c0_i32, %c0_i32_0 : i32, i32
  }
  func.func @transform_6(%arg0: i32) -> (i32, i32) {
    %c0_i32 = arith.constant 0 : i32
    %c0_i32_0 = arith.constant 0 : i32
    %c0_i32_1 = arith.constant 0 : i32
    return %c0_i32, %c0_i32_0 : i32, i32
  }
}

</mosaic_0001>

<sc_bundles>
// kernel: kernel.13.cloned.1.call-start
scs
__scs_entry_jumppad:
0x0: {  	(pc) =	sbr.rel $0x88, $3  }
0x1: {  	(tag) =	ssettag $0x0;
	lr =	simm.s32 $0x1  }
0x2: {  	[smem:$0x3F7E] =	sst lr;
	_ =	strace $0xD0000000  }
0x3: {  	_ = 	snop  }
0x4: {  	_ = 	snop  }
0x5: {  	_ = 	snop  }
0x6: {  	_ = 	snop  }
0x7: {  	_ = 	snop  }
__scs_overlays_trampoline_lowered:
0x8: {  	[smem:$0x3F8D] =	sst s0  }
0x9: {  	[smem:$0x3F8E] =	sst s1  }
0xa: {  	[smem:$0x3F8F] =	sst s2  }
0xb: {  	[smem:$0x3F90] =	sst s3  }
0xc: {  	[smem:$0x3F91] =	sst s4  }
0xd: {  	[smem:$0x3F92] =	sst s5  }
0xe: {  	[smem:$0x3F93] =	sst s6  }
0xf: {  	[smem:$0x3F94] =	sst s7  }
0x10: {  	[smem:$0x3F95] =	sst s8  }
0x11: {  	[smem:$0x3F96] =	sst s9;
	s0 =	simm.s32 @!p0 $0x0  }
0x12: {  	s1 =	sld [smem:$0x3F7C];
	s0 =	simm.s32 @p0 $0x1  }
0x13: {  	[smem:$0x3F97] =	sst s0;
	s0 =	simm.s32 @!p1 $0x0  }
0x14: {  	s2 =	sld [smem:$0x3F7B];
	s0 =	simm.s32 @p1 $0x1  }
0x15: {  	[smem:$0x3F98] =	sst s0;
	s0 =	simm.s32 @!p2 $0x0  }
0x16: {  	s3 =	sld [smem:$0x3FDB];
	s0 =	simm.s32 @p2 $0x1  }
0x17: {  	s4 =	simm.s32 $0x1BF5;
	[smem:$0x3F9A] =	sst s0  }
0x18: {  	s0 =	sld [smem:$0x3F7D];
	_ =	swait.ge [sflag:s4], $0x0  }
0x19: {  	s7 =	sld [smem:$0x3F7E]  }
0x1a: {  	s8 =	sadd.s32 $0xFFFFE003, lr  }
0x1b: {  	s9 =	sadd.s32 $0xFFFFFEF7, lr;
	s5 =	simm.s32 $0xFFFFFFFF;
	p2 =	slt.u32 s8, $0xFFFFF086  }
0x1c: {  	p1 =	slt.u32 s9, $0xF7A;
	s5 =	simm.s32 @!p2 $0x0  }
0x1d: {  	s5 =	simm.s32 @p1 $0x1;
	p0 =	seq.s32 s7, s2  }
0x1e: {  	s7 =	smul.u32 @!p0 $0xF7A, s2;
	p2 =	seq.s32 @!p0 s5, $0x0  }
0x1f: {  	s9 =	smul.u32 $0xF7A, s1;
	s8 =	simm.s32 @!p0 $0x1BF5;
	p2 =	por !p2, p0  }
0x20: {  	[sflag:s8] =	ssyncset.s32 @!p0 $0xFFFFF086;
	s6 =	sadd.s32 @!p0 s3, s7;
	s7 =	simm.s32 @!p0 $0x108  }
0x21: {  	s3 =	sadd.s32 s3, s9;
	s6 =	sadd.s32 @!p0 $0x88, s6;
	s7 =	simm.s32 @p2 $0x1082  }
0x22: {  	[simem:s7], [sflag:s8] =	dma.local @!p0 [hbm:s6], $0xF7A  }
0x23: {  	s9 =	sor.u32 $0xD0000000, s2;
	s6 =	simm.s32 $0x108;
	_ =	swait.ge @!p0 [sflag:s8], $0x0  }
0x24: {  	s3 =	sadd.s32 $0x88, s3;
	s6 =	simm.s32 @!p1 $0x1082;
	[sflag:s4] =	ssyncset.s32 $0xFFFFF086  }
0x25: {  	[simem:s6], [sflag:s4] =	dma.local [hbm:s3], $0xF7A  }
0x26: {  	[smem:$0x3F7E] =	sst s1;
	(tag) =	ssettag s2;
	_ =	strace s9  }
0x27: {  	s1 =	sld [smem:$0x3F8E]  }
0x28: {  	s2 =	sld [smem:$0x3F8F]  }
0x29: {  	s4 =	sld [smem:$0x3F91]  }
0x2a: {  	p0 =	seq.s32 s5, $0x0;
	s5 =	sld [smem:$0x3F92]  }
0x2b: {  	s6 =	sld [smem:$0x3F93]  }
0x2c: {  	s7 =	sld [smem:$0x3F94]  }
0x2d: {  	s3 =	simm.s32 $0x108;
	s8 =	sld [smem:$0x3F95]  }
0x2e: {  	s3 =	simm.s32 @!p0 $0x1082;
	s9 =	sld [smem:$0x3F96]  }
0x2f: {  	lr =	sadd.s32 s0, s3;
	s0 =	sld [smem:$0x3F8D]  }
0x30: {  	s3 =	sld [smem:$0x3F90]  }
0x31: {  	[smem:$0x3F99] =	sst s10  }
0x32: {  	s10 =	sld [smem:$0x3F97];
	_ =	sdelay $0x3  }
0x33: {  	p0 =	seq.s32 s10, $0x1;
	s10 =	sld [smem:$0x3F99];
	_ =	sdelay $0x3  }
0x34: {  	[smem:$0x3F99] =	sst s10  }
0x35: {  	s10 =	sld [smem:$0x3F98];
	_ =	sdelay $0x3  }
0x36: {  	p1 =	seq.s32 s10, $0x1;
	s10 =	sld [smem:$0x3F99];
	_ =	sdelay $0x3  }
0x37: {  	[smem:$0x3F99] =	sst s10  }
0x38: {  	s10 =	sld [smem:$0x3F9A]  }
0x39: {  	_ = 	snop;
	(pc) =	sbr.ind lr, $3  }
0x3a: {  	_ = 	snop  }
0x3b: {  	_ = 	snop  }
0x3c: {  	p2 =	seq.s32 s10, $0x1;
	s10 =	sld [smem:$0x3F99]  }
0x3d: {  	_ =	shalt  }
0x3e: {  	_ =	shalt  }
0x3f: {  	_ =	shalt  }
0x40: {  	_ =	shalt  }
0x41: {  	_ =	shalt  }
0x42: {  	_ =	shalt  }
0x43: {  	_ =	shalt  }
0x44: {  	_ =	shalt  }
0x45: {  	_ =	shalt  }
0x46: {  	_ =	shalt  }
0x47: {  	_ =	shalt  }
0x48: {  	_ =	shalt  }
0x49: {  	_ =	shalt  }
0x4a: {  	_ =	shalt  }
0x4b: {  	_ =	shalt  }
0x4c: {  	_ =	shalt  }
0x4d: {  	_ =	shalt  }
0x4e: {  	_ =	shalt  }
0x4f: {  	_ =	shalt  }
0x50: {  	_ =	shalt  }
0x51: {  	_ =	shalt  }
0x52: {  	_ =	shalt  }
0x53: {  	_ =	shalt  }
0x54: {  	_ =	shalt  }
0x55: {  	_ =	shalt  }
0x56: {  	_ =	shalt  }
0x57: {  	_ =	shalt  }
0x58: {  	_ =	shalt  }
0x59: {  	_ =	shalt  }
0x5a: {  	_ =	shalt  }
0x5b: {  	_ =	shalt  }
0x5c: {  	_ =	shalt  }
0x5d: {  	_ =	shalt  }
0x5e: {  	_ =	shalt  }
0x5f: {  	_ =	shalt  }
0x60: {  	_ =	shalt  }
0x61: {  	_ =	shalt  }
0x62: {  	_ =	shalt  }
0x63: {  	_ =	shalt  }
0x64: {  	_ =	shalt  }
0x65: {  	_ =	shalt  }
0x66: {  	_ =	shalt  }
0x67: {  	_ =	shalt  }
0x68: {  	_ =	shalt  }
0x69: {  	_ =	shalt  }
0x6a: {  	_ =	shalt  }
0x6b: {  	_ =	shalt  }
0x6c: {  	_ =	shalt  }
0x6d: {  	_ =	shalt  }
0x6e: {  	_ =	shalt  }
0x6f: {  	_ =	shalt  }
0x70: {  	_ =	shalt  }
0x71: {  	_ =	shalt  }
0x72: {  	_ =	shalt  }
0x73: {  	_ =	shalt  }
0x74: {  	_ =	shalt  }
0x75: {  	_ =	shalt  }
0x76: {  	_ =	shalt  }
0x77: {  	_ =	shalt  }
0x78: {  	_ =	shalt  }
0x79: {  	_ =	shalt  }
0x7a: {  	_ =	shalt  }
0x7b: {  	_ =	shalt  }
0x7c: {  	_ =	shalt  }
0x7d: {  	_ =	shalt  }
0x7e: {  	_ =	shalt  }
0x7f: {  	_ =	shalt  }
0x80: {  	_ =	shalt  }
0x81: {  	_ =	shalt  }
0x82: {  	_ =	shalt  }
0x83: {  	_ =	shalt  }
0x84: {  	_ =	shalt  }
0x85: {  	_ =	shalt  }
0x86: {  	_ =	shalt  }
0x87: {  	_ =	shalt  }
.Lfunc_end0:
.L_simem_size_0:
called_computation.1_lowered:
.L_overlay_start_0:
0x88: {  	s2 =	sld [smem:$0x3FD9]  }
0x89: {  	s3 =	sld [smem:$0x3FFE];
	_ =	sdelay $0x1  }
0x8a: {  	s1 =	srdreg.scid  }
0x8b: {  	s0 =	sand.u32 $0x1, s1  }
0x8c: {  	s16 =	sshll.u32 s0, $0xA;
	s2 =	sadd.s32 s3, s2  }
0x8d: {  	s2 =	sadd.s32 s2, s16  }
0x8e: {  	[smem:$0x3FA5] =	sst s2  }
0x8f: {  	_ = 	snop  }
0x90: {  	(tm) =	ssettm $0x1  }
0x91: {  	s17 =	sld [smem:$0x3FFB];
	_ =	sdelay $0x3  }
0x92: {  	_ =	strace s17  }
0x93: {  	s2 =	sld [smem:$0x3FFC];
	_ =	sdelay $0x3  }
0x94: {  	_ =	strace s2  }
0x95: {  	s2 =	sld [smem:$0x3FFD];
	_ =	sdelay $0x3  }
0x96: {  	_ =	strace s2  }
0x97: {  	_ =	strace $0x8FFFFFFF  }
0x98: {  	s18 =	sld [smem:$0x3FDB];
	_ =	sdelay $0x1  }
0x99: {  	s19 =	simm.s32 $_scs_section_size  }
0x9a: {  	s4 =	simm.s32 $_size__tile_overlayer_lowered;
	s5 =	simm.s32 $_tile_overlayer_lowered  }
0x9b: {  	s22 =	simm.s32 $0x1BFF;
	s21 =	sshll.u32 s5, $0x1;
	s2 =	sadd.s32 s19, s18  }
0x9c: {  	s6 =	simm.s32 $0x0;
	s20 =	sshll.u32 s4, $0x1;
	s4 =	sadd.s32 s21, s2  }
0x9d: {  	[timem:s6], [sflag:s22] =	dma.local [hbm:s4], s20  }
0x9e: {  	_ =	swait.ge [sflag:s22], s20  }
0x9f: {  	s3 =	ssub.s32 $0x0, s20;
	[sflag:s22] =	ssyncset.done $0x0  }
0xa0: {  	[sflag:s22] =	ssyncadd.s32 s3;
	_ =	sdelay $0x1  }
0xa1: {  	s23 =	simm.s32 $0x1B8B  }
0xa2: {  	_ =	swait.ge [sflag:s23], $0x1  }
0xa3: {  	[sflag:s23] =	ssyncset.done $0x0  }
0xa4: {  	s25 =	simm.s32 $0x1B8E;
	s24 =	sld [smem:$0x3FFE];
	[sflag:s23] =	ssyncadd.s32 $0xFFFFFFFF  }
0xa5: {  	s26 =	simm.s32 $execute0_lowered;
	[smem:$0x3FD2] =	sst s25  }
0xa6: {  	s4 =	sshll.u32 s26, $0x1;
	_ =	strace $0x80000046;
	[dreg:$0x1] =	wrdreg $0xFFFFFFFF  }
0xa7: {  	s28 =	simm.s32 $_size_execute0_lowered;
	s2 =	sadd.s32 s2, s4;
	[dreg:$0x0] =	wrdreg $0x0  }
0xa8: {  	s4 =	sshll.u32 s28, $0x1;
	[dreg:$0x2] =	wrdreg s2  }
0xa9: {  	[dreg:$0x3] =	wrdreg s4  }
0xaa: {  	[dreg:$0x4] =	wrdreg $0xC0  }
0xab: {  	_ =	task [dreg:s6], $0x5FFFF  }
0xac: {  	[dreg:$0x1] =	wrdreg $0xFFFFFFFF  }
0xad: {  	[dreg:$0x0] =	wrdreg $0x60  }
0xae: {  	[dreg:$0x2] =	wrdreg s24  }
0xaf: {  	[dreg:$0x3] =	wrdreg $0x9  }
0xb0: {  	_ =	task.clear_ibuf [dreg:s6], $0x4FFFF;
	_ =	strace $0x90000046  }
0xb1: {  	s29 =	simm.s32 $0x9;
	_ =	strace $0x80000048  }
0xb2: {  	_ =	swait.ge [sflag:s29], $0x1  }
0xb3: {  	[sflag:s29] =	ssyncadd.s32 $0xFFFFFFFF  }
0xb4: {  	_ =	strace $0x90000048  }
0xb5: {  	_ =	sfence  }
0xb6: {  	s30 =	sld [smem:$0x0];
	_ =	sdelay $0x2  }
0xb7: {  	s31 =	sshll.u32 s1, $0xD;
	s1 =	sshrl.u32 s1, $0x2  }
0xb8: {  	s3 =	sand.u32 $0x4000, s31;
	s1 =	sadd.s32 s1, s30  }
0xb9: {  	s0 =	sor.u32 s3, s0;
	s1 =	sshll.u32 s1, $0x11  }
0xba: {  	s0 =	sor.u32 s1, s0  }
0xbb: {  	s0 =	sadd.s32 $0x8F2B, s0  }
0xbc: {  	[sflag:s0] =	ssyncadd.remote.s32 $0x1  }
0xbd: {  	_ =	sfence.sel $0xFFFF  }
0xbe: {  	[dreg:$0x0] =	wrdreg $0xFFFFFFFF;
	(pc) =	sbr.abs _section_cstart, $3  }
0xbf: {  	[dreg:$0x1] =	wrdreg $0xFFFFFFFF  }
0xc0: {  	_ =	task.clear_ibuf [dreg:s6], $0x2FFFF;
	_ =	strace $0x9FFFFFFF  }
0xc1: {  	(tm) =	ssettm $0x7FFFFFFF  }
tec
execute0_lowered:
.L_overlay_start_1:
0x0: {  	(tag) =	ssettag $0x1  }
0x1: {  	s4 =	rddreg [dreg:$0x0]  }
0x2: {  	s0 =	rddreg [dreg:$0x1]  }
0x3: {  	s3 =	srdreg.scid;
	s1 =	stileid.u32;
	s2 =	simm.s32 $0x0  }
0x4: {  	s18 =	simm.s32 $0x2;
	s19 =	simm.s32 $0x28;
	s20 =	simm.s32 $0x0  }
0x5: {  	s9 =	sand.u32 $0x1, s3;
	s29 =	sshll.u32 s1, $0x1;
	[smem:$0x7FF] =	sst s2  }
0x6: {  	s12 =	sadd.s32 $0x8C00, s4;
	s11 =	sadd.s32 $0x21400, s4;
	s14 =	smul.u32 $0xC350, s1  }
0x7: {  	s10 =	sadd.s32 $0xD32200, s4;
	s13 =	sadd.s32 $0xFD200, s4;
	s16 =	smul.u32 $0xC3500, s1  }
0x8: {  	s3 =	sor.u32 s9, s29;
	s6 =	ssub.s32 $0x2, s9;
	s15 =	smul.u32 $0x61A8, s9  }
0x9: {  	_ =	strace $0x80000047;
	s5 =	smul.u32 $0x61A8, s3;
	s30 =	sshrl.u32 s6, $0x1  }
0xa: {  	s17 =	smul.u32 $0x61A80, s9;
	s3 =	sadd.s32 $0x39C00, s4;
	s8 =	ssub.s32 s6, s30  }
0xb: {  	s31 =	sadd.s32 s15, s14;
	s15 =	simm.s32 $0x100;
	s7 =	sadd.s32 $0x6180, s5  }
0xc: {  	s8 =	smax.u32 s8, $0x1;
	s14 =	sshrl.u32 s31, $0x3;
	s5 =	sshrl.u32 s7, $0x3  }
0xd: {  	s7 =	sshll.u32 s7, $0x4;
	s4 =	sadd.s32 s12, s5;
	s5 =	sadd.s32 s11, s5  }
0xe: {  	s6 =	sadd.s32 s10, s7;
	s7 =	sadd.s32 s13, s7;
	s10 =	sadd.s32 s16, s10  }
0xf: {  	s13 =	sadd.s32 s16, s13;
	s11 =	sadd.s32 s14, s11;
	s12 =	sadd.s32 s14, s12  }
0x10: {  	s14 =	simm.s32 $0x80;
	s16 =	simm.s32 $0x4100;
	s9 =	sadd.s32 s17, s10  }
0x11: {  	s10 =	sadd.s32 s17, s13;
	s13 =	simm.s32 $0x3;
	s17 =	simm.s32 $0x1  }
.LBB2_1:
0x12: {  	s21 =	sadd.s32 $0x0, s12  }
0x13: {  	[tilespmem:s2], [sflag:$0x3] =	stream.linear.gather [hbm4b:s21+s2], $0x80, $0x38;
	[tilespmem:$0x8100] =	vst v63  }
0x14: {  	_ =	swait.ge [sflag:s13], $0x80  }
0x15: {  	[sflag:s13] =	ssyncset.done $0x0  }
0x16: {  	s31 =	sadd.s32 $0x0, s11;
	[sflag:s13] =	ssyncadd.s32 $0xFFFFFF80  }
0x17: {  	[tilespmem:s14], [sflag:$0x3] =	stream.linear.gather [hbm4b:s31+s2], $0x80, $0x38;
	[tilespmem:$0x8100] =	vst v63  }
0x18: {  	_ =	swait.ge [sflag:s13], $0x80  }
0x19: {  	[sflag:s13] =	ssyncset.done $0x0  }
0x1a: {  	[sflag:s13] =	ssyncadd.s32 $0xFFFFFF80  }
0x1b: {  	[tilespmem:s15], [sflag:$0x1] =	stream.indirect.gather [hbm4b:s3+s14], $0x80, s2, s14, $0xb8;
	[tilespmem:$0x8100] =	vst v63  }
0x1c: {  	_ = 	snop  }
0x1d: {  	[tilespmem:s16], [sflag:$0x2] =	stream.indirect.gather [hbm4b:s3+s14], $0x80, s14, s14, $0xb8;
	[tilespmem:$0x8100] =	vst v63  }
0x1e: {  	_ =	swait.ge [sflag:s17], $0x4000  }
0x1f: {  	[sflag:s17] =	ssyncset.done $0x0  }
0x20: {  	[sflag:s17] =	ssyncadd.s32 $0xFFFFC000  }
0x21: {  	[hbm4b:s9+s2] =	stream.linear.scatter [tilespmem:s15], [sflag:$0x3], $0x4000, $0x38;
	[tilespmem:$0x8100] =	vst v63  }
0x22: {  	_ =	swait.ge [sflag:s13], $0x4000  }
0x23: {  	[sflag:s13] =	ssyncset.done $0x0  }
0x24: {  	[sflag:s13] =	ssyncadd.s32 $0xFFFFC000  }
0x25: {  	_ =	swait.ge [sflag:s18], $0x4000  }
0x26: {  	[sflag:s18] =	ssyncset.done $0x0  }
0x27: {  	[sflag:s18] =	ssyncadd.s32 $0xFFFFC000  }
0x28: {  	[hbm4b:s10+s2] =	stream.linear.scatter [tilespmem:s16], [sflag:$0x3], $0x4000, $0x38;
	[tilespmem:$0x8100] =	vst v63  }
0x29: {  	s23 =	simm.s32 $0x10;
	s24 =	simm.s32 $0x20;
	_ =	swait.ge [sflag:s13], $0x4000  }
0x2a: {  	s22 =	sadd.s32 $0x800, s9;
	s21 =	sadd.s32 $0x800, s10;
	[sflag:s13] =	ssyncset.done $0x0  }
.LBB2_2:
0x2b: {  	s25 =	sadd.s32 s23, s12  }
0x2c: {  	[sflag:s13] =	ssyncadd.s32 $0xFFFFC000;
	s26 =	smov.u32 s24;
	s28 =	sadd.s32 $0x10, s24  }
0x2d: {  	[tilespmem:s2], [sflag:$0x3] =	stream.linear.gather [hbm4b:s25+s2], $0x80, $0x38;
	[tilespmem:$0x8100] =	vst v63  }
0x2e: {  	p0 =	sne.s32 s24, $0xC20;
	_ =	swait.ge [sflag:s13], $0x80  }
0x2f: {  	[sflag:s13] =	ssyncset.done $0x0  }
0x30: {  	s24 =	sadd.s32 s23, s11;
	s23 =	smov.u32 s26;
	[sflag:s13] =	ssyncadd.s32 $0xFFFFFF80  }
0x31: {  	[tilespmem:s14], [sflag:$0x3] =	stream.linear.gather [hbm4b:s24+s2], $0x80, $0x38;
	[tilespmem:$0x8100] =	vst v63  }
0x32: {  	_ =	swait.ge [sflag:s13], $0x80  }
0x33: {  	[sflag:s13] =	ssyncset.done $0x0  }
0x34: {  	[sflag:s13] =	ssyncadd.s32 $0xFFFFFF80  }
0x35: {  	[tilespmem:s15], [sflag:$0x1] =	stream.indirect.gather [hbm4b:s3+s14], $0x80, s2, s14, $0xb8;
	[tilespmem:$0x8100] =	vst v63  }
0x36: {  	_ = 	snop  }
0x37: {  	[tilespmem:s16], [sflag:$0x2] =	stream.indirect.gather [hbm4b:s3+s14], $0x80, s14, s14, $0xb8;
	[tilespmem:$0x8100] =	vst v63  }
0x38: {  	_ =	swait.ge [sflag:s17], $0x4000  }
0x39: {  	[sflag:s17] =	ssyncset.done $0x0  }
0x3a: {  	[sflag:s17] =	ssyncadd.s32 $0xFFFFC000  }
0x3b: {  	[hbm4b:s22+s2] =	stream.linear.scatter [tilespmem:s15], [sflag:$0x3], $0x4000, $0x38;
	[tilespmem:$0x8100] =	vst v63  }
0x3c: {  	_ =	swait.ge [sflag:s13], $0x4000  }
0x3d: {  	[sflag:s13] =	ssyncset.done $0x0  }
0x3e: {  	[sflag:s13] =	ssyncadd.s32 $0xFFFFC000  }
0x3f: {  	_ =	swait.ge [sflag:s18], $0x4000  }
.Ltmp0:
0x40: {  	[sflag:s18] =	ssyncset.done $0x0;
	(pc) =	sbr.rel @p0 .LBB2_2-.Ltmp0, $4  }
0x41: {  	[sflag:s18] =	ssyncadd.s32 $0xFFFFC000  }
0x42: {  	[hbm4b:s21+s2] =	stream.linear.scatter [tilespmem:s16], [sflag:$0x3], $0x4000, $0x38;
	[tilespmem:$0x8100] =	vst v63  }
0x43: {  	s24 =	smov.u32 s28;
	_ =	swait.ge [sflag:s13], $0x4000  }
0x44: {  	s22 =	sadd.s32 $0x800, s22;
	s21 =	sadd.s32 $0x800, s21;
	[sflag:s13] =	ssyncset.done $0x0  }
0x45: {  	s24 =	sadd.s32 s23, s12;
	[sflag:s13] =	ssyncadd.s32 $0xFFFFC000  }
0x46: {  	[tilespmem:s2], [sflag:$0x3] =	stream.linear.gather [hbm4b:s24+s2], $0x80, $0x38;
	[tilespmem:$0x8100] =	vst v63  }
0x47: {  	_ =	swait.ge [sflag:s13], $0x80  }
0x48: {  	[sflag:s13] =	ssyncset.done $0x0  }
0x49: {  	s31 =	sadd.s32 s23, s11;
	[sflag:s13] =	ssyncadd.s32 $0xFFFFFF80  }
0x4a: {  	[tilespmem:s14], [sflag:$0x3] =	stream.linear.gather [hbm4b:s31+s2], $0x80, $0x38;
	[tilespmem:$0x8100] =	vst v63  }
0x4b: {  	_ =	swait.ge [sflag:s13], $0x80  }
0x4c: {  	[sflag:s13] =	ssyncset.done $0x0  }
0x4d: {  	[sflag:s13] =	ssyncadd.s32 $0xFFFFFF80  }
0x4e: {  	[tilespmem:s15], [sflag:$0x1] =	stream.indirect.gather [hbm4b:s3+s14], $0x80, s2, s14, $0xb8;
	[tilespmem:$0x8100] =	vst v63  }
0x4f: {  	_ = 	snop  }
0x50: {  	[tilespmem:s16], [sflag:$0x2] =	stream.indirect.gather [hbm4b:s3+s14], $0x80, s14, s14, $0xb8;
	[tilespmem:$0x8100] =	vst v63  }
0x51: {  	_ =	swait.ge [sflag:s17], $0x4000  }
0x52: {  	[sflag:s17] =	ssyncset.done $0x0  }
0x53: {  	[sflag:s17] =	ssyncadd.s32 $0xFFFFC000  }
0x54: {  	[hbm4b:s22+s2] =	stream.linear.scatter [tilespmem:s15], [sflag:$0x3], $0x4000, $0x38;
	[tilespmem:$0x8100] =	vst v63  }
0x55: {  	_ =	swait.ge [sflag:s13], $0x4000  }
0x56: {  	[sflag:s13] =	ssyncset.done $0x0  }
0x57: {  	[sflag:s13] =	ssyncadd.s32 $0xFFFFC000  }
0x58: {  	_ =	swait.ge [sflag:s18], $0x4000  }
0x59: {  	[sflag:s18] =	ssyncset.done $0x0  }
0x5a: {  	[sflag:s18] =	ssyncadd.s32 $0xFFFFC000  }
0x5b: {  	[hbm4b:s21+s2] =	stream.linear.scatter [tilespmem:s16], [sflag:$0x3], $0x4000, $0x38;
	[tilespmem:$0x8100] =	vst v63  }
0x5c: {  	_ =	swait.ge [sflag:s13], $0x4000  }
0x5d: {  	[sflag:s13] =	ssyncset.done $0x0  }
0x5e: {  	[sflag:s13] =	ssyncadd.s32 $0xFFFFC000  }
0x5f: {  	[tilespmem:s2], [sflag:$0x3] =	stream.linear.gather [hbm4b:s4+s2], $0x28, $0x38;
	[tilespmem:$0x8100] =	vst v63  }
0x60: {  	_ =	swait.ge [sflag:s13], $0x28  }
0x61: {  	[sflag:s13] =	ssyncset.done $0x0  }
0x62: {  	[sflag:s13] =	ssyncadd.s32 $0xFFFFFFD8  }
0x63: {  	[tilespmem:s14], [sflag:$0x3] =	stream.linear.gather [hbm4b:s5+s2], $0x28, $0x38;
	[tilespmem:$0x8100] =	vst v63  }
0x64: {  	_ =	swait.ge [sflag:s13], $0x28  }
0x65: {  	[sflag:s13] =	ssyncset.done $0x0  }
0x66: {  	[sflag:s13] =	ssyncadd.s32 $0xFFFFFFD8  }
0x67: {  	[tilespmem:s15], [sflag:$0x1] =	stream.indirect.gather [hbm4b:s3+s19], $0x80, s2, s19, $0xb8;
	[tilespmem:$0x8100] =	vst v63  }
0x68: {  	_ = 	snop  }
0x69: {  	[tilespmem:s16], [sflag:$0x2] =	stream.indirect.gather [hbm4b:s3+s19], $0x80, s14, s19, $0xb8;
	[tilespmem:$0x8100] =	vst v63  }
0x6a: {  	_ =	swait.ge [sflag:s17], $0x1400  }
0x6b: {  	[sflag:s17] =	ssyncset.done $0x0  }
0x6c: {  	[sflag:s17] =	ssyncadd.s32 $0xFFFFEC00  }
0x6d: {  	[hbm4b:s6+s2] =	stream.linear.scatter [tilespmem:s15], [sflag:$0x3], $0x1400, $0x38;
	[tilespmem:$0x8100] =	vst v63  }
0x6e: {  	_ =	swait.ge [sflag:s13], $0x1400  }
0x6f: {  	[sflag:s13] =	ssyncset.done $0x0  }
0x70: {  	[sflag:s13] =	ssyncadd.s32 $0xFFFFEC00  }
0x71: {  	s20 =	sadd.s32 $0x1, s20;
	_ =	swait.ge [sflag:s18], $0x1400  }
0x72: {  	p0 =	sne.s32 s20, s8;
	[sflag:s18] =	ssyncset.done $0x0  }
.Ltmp1:
0x73: {  	[sflag:s18] =	ssyncadd.s32 $0xFFFFEC00;
	(pc) =	sbr.rel @p0 .LBB2_1-.Ltmp1, $4  }
0x74: {  	[hbm4b:s7+s2] =	stream.linear.scatter [tilespmem:s16], [sflag:$0x3], $0x1400, $0x38;
	[tilespmem:$0x8100] =	vst v63  }
0x75: {  	_ =	swait.ge [sflag:s13], $0x1400  }
0x76: {  	[sflag:s13] =	ssyncset.done $0x0  }
0x77: {  	[sflag:s13] =	ssyncadd.s32 $0xFFFFEC00  }
0x78: {  	_ =	sfence.sel $0x180000  }
0x79: {  	[bflag:$0x0] =	sbarrier.arrive $0xFFFF  }
0x7a: {  	p0 =	sne.s32 s1, $0x0;
	_ =	strace $0x90000047  }
0x7b: {  	s0 =	sadd.s32 @!p0 $0x100000, s0;
	[bflag:$0x2] =	sbarrier.arrive $0xFFFF  }
0x7c: {  	[sflag:s0] =	ssyncadd.tile.s32 @!p0 $0x1;
	_ =	shalt  }
.Lfunc_end2:
_tile_overlayer_lowered:
.L_overlay_start_2:
0x7d: {  	(tag) =	ssettag $0x2  }
0x7e: {  	s0 =	rddreg [dreg:$0x0];
	s2 =	stileid.u32  }
0x7f: {  	s1 =	rddreg [dreg:$0x1];
	p0 =	sne.s32 s2, $0x0  }
0x80: {  	s3 =	rddreg [dreg:$0x2];
	[bflag:$0x3] =	sbarrier.arrive $0xFFFF;
	s2 =	simm.s32 @!p0 $0x1C03  }
0x81: {  	[timem:s3], [sflag:s2] =	dma.local @!p0 [hbm:s0], s1  }
0x82: {  	s0 =	simm.s32 @!p0 $0x3  }
0x83: {  	_ =	swait.ge @!p0 [sflag:s0], s1  }
0x84: {  	s1 =	ssub.s32 @!p0 $0x0, s1;
	[sflag:s0] =	ssyncset.done @!p0 $0x0  }
0x85: {  	[sflag:s0] =	ssyncadd.s32 @!p0 s1  }
0x86: {  	[bflag:$0x3] =	sbarrier.arrive $0xFFFF  }
0x87: {  	_ =	shalt  }

// kernel: kernel.16.cloned.1.call-start
scs
__scs_entry_jumppad:
0x0: {  	(pc) =	sbr.rel $0x88, $3  }
0x1: {  	(tag) =	ssettag $0x0;
	lr =	simm.s32 $0x1  }
0x2: {  	[smem:$0x3F7E] =	sst lr;
	_ =	strace $0xD0000000  }
0x3: {  	_ = 	snop  }
0x4: {  	_ = 	snop  }
0x5: {  	_ = 	snop  }
0x6: {  	_ = 	snop  }
0x7: {  	_ = 	snop  }
__scs_overlays_trampoline_lowered:
0x8: {  	[smem:$0x3F8D] =	sst s0  }
0x9: {  	[smem:$0x3F8E] =	sst s1  }
0xa: {  	[smem:$0x3F8F] =	sst s2  }
0xb: {  	[smem:$0x3F90] =	sst s3  }
0xc: {  	[smem:$0x3F91] =	sst s4  }
0xd: {  	[smem:$0x3F92] =	sst s5  }
0xe: {  	[smem:$0x3F93] =	sst s6  }
0xf: {  	[smem:$0x3F94] =	sst s7  }
0x10: {  	[smem:$0x3F95] =	sst s8  }
0x11: {  	[smem:$0x3F96] =	sst s9;
	s0 =	simm.s32 @!p0 $0x0  }
0x12: {  	s1 =	sld [smem:$0x3F7C];
	s0 =	simm.s32 @p0 $0x1  }
0x13: {  	[smem:$0x3F97] =	sst s0;
	s0 =	simm.s32 @!p1 $0x0  }
0x14: {  	s2 =	sld [smem:$0x3F7B];
	s0 =	simm.s32 @p1 $0x1  }
0x15: {  	[smem:$0x3F98] =	sst s0;
	s0 =	simm.s32 @!p2 $0x0  }
0x16: {  	s3 =	sld [smem:$0x3FDB];
	s0 =	simm.s32 @p2 $0x1  }
0x17: {  	s4 =	simm.s32 $0x1BF5;
	[smem:$0x3F9A] =	sst s0  }
0x18: {  	s0 =	sld [smem:$0x3F7D];
	_ =	swait.ge [sflag:s4], $0x0  }
0x19: {  	s7 =	sld [smem:$0x3F7E]  }
0x1a: {  	s8 =	sadd.s32 $0xFFFFE003, lr  }
0x1b: {  	s9 =	sadd.s32 $0xFFFFFEF7, lr;
	s5 =	simm.s32 $0xFFFFFFFF;
	p2 =	slt.u32 s8, $0xFFFFF086  }
0x1c: {  	p1 =	slt.u32 s9, $0xF7A;
	s5 =	simm.s32 @!p2 $0x0  }
0x1d: {  	s5 =	simm.s32 @p1 $0x1;
	p0 =	seq.s32 s7, s2  }
0x1e: {  	s7 =	smul.u32 @!p0 $0xF7A, s2;
	p2 =	seq.s32 @!p0 s5, $0x0  }
0x1f: {  	s9 =	smul.u32 $0xF7A, s1;
	s8 =	simm.s32 @!p0 $0x1BF5;
	p2 =	por !p2, p0  }
0x20: {  	[sflag:s8] =	ssyncset.s32 @!p0 $0xFFFFF086;
	s6 =	sadd.s32 @!p0 s3, s7;
	s7 =	simm.s32 @!p0 $0x108  }
0x21: {  	s3 =	sadd.s32 s3, s9;
	s6 =	sadd.s32 @!p0 $0x88, s6;
	s7 =	simm.s32 @p2 $0x1082  }
0x22: {  	[simem:s7], [sflag:s8] =	dma.local @!p0 [hbm:s6], $0xF7A  }
0x23: {  	s9 =	sor.u32 $0xD0000000, s2;
	s6 =	simm.s32 $0x108;
	_ =	swait.ge @!p0 [sflag:s8], $0x0  }
0x24: {  	s3 =	sadd.s32 $0x88, s3;
	s6 =	simm.s32 @!p1 $0x1082;
	[sflag:s4] =	ssyncset.s32 $0xFFFFF086  }
0x25: {  	[simem:s6], [sflag:s4] =	dma.local [hbm:s3], $0xF7A  }
0x26: {  	[smem:$0x3F7E] =	sst s1;
	(tag) =	ssettag s2;
	_ =	strace s9  }
0x27: {  	s1 =	sld [smem:$0x3F8E]  }
0x28: {  	s2 =	sld [smem:$0x3F8F]  }
0x29: {  	s4 =	sld [smem:$0x3F91]  }
0x2a: {  	p0 =	seq.s32 s5, $0x0;
	s5 =	sld [smem:$0x3F92]  }
0x2b: {  	s6 =	sld [smem:$0x3F93]  }
0x2c: {  	s7 =	sld [smem:$0x3F94]  }
0x2d: {  	s3 =	simm.s32 $0x108;
	s8 =	sld [smem:$0x3F95]  }
0x2e: {  	s3 =	simm.s32 @!p0 $0x1082;
	s9 =	sld [smem:$0x3F96]  }
0x2f: {  	lr =	sadd.s32 s0, s3;
	s0 =	sld [smem:$0x3F8D]  }
0x30: {  	s3 =	sld [smem:$0x3F90]  }
0x31: {  	[smem:$0x3F99] =	sst s10  }
0x32: {  	s10 =	sld [smem:$0x3F97];
	_ =	sdelay $0x3  }
0x33: {  	p0 =	seq.s32 s10, $0x1;
	s10 =	sld [smem:$0x3F99];
	_ =	sdelay $0x3  }
0x34: {  	[smem:$0x3F99] =	sst s10  }
0x35: {  	s10 =	sld [smem:$0x3F98];
	_ =	sdelay $0x3  }
0x36: {  	p1 =	seq.s32 s10, $0x1;
	s10 =	sld [smem:$0x3F99];
	_ =	sdelay $0x3  }
0x37: {  	[smem:$0x3F99] =	sst s10  }
0x38: {  	s10 =	sld [smem:$0x3F9A]  }
0x39: {  	_ = 	snop;
	(pc) =	sbr.ind lr, $3  }
0x3a: {  	_ = 	snop  }
0x3b: {  	_ = 	snop  }
0x3c: {  	p2 =	seq.s32 s10, $0x1;
	s10 =	sld [smem:$0x3F99]  }
0x3d: {  	_ =	shalt  }
0x3e: {  	_ =	shalt  }
0x3f: {  	_ =	shalt  }
0x40: {  	_ =	shalt  }
0x41: {  	_ =	shalt  }
0x42: {  	_ =	shalt  }
0x43: {  	_ =	shalt  }
0x44: {  	_ =	shalt  }
0x45: {  	_ =	shalt  }
0x46: {  	_ =	shalt  }
0x47: {  	_ =	shalt  }
0x48: {  	_ =	shalt  }
0x49: {  	_ =	shalt  }
0x4a: {  	_ =	shalt  }
0x4b: {  	_ =	shalt  }
0x4c: {  	_ =	shalt  }
0x4d: {  	_ =	shalt  }
0x4e: {  	_ =	shalt  }
0x4f: {  	_ =	shalt  }
0x50: {  	_ =	shalt  }
0x51: {  	_ =	shalt  }
0x52: {  	_ =	shalt  }
0x53: {  	_ =	shalt  }
0x54: {  	_ =	shalt  }
0x55: {  	_ =	shalt  }
0x56: {  	_ =	shalt  }
0x57: {  	_ =	shalt  }
0x58: {  	_ =	shalt  }
0x59: {  	_ =	shalt  }
0x5a: {  	_ =	shalt  }
0x5b: {  	_ =	shalt  }
0x5c: {  	_ =	shalt  }
0x5d: {  	_ =	shalt  }
0x5e: {  	_ =	shalt  }
0x5f: {  	_ =	shalt  }
0x60: {  	_ =	shalt  }
0x61: {  	_ =	shalt  }
0x62: {  	_ =	shalt  }
0x63: {  	_ =	shalt  }
0x64: {  	_ =	shalt  }
0x65: {  	_ =	shalt  }
0x66: {  	_ =	shalt  }
0x67: {  	_ =	shalt  }
0x68: {  	_ =	shalt  }
0x69: {  	_ =	shalt  }
0x6a: {  	_ =	shalt  }
0x6b: {  	_ =	shalt  }
0x6c: {  	_ =	shalt  }
0x6d: {  	_ =	shalt  }
0x6e: {  	_ =	shalt  }
0x6f: {  	_ =	shalt  }
0x70: {  	_ =	shalt  }
0x71: {  	_ =	shalt  }
0x72: {  	_ =	shalt  }
0x73: {  	_ =	shalt  }
0x74: {  	_ =	shalt  }
0x75: {  	_ =	shalt  }
0x76: {  	_ =	shalt  }
0x77: {  	_ =	shalt  }
0x78: {  	_ =	shalt  }
0x79: {  	_ =	shalt  }
0x7a: {  	_ =	shalt  }
0x7b: {  	_ =	shalt  }
0x7c: {  	_ =	shalt  }
0x7d: {  	_ =	shalt  }
0x7e: {  	_ =	shalt  }
0x7f: {  	_ =	shalt  }
0x80: {  	_ =	shalt  }
0x81: {  	_ =	shalt  }
0x82: {  	_ =	shalt  }
0x83: {  	_ =	shalt  }
0x84: {  	_ =	shalt  }
0x85: {  	_ =	shalt  }
0x86: {  	_ =	shalt  }
0x87: {  	_ =	shalt  }
.Lfunc_end0:
.L_simem_size_0:
called_computation.2_lowered:
.L_overlay_start_0:
0x88: {  	s2 =	sld [smem:$0x3FD9]  }
0x89: {  	s3 =	sld [smem:$0x3FFE];
	_ =	sdelay $0x1  }
0x8a: {  	s1 =	srdreg.scid  }
0x8b: {  	s0 =	sand.u32 $0x1, s1  }
0x8c: {  	s16 =	sshll.u32 s0, $0xA;
	s2 =	sadd.s32 s3, s2  }
0x8d: {  	s2 =	sadd.s32 s2, s16  }
0x8e: {  	[smem:$0x3FA5] =	sst s2  }
0x8f: {  	_ = 	snop  }
0x90: {  	(tm) =	ssettm $0x1  }
0x91: {  	s17 =	sld [smem:$0x3FFB];
	_ =	sdelay $0x3  }
0x92: {  	_ =	strace s17  }
0x93: {  	s2 =	sld [smem:$0x3FFC];
	_ =	sdelay $0x3  }
0x94: {  	_ =	strace s2  }
0x95: {  	s2 =	sld [smem:$0x3FFD];
	_ =	sdelay $0x3  }
0x96: {  	_ =	strace s2  }
0x97: {  	_ =	strace $0x8FFFFFFF  }
0x98: {  	s18 =	sld [smem:$0x3FDB];
	_ =	sdelay $0x1  }
0x99: {  	s19 =	simm.s32 $_scs_section_size  }
0x9a: {  	s4 =	simm.s32 $_size__tile_overlayer_lowered;
	s5 =	simm.s32 $_tile_overlayer_lowered  }
0x9b: {  	s22 =	simm.s32 $0x1BFF;
	s21 =	sshll.u32 s5, $0x1;
	s2 =	sadd.s32 s19, s18  }
0x9c: {  	s6 =	simm.s32 $0x0;
	s20 =	sshll.u32 s4, $0x1;
	s4 =	sadd.s32 s21, s2  }
0x9d: {  	[timem:s6], [sflag:s22] =	dma.local [hbm:s4], s20  }
0x9e: {  	_ =	swait.ge [sflag:s22], s20  }
0x9f: {  	s3 =	ssub.s32 $0x0, s20;
	[sflag:s22] =	ssyncset.done $0x0  }
0xa0: {  	[sflag:s22] =	ssyncadd.s32 s3;
	_ =	sdelay $0x1  }
0xa1: {  	s23 =	simm.s32 $0x1B8B  }
0xa2: {  	_ =	swait.ge [sflag:s23], $0x1  }
0xa3: {  	[sflag:s23] =	ssyncset.done $0x0  }
0xa4: {  	s25 =	simm.s32 $0x1B8E;
	s24 =	sld [smem:$0x3FFE];
	[sflag:s23] =	ssyncadd.s32 $0xFFFFFFFF  }
0xa5: {  	s26 =	simm.s32 $execute0_lowered;
	[smem:$0x3FD2] =	sst s25  }
0xa6: {  	s4 =	sshll.u32 s26, $0x1;
	_ =	strace $0x8000004C;
	[dreg:$0x1] =	wrdreg $0xFFFFFFFF  }
0xa7: {  	s28 =	simm.s32 $_size_execute0_lowered;
	s2 =	sadd.s32 s2, s4;
	[dreg:$0x0] =	wrdreg $0x0  }
0xa8: {  	s4 =	sshll.u32 s28, $0x1;
	[dreg:$0x2] =	wrdreg s2  }
0xa9: {  	[dreg:$0x3] =	wrdreg s4  }
0xaa: {  	[dreg:$0x4] =	wrdreg $0xC0  }
0xab: {  	_ =	task [dreg:s6], $0x5FFFF  }
0xac: {  	[dreg:$0x1] =	wrdreg $0xFFFFFFFF  }
0xad: {  	[dreg:$0x0] =	wrdreg $0x60  }
0xae: {  	[dreg:$0x2] =	wrdreg s24  }
0xaf: {  	[dreg:$0x3] =	wrdreg $0x139C00  }
0xb0: {  	[dreg:$0x4] =	wrdreg $0x1BAC00  }
0xb1: {  	[dreg:$0x5] =	wrdreg $0x9  }
0xb2: {  	_ =	task.clear_ibuf [dreg:s6], $0x6FFFF;
	_ =	strace $0x9000004C  }
0xb3: {  	s29 =	simm.s32 $0x9;
	_ =	strace $0x8000004E  }
0xb4: {  	_ =	swait.ge [sflag:s29], $0x1  }
0xb5: {  	[sflag:s29] =	ssyncadd.s32 $0xFFFFFFFF  }
0xb6: {  	_ =	strace $0x9000004E  }
0xb7: {  	_ =	sfence  }
0xb8: {  	s30 =	sld [smem:$0x0];
	_ =	sdelay $0x2  }
0xb9: {  	s31 =	sshll.u32 s1, $0xD;
	s1 =	sshrl.u32 s1, $0x2  }
0xba: {  	s3 =	sand.u32 $0x4000, s31;
	s1 =	sadd.s32 s1, s30  }
0xbb: {  	s0 =	sor.u32 s3, s0;
	s1 =	sshll.u32 s1, $0x11  }
0xbc: {  	s0 =	sor.u32 s1, s0  }
0xbd: {  	s0 =	sadd.s32 $0x8F2B, s0  }
0xbe: {  	[sflag:s0] =	ssyncadd.remote.s32 $0x1  }
0xbf: {  	_ =	sfence.sel $0xFFFF  }
0xc0: {  	[dreg:$0x0] =	wrdreg $0xFFFFFFFF;
	(pc) =	sbr.abs _section_cstart, $3  }
0xc1: {  	[dreg:$0x1] =	wrdreg $0xFFFFFFFF  }
0xc2: {  	_ =	task.clear_ibuf [dreg:s6], $0x2FFFF;
	_ =	strace $0x9FFFFFFF  }
0xc3: {  	(tm) =	ssettm $0x7FFFFFFF  }
tec
execute0_lowered:
.L_overlay_start_1:
0x0: {  	(tag) =	ssettag $0x1  }
0x1: {  	s0 =	rddreg [dreg:$0x0]  }
0x2: {  	s1 =	rddreg [dreg:$0x1]  }
0x3: {  	s2 =	rddreg [dreg:$0x2];
	s3 =	simm.s32 $0x0  }
0x4: {  	s12 =	srdreg.scid;
	s8 =	stileid.u32;
	s28 =	simm.s32 $0x3  }
0x5: {  	s30 =	simm.s32 $0x131C0;
	s31 =	simm.s32 $0x7D0;
	s9 =	simm.s32 $0x19B0  }
0x6: {  	s29 =	simm.s32 $0x1930;
	[smem:$0x7FF] =	sst s3;
	s4 =	sadd.s32 $0x1967E00, s0  }
0x7: {  	s5 =	sadd.s32 $0x21400, s0;
	s11 =	sadd.s32 $0x8E00, s0;
	s6 =	sadd.s32 $0x9000, s0  }
0x8: {  	s13 =	sadd.s32 $0x9200, s0;
	_ =	strace $0x8000004D;
	[dreg:$0x4] =	wrdreg s11  }
0x9: {  	s3 =	sand.u32 $0x1, s12;
	s14 =	sadd.s32 $0xFD200, s0;
	[dreg:$0x5] =	wrdreg s6  }
0xa: {  	s0 =	sadd.s32 $0x29D200, s0;
	s7 =	smul.u32 $0x2040, s8;
	[dreg:$0x6] =	wrdreg s13  }
0xb: {  	s17 =	sshll.u32 s8, $0xF;
	s19 =	sshll.u32 s8, $0x7;
	[dreg:$0x7] =	wrdreg s14  }
0xc: {  	s20 =	sshll.u32 s8, $0xB;
	s15 =	ssub.s32 $0x2, s3;
	[dreg:$0x8] =	wrdreg s0  }
0xd: {  	s3 =	sshll.u32 s3, $0xB;
	s14 =	sadd.s32 s17, s1;
	[dreg:$0xb] =	wrdreg s19  }
0xe: {  	s6 =	simm.s32 $0x1;
	s17 =	simm.s32 $0x99B0;
	s11 =	simm.s32 $0x0  }
0xf: {  	s16 =	sshrl.u32 s15, $0x1;
	[dreg:$0x9] =	wrdreg s3;
	s21 =	sadd.s32 $0x1000, s14  }
0x10: {  	s18 =	sshrl.u32 s7, $0x2;
	s22 =	sadd.s32 $0x2000, s14;
	[dreg:$0xd] =	wrdreg s21  }
0x11: {  	s23 =	sadd.s32 $0x3000, s14;
	s24 =	sadd.s32 $0x4000, s14;
	[dreg:$0xe] =	wrdreg s22  }
0x12: {  	s25 =	sadd.s32 $0x5000, s14;
	s26 =	sadd.s32 $0x6000, s14;
	[dreg:$0xf] =	wrdreg s23  }
0x13: {  	s0 =	ssub.s32 s15, s16;
	s15 =	smul.u32 $0xC350, s8;
	[dreg:$0x10] =	wrdreg s24  }
.Ltmp0:
0x14: {  	s7 =	simm.s32 $0x2;
	[dreg:$0x11] =	wrdreg s25;
	(pc) =	sbr.rel .LBB2_1-.Ltmp0, $4  }
0x15: {  	s3 =	sadd.s32 s18, s2;
	[dreg:$0x12] =	wrdreg s26;
	s24 =	sadd.s32 $0x7000, s14  }
0x16: {  	s26 =	simm.s32 $0x119B0;
	[dreg:$0xa] =	wrdreg s3;
	s0 =	smax.u32 s0, $0x1  }
0x17: {  	v0 =	vlaneseq.u32;
	s8 =	simm.s32 $0x80;
	s3 =	sadd.s32 s20, s2;
	[dreg:$0xc] =	wrdreg s0  }
0x18: {  	v1 =	vimm.s32 $0x0;
	v3 =	vimm.s32 $0x800;
	v2 =	vor.u32 $0x850, v0;
	s25 =	sshrl.u32 s3, $0x3;
	s0 =	simm.s32 $0x1040;
	s3 =	simm.s32 $0x18B0  }
.LBB2_11:
0x19: {  	s11 =	rddreg [dreg:$0x13]  }
0x1a: {  	s10 =	rddreg [dreg:$0xc];
	s11 =	sadd.s32 $0x1, s11  }
0x1b: {  	p0 =	sne.s32 s11, s10  }
.Ltmp1:
0x1c: {  	_ = 	snop;
	(pc) =	sbr.rel @!p0 .LBB2_12-.Ltmp1, $1  }
0x1d: {  	_ =	sdelay $0x3  }
.LBB2_1:
0x1e: {  	[dreg:$0x13] =	wrdreg s11  }
0x1f: {  	s10 =	simm.s32 $0x0;
	s21 =	rddreg [dreg:$0x4]  }
0x20: {  	[tilespmem:s26], [sflag:$0x3] =	stream.linear.gather [hbm4b:s21+s10], $0x1000, $0x38;
	[tilespmem:$0x1C2D0] =	vst v63  }
0x21: {  	_ =	swait.ge [sflag:s28], $0x1000  }
0x22: {  	[sflag:s28] =	ssyncset.done $0x0  }
0x23: {  	s12 =	simm.s32 $0x129B0;
	s22 =	rddreg [dreg:$0x5];
	[sflag:s28] =	ssyncadd.s32 $0xFFFFF000  }
0x24: {  	[tilespmem:s12], [sflag:$0x3] =	stream.linear.gather [hbm4b:s22+s10], $0x810, $0x38;
	[tilespmem:$0x1C2D0] =	vst v63  }
0x25: {  	_ =	swait.ge [sflag:s28], $0x810  }
0x26: {  	[sflag:s28] =	ssyncset.done $0x0  }
.Ltmp2:
0x27: {  	s23 =	rddreg [dreg:$0x6];
	[sflag:s28] =	ssyncadd.s32 $0xFFFFF7F0;
	(pc) =	sbr.rel .LBB2_2-.Ltmp2, $4  }
0x28: {  	[tilespmem:s30], [sflag:$0x3] =	stream.linear.gather [hbm4b:s23+s10], $0x800, $0x38;
	[tilespmem:$0x1C2D0] =	vst v63  }
0x29: {  	_ =	swait.ge [sflag:s28], $0x800  }
0x2a: {  	[sflag:s28] =	ssyncset.done $0x0  }
0x2b: {  	s10 =	simm.s32 $0x0;
	[sflag:s28] =	ssyncadd.s32 $0xFFFFF800  }
.LBB2_10:
0x2c: {  	[tilespmem:s19+$0x7D0] =	vst v1;
	s12 =	sand.u32 $0xFFFFFFF8, s19;
	s13 =	sand.u32 $0x7, s18  }
0x2d: {  	[tilespmem:s19+$0x1040] =	vst v3;
	s12 =	sor.u32 s13, s12  }
0x2e: {  	[tilespmem:s12+$0x7E0] =	vst v1  }
0x2f: {  	[tilespmem:s12+$0x1050] =	vst v3  }
0x30: {  	[tilespmem:s12+$0x7F0] =	vst v1  }
0x31: {  	[tilespmem:s12+$0x1060] =	vst v3  }
0x32: {  	[tilespmem:s12+$0x800] =	vst v1  }
0x33: {  	[tilespmem:s12+$0x1070] =	vst v3  }
0x34: {  	[tilespmem:s12+$0x810] =	vst v1  }
0x35: {  	[tilespmem:s12+$0x1080] =	vst v3  }
0x36: {  	[tilespmem:s12+$0x820] =	vst v1  }
0x37: {  	[tilespmem:s12+$0x1090] =	vst v3  }
0x38: {  	[tilespmem:s12+$0x830] =	vst v1  }
0x39: {  	[tilespmem:s12+$0x10A0] =	vst v3  }
0x3a: {  	[tilespmem:s12+$0x840] =	vst v1  }
0x3b: {  	p0 =	slt.s32 s19, $0x1;
	[tilespmem:s12+$0x10B0] =	vst v3  }
0x3c: {  	v4 =	vld @!p0 [tilespmem:$0x1040]  }
0x3d: {  	v5 =	vld @!p0 [tilespmem:$0x1050]  }
0x3e: {  	v6 =	vld @!p0 [tilespmem:$0x1060]  }
0x3f: {  	v7 =	vld @!p0 [tilespmem:$0x1070]  }
0x40: {  	v8 =	vld @!p0 [tilespmem:$0x1080]  }
0x41: {  	[tilespmem:$0x18B0] =	vst @!p0 v4;
	v4 =	vld @!p0 [tilespmem:$0x1090]  }
0x42: {  	[tilespmem:$0x18C0] =	vst @!p0 v5;
	v5 =	vld @!p0 [tilespmem:$0x10A0]  }
0x43: {  	[tilespmem:$0x18D0] =	vst @!p0 v6;
	v6 =	vld @!p0 [tilespmem:$0x10B0]  }
0x44: {  	[tilespmem:$0x18E0] =	vst @!p0 v7  }
0x45: {  	[tilespmem:$0x18F0] =	vst @!p0 v8  }
0x46: {  	[tilespmem:$0x1900] =	vst @!p0 v4  }
0x47: {  	[tilespmem:$0x1910] =	vst @!p0 v5  }
0x48: {  	s13 =	simm.s32 @!p0 $0x7D0;
	s16 =	simm.s32 @!p0 $0x19B0;
	s12 =	simm.s32 @!p0 $0x80;
	[tilespmem:$0x1920] =	vst @!p0 v6  }
0x49: {  	[tilespmem:s16], [sflag:$0x1] =	stream.indirect.gather @!p0 [hbm4b:s4+s12], $0x100, s13, s12, $0xb8;
	[tilespmem:$0x1C2D0] =	vst v63  }
0x4a: {  	s13 =	simm.s32 @!p0 $0x1  }
0x4b: {  	_ =	swait.ge @!p0 [sflag:s13], $0x8000  }
0x4c: {  	[sflag:s13] =	ssyncset.done @!p0 $0x0  }
0x4d: {  	[sflag:s13] =	ssyncadd.s32 @!p0 $0xFFFF8000;
	s13 =	simm.s32 @!p0 $0x18B0  }
0x4e: {  	[spmem:s1] =	stream.indirect.scatter.add.f32 @!p0 [tilespmem:s16], [sflag:$0x3], $0x100, s13, s12, $0xb8;
	[tilespmem:$0x1C2D0] =	vst v63  }
0x4f: {  	s16 =	simm.s32 @!p0 $0x3  }
0x50: {  	_ =	swait.ge @!p0 [sflag:s16], $0x8000  }
0x51: {  	[sflag:s16] =	ssyncset.done @!p0 $0x0  }
0x52: {  	s18 =	simm.s32 @!p0 $0x131C0;
	[sflag:s16] =	ssyncadd.s32 @!p0 $0xFFFF8000  }
0x53: {  	[spmem:s2] =	stream.indirect.scatter.add.f32 @!p0 [tilespmem:s18], [sflag:$0x3], $0x10, s13, s12, $0xb8;
	[tilespmem:$0x1C2D0] =	vst v63  }
0x54: {  	_ =	swait.ge @!p0 [sflag:s16], $0x800  }
0x55: {  	[sflag:s16] =	ssyncset.done @!p0 $0x0  }
0x56: {  	s19 =	rddreg [dreg:$0xb];
	[sflag:s16] =	ssyncadd.s32 @!p0 $0xFFFFF800  }
0x57: {  	s20 =	stileid.u32;
	s11 =	sor.u32 s19, s11;
	[bflag:$0x0] =	sbarrier.arrive $0xFFFF  }
0x58: {  	s13 =	sshll.u32 s20, $0x6;
	s12 =	sshll.u32 s11, $0x5;
	s21 =	rddreg [dreg:$0x7]  }
0x59: {  	s22 =	sshrl.u32 s14, $0x3;
	s13 =	sor.u32 $0x1C03, s13;
	s12 =	sadd.s32 s21, s12  }
0x5a: {  	[hbm:s12], [sflag:s13] =	dma.local [spmem:s22], $0x1000  }
0x5b: {  	s10 =	sadd.s32 $0x1, s10;
	_ =	swait.ge [sflag:s28], $0x1000  }
0x5c: {  	s11 =	sshll.u32 s11, $0x1;
	[sflag:s28] =	ssyncset.done $0x0;
	s23 =	rddreg [dreg:$0x8]  }
0x5d: {  	p0 =	sne.s32 s10, $0xD;
	[sflag:s28] =	ssyncadd.s32 $0xFFFFF000;
	s11 =	sadd.s32 s23, s11  }
0x5e: {  	[hbm:s11], [sflag:s13] =	dma.local [spmem:s25], $0x100  }
.Ltmp3:
0x5f: {  	_ =	swait.ge [sflag:s28], $0x100;
	(pc) =	sbr.rel @!p0 .LBB2_11-.Ltmp3, $3  }
0x60: {  	[sflag:s28] =	ssyncset.done $0x0  }
0x61: {  	[sflag:s28] =	ssyncadd.s32 $0xFFFFFF00  }
0x62: {  	[bflag:$0x0] =	sbarrier.arrive $0xFFFF;
	_ =	sdelay $0x1  }
.LBB2_2:
0x63: {  	[spmem:s14] =	stream.linear.scatter [tilespmem:s26], [sflag:$0x3], $0x1000, $0x38;
	[tilespmem:$0x1C2D0] =	vst v63  }
0x64: {  	_ =	swait.ge [sflag:s28], $0x1000  }
0x65: {  	[sflag:s28] =	ssyncset.done $0x0  }
0x66: {  	s11 =	rddreg [dreg:$0xd];
	[sflag:s28] =	ssyncadd.s32 $0xFFFFF000  }
0x67: {  	[spmem:s11] =	stream.linear.scatter [tilespmem:s26], [sflag:$0x3], $0x1000, $0x38;
	[tilespmem:$0x1C2D0] =	vst v63  }
0x68: {  	_ =	swait.ge [sflag:s28], $0x1000  }
0x69: {  	[sflag:s28] =	ssyncset.done $0x0  }
0x6a: {  	s13 =	rddreg [dreg:$0xe];
	[sflag:s28] =	ssyncadd.s32 $0xFFFFF000  }
0x6b: {  	[spmem:s13] =	stream.linear.scatter [tilespmem:s26], [sflag:$0x3], $0x1000, $0x38;
	[tilespmem:$0x1C2D0] =	vst v63  }
0x6c: {  	_ =	swait.ge [sflag:s28], $0x1000  }
0x6d: {  	[sflag:s28] =	ssyncset.done $0x0  }
0x6e: {  	s16 =	rddreg [dreg:$0xf];
	[sflag:s28] =	ssyncadd.s32 $0xFFFFF000  }
0x6f: {  	[spmem:s16] =	stream.linear.scatter [tilespmem:s26], [sflag:$0x3], $0x1000, $0x38;
	[tilespmem:$0x1C2D0] =	vst v63  }
0x70: {  	_ =	swait.ge [sflag:s28], $0x1000  }
0x71: {  	[sflag:s28] =	ssyncset.done $0x0  }
0x72: {  	s18 =	rddreg [dreg:$0x10];
	[sflag:s28] =	ssyncadd.s32 $0xFFFFF000  }
0x73: {  	[spmem:s18] =	stream.linear.scatter [tilespmem:s26], [sflag:$0x3], $0x1000, $0x38;
	[tilespmem:$0x1C2D0] =	vst v63  }
0x74: {  	_ =	swait.ge [sflag:s28], $0x1000  }
0x75: {  	[sflag:s28] =	ssyncset.done $0x0  }
0x76: {  	s19 =	rddreg [dreg:$0x11];
	[sflag:s28] =	ssyncadd.s32 $0xFFFFF000  }
0x77: {  	[spmem:s19] =	stream.linear.scatter [tilespmem:s26], [sflag:$0x3], $0x1000, $0x38;
	[tilespmem:$0x1C2D0] =	vst v63  }
0x78: {  	_ =	swait.ge [sflag:s28], $0x1000  }
0x79: {  	[sflag:s28] =	ssyncset.done $0x0  }
0x7a: {  	s20 =	rddreg [dreg:$0x12];
	[sflag:s28] =	ssyncadd.s32 $0xFFFFF000  }
0x7b: {  	[spmem:s20] =	stream.linear.scatter [tilespmem:s26], [sflag:$0x3], $0x1000, $0x38;
	[tilespmem:$0x1C2D0] =	vst v63  }
0x7c: {  	_ =	swait.ge [sflag:s28], $0x1000  }
0x7d: {  	[sflag:s28] =	ssyncset.done $0x0  }
0x7e: {  	[sflag:s28] =	ssyncadd.s32 $0xFFFFF000  }
0x7f: {  	[spmem:s24] =	stream.linear.scatter [tilespmem:s26], [sflag:$0x3], $0x1000, $0x38;
	[tilespmem:$0x1C2D0] =	vst v63  }
0x80: {  	_ =	swait.ge [sflag:s28], $0x1000  }
0x81: {  	[sflag:s28] =	ssyncset.done $0x0  }
0x82: {  	s12 =	simm.s32 $0x129B0;
	s21 =	rddreg [dreg:$0xa];
	[sflag:s28] =	ssyncadd.s32 $0xFFFFF000  }
0x83: {  	[spmem:s21] =	stream.linear.scatter [tilespmem:s12], [sflag:$0x3], $0x810, $0x38;
	[tilespmem:$0x1C2D0] =	vst v63  }
.Ltmp4:
0x84: {  	_ =	swait.ge [sflag:s28], $0x810;
	(pc) =	sbr.rel .LBB2_3-.Ltmp4, $4  }
0x85: {  	s22 =	sshll.u32 s10, $0xC;
	[sflag:s28] =	ssyncset.done $0x0;
	s23 =	rddreg [dreg:$0x9]  }
0x86: {  	s11 =	sor.u32 s23, s22;
	[sflag:s28] =	ssyncadd.s32 $0xFFFFF7F0  }
0x87: {  	s13 =	simm.s32 $0x0;
	[bflag:$0x0] =	sbarrier.arrive $0xFFFF;
	s12 =	sadd.s32 $0x800, s11  }
0x88: {  	s16 =	simm.s32 $0x0;
	s19 =	simm.s32 $0x0;
	v4 =	vmov s11;
	v5 =	vmov s12;
	s12 =	smov.u32 s15  }
.LBB2_8:
0x89: {  	[sflag:s28] =	ssyncadd.s32 $0xFFFFF800  }
.LBB2_9:
0x8a: {  	s20 =	sand.u32 $0x1, s19  }
0x8b: {  	s19 =	sshll.u32 s19, $0x7;
	p0 =	seq.s32 s20, $0x0  }
0x8c: {  	v6 =	vld @!p0 [tilespmem:s19+$0xFC0];
	_ =	sdelay $0x4  }
0x8d: {  	[tilespmem:$0x18B0] =	vst @!p0 v6  }
0x8e: {  	v6 =	vld @!p0 [tilespmem:s19+$0xFD0];
	_ =	sdelay $0x4  }
0x8f: {  	[tilespmem:$0x18C0] =	vst @!p0 v6  }
0x90: {  	v6 =	vld @!p0 [tilespmem:s19+$0xFE0];
	_ =	sdelay $0x4  }
0x91: {  	[tilespmem:$0x18D0] =	vst @!p0 v6  }
0x92: {  	v6 =	vld @!p0 [tilespmem:s19+$0xFF0];
	_ =	sdelay $0x4  }
0x93: {  	[tilespmem:$0x18E0] =	vst @!p0 v6  }
0x94: {  	v6 =	vld @!p0 [tilespmem:s19+$0x1000];
	_ =	sdelay $0x4  }
0x95: {  	[tilespmem:$0x18F0] =	vst @!p0 v6  }
0x96: {  	v6 =	vld @!p0 [tilespmem:s19+$0x1010];
	_ =	sdelay $0x4  }
0x97: {  	[tilespmem:$0x1900] =	vst @!p0 v6  }
0x98: {  	v6 =	vld @!p0 [tilespmem:s19+$0x1020];
	_ =	sdelay $0x4  }
0x99: {  	[tilespmem:$0x1910] =	vst @!p0 v6  }
0x9a: {  	v6 =	vld @!p0 [tilespmem:s19+$0x1030];
	_ =	sdelay $0x4  }
0x9b: {  	s20 =	sadd.s32 @!p0 $0x750, s19;
	s21 =	simm.s32 @!p0 $0x80;
	s22 =	simm.s32 @!p0 $0x19B0;
	[tilespmem:$0x1920] =	vst @!p0 v6  }
0x9c: {  	[tilespmem:s22], [sflag:$0x1] =	stream.indirect.gather @!p0 [hbm4b:s4+s21], $0x100, s20, s21, $0xb8;
	[tilespmem:$0x1C2D0] =	vst v63  }
0x9d: {  	s20 =	simm.s32 @!p0 $0x1  }
0x9e: {  	_ =	swait.ge @!p0 [sflag:s20], $0x8000  }
0x9f: {  	[sflag:s20] =	ssyncset.done @!p0 $0x0  }
0xa0: {  	[sflag:s20] =	ssyncadd.s32 @!p0 $0xFFFF8000;
	s20 =	simm.s32 @!p0 $0x18B0  }
0xa1: {  	[spmem:s1] =	stream.indirect.scatter.add.f32 @!p0 [tilespmem:s22], [sflag:$0x3], $0x100, s20, s21, $0xb8;
	[tilespmem:$0x1C2D0] =	vst v63  }
0xa2: {  	s22 =	simm.s32 @!p0 $0x3  }
0xa3: {  	_ =	swait.ge @!p0 [sflag:s22], $0x8000  }
0xa4: {  	[sflag:s22] =	ssyncset.done @!p0 $0x0  }
0xa5: {  	s23 =	simm.s32 @!p0 $0x131C0;
	[sflag:s22] =	ssyncadd.s32 @!p0 $0xFFFF8000  }
0xa6: {  	[spmem:s2] =	stream.indirect.scatter.add.f32 @!p0 [tilespmem:s23], [sflag:$0x3], $0x10, s20, s21, $0xb8;
	[tilespmem:$0x1C2D0] =	vst v63  }
0xa7: {  	_ =	swait.ge @!p0 [sflag:s22], $0x800  }
0xa8: {  	[sflag:s22] =	ssyncset.done @!p0 $0x0  }
0xa9: {  	[sflag:s22] =	ssyncadd.s32 @!p0 $0xFFFFF800  }
0xaa: {  	v6 =	vld [tilespmem:s19+$0x7D0]  }
0xab: {  	v7 =	vld [tilespmem:s19+$0x1040];
	_ =	sdelay $0x3  }
0xac: {  	[tilespmem:$0x7D0] =	vst v6  }
0xad: {  	[tilespmem:$0x1040] =	vst v7  }
0xae: {  	v6 =	vld [tilespmem:s19+$0x7E0]  }
0xaf: {  	v7 =	vld [tilespmem:s19+$0x1050];
	_ =	sdelay $0x3  }
0xb0: {  	[tilespmem:$0x7E0] =	vst v6  }
0xb1: {  	[tilespmem:$0x1050] =	vst v7  }
0xb2: {  	v6 =	vld [tilespmem:s19+$0x7F0]  }
0xb3: {  	v7 =	vld [tilespmem:s19+$0x1060];
	_ =	sdelay $0x3  }
0xb4: {  	[tilespmem:$0x7F0] =	vst v6  }
0xb5: {  	[tilespmem:$0x1060] =	vst v7  }
0xb6: {  	v6 =	vld [tilespmem:s19+$0x800]  }
0xb7: {  	v7 =	vld [tilespmem:s19+$0x1070];
	_ =	sdelay $0x3  }
0xb8: {  	[tilespmem:$0x800] =	vst v6  }
0xb9: {  	[tilespmem:$0x1070] =	vst v7  }
0xba: {  	v6 =	vld [tilespmem:s19+$0x810]  }
0xbb: {  	v7 =	vld [tilespmem:s19+$0x1080];
	_ =	sdelay $0x3  }
0xbc: {  	[tilespmem:$0x810] =	vst v6  }
0xbd: {  	[tilespmem:$0x1080] =	vst v7  }
0xbe: {  	v6 =	vld [tilespmem:s19+$0x820]  }
0xbf: {  	v7 =	vld [tilespmem:s19+$0x1090];
	_ =	sdelay $0x3  }
0xc0: {  	[tilespmem:$0x820] =	vst v6  }
0xc1: {  	[tilespmem:$0x1090] =	vst v7  }
0xc2: {  	v6 =	vld [tilespmem:s19+$0x830]  }
0xc3: {  	v7 =	vld [tilespmem:s19+$0x10A0];
	_ =	sdelay $0x3  }
0xc4: {  	[tilespmem:$0x830] =	vst v6  }
0xc5: {  	[tilespmem:$0x10A0] =	vst v7  }
0xc6: {  	s16 =	sadd.s32 $0x1, s16;
	v6 =	vld [tilespmem:s19+$0x840]  }
0xc7: {  	p0 =	sne.s32 s16, $0x19;
	v7 =	vld [tilespmem:s19+$0x10B0]  }
.Ltmp5:
0xc8: {  	_ = 	snop;
	(pc) =	sbr.rel @!p0 .LBB2_10-.Ltmp5, $3  }
0xc9: {  	_ =	sdelay $0x1  }
0xca: {  	[tilespmem:$0x840] =	vst v6  }
0xcb: {  	s12 =	sadd.s32 $0x7D0, s12;
	s19 =	ssub.s32 s18, s19;
	[tilespmem:$0x10B0] =	vst v7  }
.LBB2_3:
0xcc: {  	s18 =	smul.u32 $0x7D0, s16;
	_ =	sdelay $0x1  }
0xcd: {  	s18 =	sadd.s32 s15, s18  }
0xce: {  	s18 =	sshrl.u32 s18, $0x3  }
0xcf: {  	s18 =	sadd.s32 s5, s18  }
0xd0: {  	[tilespmem:s13], [sflag:$0x3] =	stream.linear.gather [hbm4b:s18+s13], $0x7D0, $0x38;
	[tilespmem:$0x1C2D0] =	vst v63  }
0xd1: {  	_ =	swait.ge [sflag:s28], $0x7D0  }
0xd2: {  	[sflag:s28] =	ssyncset.done $0x0  }
0xd3: {  	s23 =	simm.s32 $0x0;
	[sflag:s28] =	ssyncadd.s32 $0xFFFFF830  }
0xd4: {  	v6 =	vld [tilespmem:s23+$0x0];
	_ =	sdelay $0x4  }
0xd5: {  	vm0 =	vge.s32 v6, v4;
	vm1 =	vlt.s32 v6, v5  }
0xd6: {  	vm0 =	vmand vm0, vm1  }
0xd7: {  	v7 =	vsel vm0, $0x1, v1  }
0xd8: {  	(xrf0) =	vadd.scan.msk.s32 $0xffff, v7;
	_ =	sdelay $0x2  }
0xd9: {  	v7 =	vmov s19  }
0xda: {  	v7 =	vadd.s32 $0xFFFFFFFF, v7  }
0xdb: {  	v7 =	vbroadcast v7, $0x0  }
0xdc: {  	v8, _, _ =	vpop (xrf0)  }
0xdd: {  	v7 =	vadd.s32 v8, v7;
	(v2sf) =	vpush v8, $0xF  }
0xde: {  	v7 =	vsel vm0, v7, v2;
	_ =	sdelay $0x3  }
0xdf: {  	v9 =	vor.u32 s12, v0  }
0xe0: {  	v6 =	vsub.s32 v6, v4;
	[tilespmem:v7+s31+$0x0] =	vst.idx.msk $0xffff, v9  }
0xe1: {  	s21 =	simm.s32 $0x10;
	s20 =	smov.u32 s12;
	s18 =	simm.s32 $0x80;
	[tilespmem:v7+s0+$0x0] =	vst.idx.msk $0xffff, v6  }
.LBB2_4:
0xe2: {  	p0 =	sne.s32 s18, $0x1F00;
	v6 =	vld [tilespmem:s21+$0x0];
	_ =	sdelay $0x4  }
0xe3: {  	vm0 =	vge.s32 v6, v4;
	vm1 =	vlt.s32 v6, v5;
	v6 =	vsub.s32 v6, v4  }
0xe4: {  	vm0 =	vmand vm0, vm1  }
0xe5: {  	v7 =	vsel vm0, $0x1, v1;
	s21 =	spop (v2sf)  }
0xe6: {  	(xrf0) =	vadd.scan.msk.s32 $0xffff, v7;
	s19 =	sadd.s32 s19, s21  }
0xe7: {  	v7 =	vmov s19  }
0xe8: {  	v7 =	vadd.s32 $0xFFFFFFFF, v7  }
0xe9: {  	v7 =	vbroadcast v7, $0x0;
	_ =	sdelay $0x2  }
0xea: {  	v8, _, _ =	vpop (xrf0)  }
0xeb: {  	v7 =	vadd.s32 v8, v7;
	(v2sf) =	vpush v8, $0xF  }
0xec: {  	v7 =	vsel vm0, v7, v2;
	_ =	sdelay $0x1  }
.Ltmp6:
0xed: {  	(pc) =	sbr.rel @p0 .LBB2_4-.Ltmp6, $4  }
0xee: {  	s20 =	sadd.s32 $0x10, s20  }
0xef: {  	v8 =	vor.u32 s20, v0  }
0xf0: {  	[tilespmem:v7+s31+$0x0] =	vst.idx.msk $0xffff, v8  }
0xf1: {  	s21 =	sshra.s32 s18, $0x2;
	s18 =	sadd.s32 $0x40, s18;
	[tilespmem:v7+s0+$0x0] =	vst.idx.msk $0xffff, v6  }
0xf2: {  	v6 =	vld [tilespmem:s21+$0x0];
	_ =	sdelay $0x4  }
0xf3: {  	vm0 =	vge.s32 v6, v4;
	vm1 =	vlt.s32 v6, v5  }
0xf4: {  	vm0 =	vmand vm0, vm1  }
0xf5: {  	v7 =	vsel vm0, $0x1, v1  }
0xf6: {  	(xrf0) =	vadd.scan.msk.s32 $0xffff, v7;
	_ =	sdelay $0x5  }
0xf7: {  	v7, _, _ =	vpop (xrf0)  }
0xf8: {  	(v2sf) =	vpush v7, $0xF;
	_ =	sdelay $0xd  }
0xf9: {  	s18 =	spop (v2sf)  }
0xfa: {  	s19 =	sadd.s32 s19, s18;
	s22 =	spop (v2sf)  }
0xfb: {  	s18 =	sadd.s32 s19, s22  }
0xfc: {  	s23 =	sand.u32 $0x7F, s18  }
0xfd: {  	s22 =	sshra.s32 s18, $0x1F;
	p0 =	slt.s32 s18, $0x1;
	p1 =	sne.s32 s23, $0x0  }
0xfe: {  	s23 =	sshrl.u32 s22, $0x19;
	p0 =	por !p0, !p1  }
0xff: {  	s22 =	simm.s32 $0x1;
	s21 =	sadd.s32 s23, s18;
	p0 =	por !p0, !p0  }
0x100: {  	s21 =	sshra.s32 s21, $0x7;
	s22 =	simm.s32 @!p0 $0x0  }
0x101: {  	v8 =	vmov s19;
	s19 =	ssub.s32 s21, s22  }
0x102: {  	s22 =	sshrl.u32 s19, $0x1F  }
0x103: {  	s21 =	sadd.s32 s22, s19  }
0x104: {  	s23 =	sand.u32 $0xFFFFFFFE, s21  }
0x105: {  	v8 =	vadd.s32 $0xFFFFFFFF, v8;
	p5 =	slt.s32 s19, $0x1;
	p6 =	sne.s32 s19, s23  }
0x106: {  	v8 =	vbroadcast v8, $0x0;
	p0 =	por !p5, !p6  }
0x107: {  	s22 =	simm.s32 $0x1;
	p0 =	por !p0, !p0  }
0x108: {  	v7 =	vadd.s32 v7, v8;
	s21 =	sshra.s32 s21, $0x1;
	s22 =	simm.s32 @!p0 $0x0  }
0x109: {  	v7 =	vsel vm0, v7, v2;
	s22 =	ssub.s32 s21, s22  }
0x10a: {  	p0 =	slt.s32 s22, $0x1  }
.Ltmp7:
0x10b: {  	_ = 	snop;
	(pc) =	sbr.rel @p0 .LBB2_9-.Ltmp7, $4  }
0x10c: {  	s20 =	sadd.s32 $0x10, s20  }
0x10d: {  	v63 =	vor.u32 s20, v0  }
0x10e: {  	v6 =	vsub.s32 v6, v4;
	[tilespmem:v7+s31+$0x0] =	vst.idx.msk $0xffff, v63  }
0x10f: {  	[tilespmem:v7+s0+$0x0] =	vst.idx.msk $0xffff, v6  }
0x110: {  	s20 =	simm.s32 $0x10C0  }
0x111: {  	v6 =	vld [tilespmem:s20+$0xFFFFFF80];
	_ =	sdelay $0x4  }
0x112: {  	[tilespmem:$0x18B0] =	vst v6  }
0x113: {  	v6 =	vld [tilespmem:s20+$0xFFFFFF90];
	_ =	sdelay $0x4  }
0x114: {  	[tilespmem:$0x18C0] =	vst v6  }
0x115: {  	v6 =	vld [tilespmem:s20+$0xFFFFFFA0];
	_ =	sdelay $0x4  }
0x116: {  	[tilespmem:$0x18D0] =	vst v6  }
0x117: {  	v6 =	vld [tilespmem:s20+$0xFFFFFFB0];
	_ =	sdelay $0x4  }
0x118: {  	[tilespmem:$0x18E0] =	vst v6  }
0x119: {  	v6 =	vld [tilespmem:s20+$0xFFFFFFC0];
	_ =	sdelay $0x4  }
0x11a: {  	[tilespmem:$0x18F0] =	vst v6  }
0x11b: {  	v6 =	vld [tilespmem:s20+$0xFFFFFFD0];
	_ =	sdelay $0x4  }
0x11c: {  	[tilespmem:$0x1900] =	vst v6  }
0x11d: {  	v6 =	vld [tilespmem:s20+$0xFFFFFFE0];
	_ =	sdelay $0x4  }
0x11e: {  	[tilespmem:$0x1910] =	vst v6  }
0x11f: {  	v6 =	vld [tilespmem:s20+$0xFFFFFFF0];
	_ =	sdelay $0x4  }
0x120: {  	s21 =	simm.s32 $0x7D0;
	[tilespmem:$0x1920] =	vst v6  }
0x121: {  	[tilespmem:s9], [sflag:$0x1] =	stream.indirect.gather [hbm4b:s4+s8], $0x100, s21, s8, $0xb8;
	[tilespmem:$0x1C2D0] =	vst v63  }
0x122: {  	v6 =	vld [tilespmem:s20+$0x0];
	_ =	sdelay $0x4  }
0x123: {  	[tilespmem:$0x1930] =	vst v6  }
0x124: {  	v6 =	vld [tilespmem:s20+$0x10];
	_ =	sdelay $0x4  }
0x125: {  	[tilespmem:$0x1940] =	vst v6  }
0x126: {  	v6 =	vld [tilespmem:s20+$0x20];
	_ =	sdelay $0x4  }
0x127: {  	[tilespmem:$0x1950] =	vst v6  }
0x128: {  	v6 =	vld [tilespmem:s20+$0x30];
	_ =	sdelay $0x4  }
0x129: {  	[tilespmem:$0x1960] =	vst v6  }
0x12a: {  	v6 =	vld [tilespmem:s20+$0x40];
	_ =	sdelay $0x4  }
0x12b: {  	[tilespmem:$0x1970] =	vst v6  }
0x12c: {  	v6 =	vld [tilespmem:s20+$0x50];
	_ =	sdelay $0x4  }
0x12d: {  	[tilespmem:$0x1980] =	vst v6  }
0x12e: {  	v6 =	vld [tilespmem:s20+$0x60];
	_ =	sdelay $0x4  }
0x12f: {  	[tilespmem:$0x1990] =	vst v6  }
0x130: {  	v6 =	vld [tilespmem:s20+$0x70];
	_ =	sdelay $0x4  }
0x131: {  	s23 =	simm.s32 $0x850;
	[tilespmem:$0x19A0] =	vst v6  }
0x132: {  	[tilespmem:s17], [sflag:$0x2] =	stream.indirect.gather [hbm4b:s4+s8], $0x100, s23, s8, $0xb8;
	[tilespmem:$0x1C2D0] =	vst v63  }
0x133: {  	_ =	swait.ge [sflag:s6], $0x8000  }
0x134: {  	[sflag:s6] =	ssyncset.done $0x0  }
0x135: {  	[sflag:s6] =	ssyncadd.s32 $0xFFFF8000  }
0x136: {  	[spmem:s1] =	stream.indirect.scatter.add.f32 [tilespmem:s9], [sflag:$0x3], $0x100, s3, s8, $0xb8;
	[tilespmem:$0x1C2D0] =	vst v63  }
0x137: {  	_ =	swait.ge [sflag:s28], $0x8000  }
0x138: {  	[sflag:s28] =	ssyncset.done $0x0  }
0x139: {  	[sflag:s28] =	ssyncadd.s32 $0xFFFF8000  }
0x13a: {  	[spmem:s2] =	stream.indirect.scatter.add.f32 [tilespmem:s30], [sflag:$0x3], $0x10, s3, s8, $0xb8;
	[tilespmem:$0x1C2D0] =	vst v63  }
0x13b: {  	_ =	swait.ge [sflag:s28], $0x800  }
0x13c: {  	[sflag:s28] =	ssyncset.done $0x0  }
0x13d: {  	[sflag:s28] =	ssyncadd.s32 $0xFFFFF800  }
0x13e: {  	_ =	swait.ge [sflag:s7], $0x8000  }
0x13f: {  	[sflag:s7] =	ssyncset.done $0x0  }
0x140: {  	[sflag:s7] =	ssyncadd.s32 $0xFFFF8000  }
0x141: {  	[spmem:s1] =	stream.indirect.scatter.add.f32 [tilespmem:s17], [sflag:$0x3], $0x100, s29, s8, $0xb8;
	[tilespmem:$0x1C2D0] =	vst v63  }
0x142: {  	p0 =	sne.s32 s22, $0x1;
	_ =	swait.ge [sflag:s28], $0x8000  }
.Ltmp8:
0x143: {  	[sflag:s28] =	ssyncset.done $0x0;
	(pc) =	sbr.rel @!p0 .LBB2_8-.Ltmp8, $4  }
0x144: {  	[sflag:s28] =	ssyncadd.s32 $0xFFFF8000  }
0x145: {  	[spmem:s2] =	stream.indirect.scatter.add.f32 [tilespmem:s30], [sflag:$0x3], $0x10, s29, s8, $0xb8;
	[tilespmem:$0x1C2D0] =	vst v63  }
0x146: {  	_ =	swait.ge [sflag:s28], $0x800  }
0x147: {  	s22 =	sadd.s32 $0xFFFFFFFF, s22;
	[sflag:s28] =	ssyncset.done $0x0  }
.LBB2_7:
0x148: {  	[sflag:s28] =	ssyncadd.s32 $0xFFFFF800;
	s21 =	sadd.s32 $0x100, s21;
	s20 =	sadd.s32 $0x100, s20  }
0x149: {  	p0 =	sne.s32 s22, $0x1;
	s22 =	sadd.s32 $0xFFFFFFFF, s22;
	v6 =	vld [tilespmem:s20+$0xFFFFFF80];
	_ =	sdelay $0x4  }
0x14a: {  	[tilespmem:$0x18B0] =	vst v6  }
0x14b: {  	v6 =	vld [tilespmem:s20+$0xFFFFFF90];
	_ =	sdelay $0x4  }
0x14c: {  	[tilespmem:$0x18C0] =	vst v6  }
0x14d: {  	v6 =	vld [tilespmem:s20+$0xFFFFFFA0];
	_ =	sdelay $0x4  }
0x14e: {  	[tilespmem:$0x18D0] =	vst v6  }
0x14f: {  	v6 =	vld [tilespmem:s20+$0xFFFFFFB0];
	_ =	sdelay $0x4  }
0x150: {  	[tilespmem:$0x18E0] =	vst v6  }
0x151: {  	v6 =	vld [tilespmem:s20+$0xFFFFFFC0];
	_ =	sdelay $0x4  }
0x152: {  	[tilespmem:$0x18F0] =	vst v6  }
0x153: {  	v6 =	vld [tilespmem:s20+$0xFFFFFFD0];
	_ =	sdelay $0x4  }
0x154: {  	[tilespmem:$0x1900] =	vst v6  }
0x155: {  	v6 =	vld [tilespmem:s20+$0xFFFFFFE0];
	_ =	sdelay $0x4  }
0x156: {  	[tilespmem:$0x1910] =	vst v6  }
0x157: {  	v6 =	vld [tilespmem:s20+$0xFFFFFFF0];
	_ =	sdelay $0x4  }
0x158: {  	[tilespmem:$0x1920] =	vst v6  }
0x159: {  	[tilespmem:s9], [sflag:$0x1] =	stream.indirect.gather [hbm4b:s4+s8], $0x100, s21, s8, $0xb8;
	[tilespmem:$0x1C2D0] =	vst v63  }
0x15a: {  	v6 =	vld [tilespmem:s20+$0x0];
	_ =	sdelay $0x4  }
0x15b: {  	[tilespmem:$0x1930] =	vst v6  }
0x15c: {  	v6 =	vld [tilespmem:s20+$0x10];
	_ =	sdelay $0x4  }
0x15d: {  	[tilespmem:$0x1940] =	vst v6  }
0x15e: {  	v6 =	vld [tilespmem:s20+$0x20];
	_ =	sdelay $0x4  }
0x15f: {  	[tilespmem:$0x1950] =	vst v6  }
0x160: {  	v6 =	vld [tilespmem:s20+$0x30];
	_ =	sdelay $0x4  }
0x161: {  	[tilespmem:$0x1960] =	vst v6  }
0x162: {  	v6 =	vld [tilespmem:s20+$0x40];
	_ =	sdelay $0x4  }
0x163: {  	[tilespmem:$0x1970] =	vst v6  }
0x164: {  	v6 =	vld [tilespmem:s20+$0x50];
	_ =	sdelay $0x4  }
0x165: {  	[tilespmem:$0x1980] =	vst v6  }
0x166: {  	v6 =	vld [tilespmem:s20+$0x60];
	_ =	sdelay $0x4  }
0x167: {  	[tilespmem:$0x1990] =	vst v6  }
0x168: {  	v6 =	vld [tilespmem:s20+$0x70];
	_ =	sdelay $0x4  }
0x169: {  	s23 =	sadd.s32 $0x80, s21;
	[tilespmem:$0x19A0] =	vst v6  }
0x16a: {  	[tilespmem:s17], [sflag:$0x2] =	stream.indirect.gather [hbm4b:s4+s8], $0x100, s23, s8, $0xb8;
	[tilespmem:$0x1C2D0] =	vst v63  }
0x16b: {  	_ =	swait.ge [sflag:s6], $0x8000  }
0x16c: {  	[sflag:s6] =	ssyncset.done $0x0  }
0x16d: {  	[sflag:s6] =	ssyncadd.s32 $0xFFFF8000  }
0x16e: {  	[spmem:s1] =	stream.indirect.scatter.add.f32 [tilespmem:s9], [sflag:$0x3], $0x100, s3, s8, $0xb8;
	[tilespmem:$0x1C2D0] =	vst v63  }
0x16f: {  	_ =	swait.ge [sflag:s28], $0x8000  }
0x170: {  	[sflag:s28] =	ssyncset.done $0x0  }
0x171: {  	[sflag:s28] =	ssyncadd.s32 $0xFFFF8000  }
0x172: {  	[spmem:s2] =	stream.indirect.scatter.add.f32 [tilespmem:s30], [sflag:$0x3], $0x10, s3, s8, $0xb8;
	[tilespmem:$0x1C2D0] =	vst v63  }
0x173: {  	_ =	swait.ge [sflag:s28], $0x800  }
0x174: {  	[sflag:s28] =	ssyncset.done $0x0  }
0x175: {  	[sflag:s28] =	ssyncadd.s32 $0xFFFFF800  }
0x176: {  	_ =	swait.ge [sflag:s7], $0x8000  }
0x177: {  	[sflag:s7] =	ssyncset.done $0x0  }
0x178: {  	[sflag:s7] =	ssyncadd.s32 $0xFFFF8000  }
0x179: {  	[spmem:s1] =	stream.indirect.scatter.add.f32 [tilespmem:s17], [sflag:$0x3], $0x100, s29, s8, $0xb8;
	[tilespmem:$0x1C2D0] =	vst v63  }
0x17a: {  	_ =	swait.ge [sflag:s28], $0x8000  }
.Ltmp9:
0x17b: {  	[sflag:s28] =	ssyncset.done $0x0;
	(pc) =	sbr.rel @p0 .LBB2_7-.Ltmp9, $4  }
0x17c: {  	[sflag:s28] =	ssyncadd.s32 $0xFFFF8000  }
0x17d: {  	[spmem:s2] =	stream.indirect.scatter.add.f32 [tilespmem:s30], [sflag:$0x3], $0x10, s29, s8, $0xb8;
	[tilespmem:$0x1C2D0] =	vst v63  }
0x17e: {  	_ =	swait.ge [sflag:s28], $0x800  }
0x17f: {  	[sflag:s28] =	ssyncset.done $0x0  }
.Ltmp10:
0x180: {  	_ = 	snop;
	(pc) =	sbr.rel .LBB2_8-.Ltmp10, $1  }
0x181: {  	_ =	sdelay $0x3  }
.LBB2_12:
0x182: {  	_ =	sfence.sel $0x180000  }
0x183: {  	[bflag:$0x0] =	sbarrier.arrive $0xFFFF  }
0x184: {  	_ =	strace $0x9000004D  }
0x185: {  	s0 =	stileid.u32;
	[bflag:$0x2] =	sbarrier.arrive $0xFFFF  }
0x186: {  	p0 =	sne.s32 s0, $0x0;
	s0 =	rddreg [dreg:$0x3]  }
0x187: {  	s0 =	sadd.s32 @!p0 $0x100000, s0  }
0x188: {  	[sflag:s0] =	ssyncadd.tile.s32 @!p0 $0x1;
	_ =	shalt  }
.Lfunc_end2:
_tile_overlayer_lowered:
.L_overlay_start_2:
0x189: {  	(tag) =	ssettag $0x2  }
0x18a: {  	s0 =	rddreg [dreg:$0x0];
	s2 =	stileid.u32  }
0x18b: {  	s1 =	rddreg [dreg:$0x1];
	p0 =	sne.s32 s2, $0x0  }
0x18c: {  	s3 =	rddreg [dreg:$0x2];
	[bflag:$0x3] =	sbarrier.arrive $0xFFFF;
	s2 =	simm.s32 @!p0 $0x1C03  }
0x18d: {  	[timem:s3], [sflag:s2] =	dma.local @!p0 [hbm:s0], s1  }
0x18e: {  	s0 =	simm.s32 @!p0 $0x3  }
0x18f: {  	_ =	swait.ge @!p0 [sflag:s0], s1  }
0x190: {  	s1 =	ssub.s32 @!p0 $0x0, s1;
	[sflag:s0] =	ssyncset.done @!p0 $0x0  }
0x191: {  	[sflag:s0] =	ssyncadd.s32 @!p0 s1  }
0x192: {  	[bflag:$0x3] =	sbarrier.arrive $0xFFFF  }
0x193: {  	_ =	shalt  }

// kernel: sparse-core-data-format-call.cloned.1.call-start
scs
called_computation_lowered:
.L_overlay_start_0:
0x0: {  	s1 =	sld [smem:$0x3FD9]  }
0x1: {  	s2 =	sld [smem:$0x3FFE];
	_ =	sdelay $0x1  }
0x2: {  	s3 =	srdreg.scid  }
0x3: {  	s0 =	sand.u32 $0x1, s3  }
0x4: {  	s17 =	sshll.u32 s0, $0xA;
	s1 =	sadd.s32 s2, s1  }
0x5: {  	s1 =	sadd.s32 s1, s17  }
0x6: {  	[smem:$0x3FA5] =	sst s1  }
0x7: {  	_ = 	snop  }
0x8: {  	(tm) =	ssettm $0x1  }
0x9: {  	s18 =	sld [smem:$0x3FFB];
	_ =	sdelay $0x3  }
0xa: {  	_ =	strace s18  }
0xb: {  	s1 =	sld [smem:$0x3FFC];
	_ =	sdelay $0x3  }
0xc: {  	_ =	strace s1  }
0xd: {  	s1 =	sld [smem:$0x3FFD];
	_ =	sdelay $0x3  }
0xe: {  	_ =	strace s1  }
0xf: {  	_ =	strace $0x8FFFFFFF  }
0x10: {  	s19 =	sld [smem:$0x3FDB];
	_ =	sdelay $0x1  }
0x11: {  	s20 =	simm.s32 $_scs_section_size  }
0x12: {  	s4 =	simm.s32 $_size__tile_overlayer_lowered;
	s5 =	simm.s32 $_tile_overlayer_lowered  }
0x13: {  	s23 =	simm.s32 $0x1BFF;
	s22 =	sshll.u32 s5, $0x1;
	s1 =	sadd.s32 s20, s19  }
0x14: {  	s6 =	simm.s32 $0x0;
	s21 =	sshll.u32 s4, $0x1;
	s4 =	sadd.s32 s22, s1  }
0x15: {  	[timem:s6], [sflag:s23] =	dma.local [hbm:s4], s21  }
0x16: {  	_ =	swait.ge [sflag:s23], s21  }
0x17: {  	s2 =	ssub.s32 $0x0, s21;
	[sflag:s23] =	ssyncset.done $0x0  }
0x18: {  	[sflag:s23] =	ssyncadd.s32 s2;
	_ =	sdelay $0x1  }
0x19: {  	s24 =	simm.s32 $0x1B8B  }
0x1a: {  	_ =	swait.ge [sflag:s24], $0x1  }
0x1b: {  	[sflag:s24] =	ssyncset.done $0x0  }
0x1c: {  	s26 =	simm.s32 $0x1B8E;
	s25 =	sld [smem:$0x3FFE];
	[sflag:s24] =	ssyncadd.s32 $0xFFFFFFFF  }
0x1d: {  	s27 =	simm.s32 $execute0_lowered;
	[smem:$0x3FD2] =	sst s26  }
0x1e: {  	s4 =	sshll.u32 s27, $0x1;
	_ =	strace $0x80000049;
	[dreg:$0x1] =	wrdreg $0xFFFFFFFF  }
0x1f: {  	s28 =	simm.s32 $_size_execute0_lowered;
	s1 =	sadd.s32 s1, s4;
	[dreg:$0x0] =	wrdreg $0x0  }
0x20: {  	s4 =	sshll.u32 s28, $0x1;
	[dreg:$0x2] =	wrdreg s1  }
0x21: {  	[dreg:$0x3] =	wrdreg s4  }
0x22: {  	[dreg:$0x4] =	wrdreg $0xC0  }
0x23: {  	_ =	task [dreg:s6], $0x5FFFF  }
0x24: {  	[dreg:$0x1] =	wrdreg $0xFFFFFFFF  }
0x25: {  	[dreg:$0x0] =	wrdreg $0x60  }
0x26: {  	[dreg:$0x2] =	wrdreg s25  }
0x27: {  	[dreg:$0x3] =	wrdreg $0x9  }
0x28: {  	_ =	task.clear_ibuf [dreg:s6], $0x4FFFF;
	_ =	strace $0x90000049  }
0x29: {  	s29 =	simm.s32 $0x9;
	_ =	strace $0x8000004B  }
0x2a: {  	_ =	swait.ge [sflag:s29], $0x1  }
0x2b: {  	[sflag:s29] =	ssyncadd.s32 $0xFFFFFFFF  }
0x2c: {  	_ =	strace $0x9000004B  }
0x2d: {  	_ =	sfence  }
0x2e: {  	s30 =	sld [smem:$0x0];
	_ =	sdelay $0x2  }
0x2f: {  	s31 =	sshll.u32 s3, $0xD;
	s3 =	sshrl.u32 s3, $0x2  }
0x30: {  	s2 =	sand.u32 $0x4000, s31;
	s1 =	sadd.s32 s3, s30  }
0x31: {  	s0 =	sor.u32 s2, s0;
	s1 =	sshll.u32 s1, $0x11  }
0x32: {  	s0 =	sor.u32 s1, s0  }
0x33: {  	s0 =	sadd.s32 $0x8F2B, s0  }
0x34: {  	[sflag:s0] =	ssyncadd.remote.s32 $0x1  }
0x35: {  	_ =	sfence.sel $0xFFFF  }
0x36: {  	[dreg:$0x0] =	wrdreg $0xFFFFFFFF;
	(pc) =	sbr.abs _section_cstart, $3  }
0x37: {  	[dreg:$0x1] =	wrdreg $0xFFFFFFFF  }
0x38: {  	_ =	task.clear_ibuf [dreg:s6], $0x2FFFF;
	_ =	strace $0x9FFFFFFF  }
0x39: {  	(tm) =	ssettm $0x7FFFFFFF  }
tec
execute0_lowered:
.L_overlay_start_1:
0x0: {  	(tag) =	ssettag $0x1  }
0x1: {  	s0 =	srdreg.scid  }
0x2: {  	s1 =	sshll.u32 s0, $0x4  }
0x3: {  	s4 =	rddreg [dreg:$0x0];
	s0 =	stileid.u32;
	s1 =	sand.u32 $0x10, s1  }
0x4: {  	s7 =	simm.s32 $0x1;
	s8 =	simm.s32 $0x2;
	s1 =	sor.u32 s0, s1  }
0x5: {  	s9 =	simm.s32 $0x0;
	s12 =	simm.s32 $0x0;
	s2 =	sshll.u32 s1, $0x3  }
0x6: {  	s11 =	simm.s32 $0x0;
	s3 =	sadd.s32 $0xFD200, s4;
	s6 =	ssub.s32 $0x186A0, s2  }
.Ltmp0:
0x7: {  	s4 =	sadd.s32 $0x1967E00, s4;
	s5 =	sand.u32 $0xF8, s6;
	(pc) =	sbr.rel .LBB1_1-.Ltmp0, $4  }
0x8: {  	s1 =	rddreg [dreg:$0x1];
	_ =	strace $0x8000004A;
	p0 =	sne.s32 s5, $0x0  }
0x9: {  	s6 =	sshrl.u32 s6, $0x8;
	s5 =	simm.s32 $0x1;
	s7 =	simm.s32 @!p0 $0x0  }
0xa: {  	s10 =	smov.u32 s2;
	[sflag:s5] =	ssyncpa.u1 $0x0;
	s6 =	sadd.s32 s7, s6  }
0xb: {  	[sflag:s8] =	ssyncpa.u1 $0x0;
	s8 =	simm.s32 $0x0;
	s7 =	sadd.s32 $0x1, s6  }
.LBB1_9:
0xc: {  	s14 =	sadd.s32 $0x100, s10  }
0xd: {  	p1 =	sgt.s32 s14, $0x1869F  }
0xe: {  	s14 =	smov.u32 @p1 s2;
	p1 =	sne.s32 s11, s7  }
.Ltmp1:
0xf: {  	p0 =	slt.u32 s11, $0x2;
	(pc) =	sbr.rel @!p1 .LBB1_10-.Ltmp1, $4  }
0x10: {  	s13 =	simm.s32 @!p0 $0x2  }
0x11: {  	s15 =	sadd.s32 $0x1, s11;
	_ =	swait.ge @!p0 [sflag:s13], $0x4000  }
0x12: {  	s12 =	smov.u32 s10;
	s9 =	sadd.s32 $0x4000, s9;
	[sflag:s13] =	ssyncset.done @!p0 $0x0  }
0x13: {  	s11 =	smov.u32 s15;
	s10 =	smov.u32 s14;
	[sflag:s13] =	ssyncadd.s32 @!p0 $0xFFFFC000  }
.LBB1_1:
0x14: {  	p0 =	sge.u32 s11, s6  }
0x15: {  	s13 =	sxor.u32 @!p0 $0xFFFFFFFF, s11  }
0x16: {  	s31 =	sadd.s32 $0xFFFFFFFF, s11;
	s14 =	sshll.u32 @!p0 s10, $0x8;
	s13 =	sshll.u32 @!p0 s13, $0xE  }
0x17: {  	s15 =	simm.s32 @!p0 $0x0;
	s14 =	sadd.s32 @!p0 s3, s14;
	s13 =	sand.u32 @!p0 $0x4000, s13  }
0x18: {  	[tilespmem:s13], [sflag:$0x1] =	stream.linear.gather @!p0 [hbm4b:s14+s15], $0x4000, $0x38;
	[tilespmem:$0x10000] =	vst v63  }
0x19: {  	p0 =	sge.u32 s31, s6  }
.Ltmp2:
0x1a: {  	_ = 	snop;
	(pc) =	sbr.rel @p0 .LBB1_9-.Ltmp2, $1  }
0x1b: {  	_ =	sdelay $0x3  }
0x1c: {  	s13 =	sshll.u32 s9, $0x2;
	_ =	swait.ge [sflag:s5], $0x4000;
	s14 =	sshll.u32 s11, $0xE  }
0x1d: {  	s16 =	simm.s32 $0x0;
	s17 =	simm.s32 $0x0;
	s15 =	sand.u32 $0x10000, s13  }
0x1e: {  	[sflag:s5] =	ssyncset.done $0x0;
	s31 =	sand.u32 $0x4000, s14;
	s14 =	sshrl.u32 s15, $0x2  }
0x1f: {  	[sflag:s5] =	ssyncadd.s32 $0xFFFFC000;
	s13 =	sor.u32 $0x8000, s31;
	s15 =	sor.u32 $0x8000, s14  }
.LBB1_3:
0x20: {  	s18 =	sshra.s32 s16, $0x2  }
0x21: {  	v0 =	vmov s18;
	_ =	sdelay $0x3  }
0x22: {  	p1 =	por $0x1, $0x1;
	s18 =	simm.s32 $0x0  }
.LBB1_4:
0x23: {  	_ = 	snop  }
0x24: {  	s19 =	sshll.u32 s18, $0xA  }
0x25: {  	s19 =	sand.u32 $0x3FFFFC00, s19  }
0x26: {  	s19 =	sadd.s32 s19, s14  }
0x27: {  	v5 =	vld.idx.msk [tilespmem:v0+s19+$0x70 ss:$0x1], $0xffff  }
0x28: {  	v6 =	vld.idx.msk [tilespmem:v0+s19+$0x10 ss:$0x1], $0xffff  }
0x29: {  	v7 =	vld.idx.msk [tilespmem:v0+s19+$0x20 ss:$0x1], $0xffff  }
0x2a: {  	s31 =	sshll.u32 s18, $0x7;
	v1 =	vld.idx.msk [tilespmem:v0+s19+$0x30 ss:$0x1], $0xffff  }
0x2b: {  	s18 =	sand.u32 $0x3FFFFF80, s31;
	v2 =	vld.idx.msk [tilespmem:v0+s19+$0x40 ss:$0x1], $0xffff  }
0x2c: {  	s18 =	sadd.s32 s18, s15;
	v3 =	vld.idx.msk [tilespmem:v0+s19+$0x50 ss:$0x1], $0xffff  }
0x2d: {  	v4 =	vld.idx.msk [tilespmem:v0+s19+$0x60 ss:$0x1], $0xffff;
	[tilespmem:v0+s18+$0x70 ss:$0x1] =	vst.idx.msk $0xffff, v5  }
0x2e: {  	v5 =	vld.idx.msk [tilespmem:v0+s19+$0x0 ss:$0x1], $0xffff;
	[tilespmem:v0+s18+$0x10 ss:$0x1] =	vst.idx.msk $0xffff, v6;
	s19 =	sadd.s32 $0x80, s19  }
0x2f: {  	p0 =	por p1, p1;
	s20 =	simm.s32 $0x6;
	[tilespmem:v0+s18+$0x20 ss:$0x1] =	vst.idx.msk $0xffff, v7;
	v6 =	vld.idx.msk [tilespmem:v0+s19+$0x70 ss:$0x1], $0xffff  }
.LBB1_5:
0x30: {  	p1 =	sne.s32 s20, $0x1;
	v7 =	vld.idx.msk [tilespmem:v0+s19+$0x10 ss:$0x1], $0xffff;
	[tilespmem:v0+s18+$0x30 ss:$0x1] =	vst.idx.msk $0xffff, v1  }
0x31: {  	v8 =	vld.idx.msk [tilespmem:v0+s19+$0x20 ss:$0x1], $0xffff;
	[tilespmem:v0+s18+$0x40 ss:$0x1] =	vst.idx.msk $0xffff, v2  }
0x32: {  	v1 =	vld.idx.msk [tilespmem:v0+s19+$0x30 ss:$0x1], $0xffff;
	[tilespmem:v0+s18+$0x50 ss:$0x1] =	vst.idx.msk $0xffff, v3  }
.Ltmp3:
0x33: {  	v2 =	vld.idx.msk [tilespmem:v0+s19+$0x40 ss:$0x1], $0xffff;
	[tilespmem:v0+s18+$0x60 ss:$0x1] =	vst.idx.msk $0xffff, v4;
	(pc) =	sbr.rel @p1 .LBB1_5-.Ltmp3, $4  }
0x34: {  	v3 =	vld.idx.msk [tilespmem:v0+s19+$0x50 ss:$0x1], $0xffff;
	[tilespmem:v0+s18+$0x0 ss:$0x1] =	vst.idx.msk $0xffff, v5;
	s18 =	sadd.s32 $0x100, s18  }
0x35: {  	v4 =	vld.idx.msk [tilespmem:v0+s19+$0x60 ss:$0x1], $0xffff;
	[tilespmem:v0+s18+$0x70 ss:$0x1] =	vst.idx.msk $0xffff, v6  }
0x36: {  	v5 =	vld.idx.msk [tilespmem:v0+s19+$0x0 ss:$0x1], $0xffff;
	[tilespmem:v0+s18+$0x10 ss:$0x1] =	vst.idx.msk $0xffff, v7;
	s19 =	sadd.s32 $0x80, s19  }
0x37: {  	s20 =	sadd.s32 $0xFFFFFFFF, s20;
	v6 =	vld.idx.msk [tilespmem:v0+s19+$0x70 ss:$0x1], $0xffff;
	[tilespmem:v0+s18+$0x20 ss:$0x1] =	vst.idx.msk $0xffff, v8  }
0x38: {  	_ =	sdelay $0x3  }
0x39: {  	[tilespmem:v0+s18+$0x30 ss:$0x1] =	vst.idx.msk $0xffff, v1  }
0x3a: {  	v1 =	vld.idx.msk [tilespmem:v0+s19+$0x10 ss:$0x1], $0xffff;
	[tilespmem:v0+s18+$0x40 ss:$0x1] =	vst.idx.msk $0xffff, v2  }
0x3b: {  	v2 =	vld.idx.msk [tilespmem:v0+s19+$0x20 ss:$0x1], $0xffff;
	[tilespmem:v0+s18+$0x50 ss:$0x1] =	vst.idx.msk $0xffff, v3  }
0x3c: {  	v61 =	vld.idx.msk [tilespmem:v0+s19+$0x40 ss:$0x1], $0xffff;
	[tilespmem:v0+s18+$0x60 ss:$0x1] =	vst.idx.msk $0xffff, v4  }
0x3d: {  	s31 =	sadd.s32 $0x100, s18;
	v62 =	vld.idx.msk [tilespmem:v0+s19+$0x50 ss:$0x1], $0xffff;
	[tilespmem:v0+s18+$0x0 ss:$0x1] =	vst.idx.msk $0xffff, v5  }
0x3e: {  	v63 =	vld.idx.msk [tilespmem:v0+s19+$0x60 ss:$0x1], $0xffff;
	[tilespmem:v0+s31+$0x70 ss:$0x1] =	vst.idx.msk $0xffff, v6  }
0x3f: {  	v3 =	vld.idx.msk [tilespmem:v0+s19+$0x30 ss:$0x1], $0xffff;
	[tilespmem:v0+s31+$0x10 ss:$0x1] =	vst.idx.msk $0xffff, v1  }
0x40: {  	v1 =	vld.idx.msk [tilespmem:v0+s19+$0x0 ss:$0x1], $0xffff;
	[tilespmem:v0+s31+$0x20 ss:$0x1] =	vst.idx.msk $0xffff, v2  }
.Ltmp4:
0x41: {  	[tilespmem:v0+s31+$0x40 ss:$0x1] =	vst.idx.msk $0xffff, v61;
	(pc) =	sbr.rel @p0 .LBB1_4-.Ltmp4, $4  }
0x42: {  	[tilespmem:v0+s31+$0x50 ss:$0x1] =	vst.idx.msk $0xffff, v62  }
0x43: {  	[tilespmem:v0+s31+$0x60 ss:$0x1] =	vst.idx.msk $0xffff, v63  }
0x44: {  	[tilespmem:v0+s31+$0x30 ss:$0x1] =	vst.idx.msk $0xffff, v3  }
0x45: {  	p1 =	por $0x0, $0x0;
	s18 =	simm.s32 $0x1;
	[tilespmem:v0+s31+$0x0 ss:$0x1] =	vst.idx.msk $0xffff, v1  }
0x46: {  	s17 =	sadd.s32 $0x1, s17  }
0x47: {  	p0 =	sne.s32 s17, $0x8  }
.Ltmp5:
0x48: {  	_ = 	snop;
	(pc) =	sbr.rel @p0 .LBB1_3-.Ltmp5, $2  }
0x49: {  	_ =	sdelay $0x2  }
0x4a: {  	s16 =	sadd.s32 $0x2000, s16  }
.Ltmp6:
0x4b: {  	(pc) =	sbr.rel .LBB1_9-.Ltmp6, $4  }
0x4c: {  	_ = 	snop  }
0x4d: {  	s12 =	sshll.u32 s12, $0x8  }
0x4e: {  	s12 =	sadd.s32 s4, s12  }
0x4f: {  	[hbm4b:s12+s8] =	stream.linear.scatter [tilespmem:s13], [sflag:$0x2], $0x4000, $0x38;
	[tilespmem:$0x10000] =	vst v63  }
.LBB1_10:
0x50: {  	_ =	sfence.sel $0x180000  }
0x51: {  	s2 =	simm.s32 $0x1;
	[bflag:$0x0] =	sbarrier.arrive $0xFFFF  }
0x52: {  	s31 =	simm.s32 $0x2;
	[sflag:s2] =	ssyncpa.u1 $0x1  }
0x53: {  	[sflag:s31] =	ssyncpa.u1 $0x1  }
0x54: {  	p0 =	sne.s32 s0, $0x0;
	_ =	strace $0x9000004A  }
0x55: {  	s0 =	sadd.s32 @!p0 $0x100000, s1;
	[bflag:$0x2] =	sbarrier.arrive $0xFFFF  }
0x56: {  	[sflag:s0] =	ssyncadd.tile.s32 @!p0 $0x1;
	_ =	shalt  }
.Lfunc_end1:
_tile_overlayer_lowered:
.L_overlay_start_2:
0x57: {  	(tag) =	ssettag $0x2  }
0x58: {  	s0 =	rddreg [dreg:$0x0];
	s2 =	stileid.u32  }
0x59: {  	s1 =	rddreg [dreg:$0x1];
	p0 =	sne.s32 s2, $0x0  }
0x5a: {  	s3 =	rddreg [dreg:$0x2];
	[bflag:$0x3] =	sbarrier.arrive $0xFFFF;
	s2 =	simm.s32 @!p0 $0x1C01  }
0x5b: {  	[timem:s3], [sflag:s2] =	dma.local @!p0 [hbm:s0], s1  }
0x5c: {  	s0 =	simm.s32 @!p0 $0x1  }
0x5d: {  	_ =	swait.ge @!p0 [sflag:s0], s1  }
0x5e: {  	s1 =	ssub.s32 @!p0 $0x0, s1;
	[sflag:s0] =	ssyncset.done @!p0 $0x0  }
0x5f: {  	[sflag:s0] =	ssyncadd.s32 @!p0 s1  }
0x60: {  	[bflag:$0x3] =	sbarrier.arrive $0xFFFF  }
0x61: {  	_ =	shalt  }

</sc_bundles>
